<compile_context>
chip_gen: v7x
topology: tpu7x:2x2x1
jax: 0.10.2.dev20260603
libtpu: 0.0.44.dev20260713+nightly
codegen_flags: <defaults>
</compile_context>

<pallas_src>
import jax
import jax.numpy as jnp
from jax import lax
from jax.experimental import pallas as pl
from jax.experimental.pallas import tpu as pltpu
from jax.experimental.pallas import tpu_sc as plsc

N1 = 50000
NG = 50000
NTOT = N1 + NG
E1 = 160000
E2 = 160000
EW = E1 + E2
ETOT = 2 * EW
D = 64
PI = 3.14159265
LN2 = 0.6931471805599453

NTILES = 32
EPT = ETOT // NTILES
STG = 2000
NSTG = EPT // STG
CHUNK = 8192
NCHUNK = 13
CSHIFT = 13
NPAD = NCHUNK * CHUNK
K = 128
BROWS = (EPT + NCHUNK * (K - 1) + K - 1) // K
ROWS_PER_TILE = CHUNK // 16


def _ss(h):
    return jnp.log(jnp.exp(h) + 1.0) - LN2


def _lin1_body(a_ref, b_ref, w_ref, bias_ref, o_ref):
    i = pl.program_id(0)
    nb = pl.num_programs(0) // 2

    @pl.when(i < nb)
    def _():
        o_ref[...] = (
            jnp.dot(a_ref[...], w_ref[...], preferred_element_type=jnp.float32)
            + bias_ref[...]
        )

    @pl.when(i >= nb)
    def _():
        o_ref[...] = (
            jnp.dot(b_ref[...], w_ref[...], preferred_element_type=jnp.float32)
            + bias_ref[...]
        )


def _lin1(nf, nfg, W1, b1):
    blk = 1000
    nb = N1 // blk
    return pl.pallas_call(
        _lin1_body,
        grid=(2 * nb,),
        in_specs=[
            pl.BlockSpec((blk, D), lambda i: (jnp.minimum(i, nb - 1), 0)),
            pl.BlockSpec((blk, D), lambda i: (jnp.maximum(i - nb, 0), 0)),
            pl.BlockSpec((D, D), lambda i: (0, 0)),
            pl.BlockSpec((1, D), lambda i: (0, 0)),
        ],
        out_specs=pl.BlockSpec((blk, D), lambda i: (i, 0)),
        out_shape=jax.ShapeDtypeStruct((NTOT, D), jnp.float32),
    )(nf, nfg, W1, b1.reshape(1, D))


_FBLK = 1280
_FGRID = E1 // _FBLK


def _filt_body(r1_ref, r2_ref, e1_ref, e2_ref, w1t_ref, b1_ref, w2_ref,
               b2_ref, o_ref):
    i = pl.program_id(0)

    def compute(rref, eref):
        h = lax.dot_general(rref[...], w1t_ref[...], (((0,), (1,)), ((), ())),
                            preferred_element_type=jnp.float32)
        h = _ss(h + b1_ref[...])
        h = jnp.dot(h, w2_ref[...], preferred_element_type=jnp.float32)
        h = _ss(h + b2_ref[...])
        o_ref[...] = h * eref[...]

    @pl.when(i < _FGRID)
    def _():
        compute(r1_ref, e1_ref)

    @pl.when(i >= _FGRID)
    def _():
        compute(r2_ref, e2_ref)


def _filters(rbf1_t, rbf2_t, env1, env2, fgW1_t, fgb1, fgW2, fgb2):
    R = rbf1_t.shape[0]
    return pl.pallas_call(
        _filt_body,
        grid=(2 * _FGRID,),
        in_specs=[
            pl.BlockSpec((R, _FBLK), lambda i: (0, jnp.minimum(i, _FGRID - 1))),
            pl.BlockSpec((R, _FBLK), lambda i: (0, jnp.maximum(i - _FGRID, 0))),
            pl.BlockSpec((_FBLK, 1), lambda i: (jnp.minimum(i, _FGRID - 1), 0)),
            pl.BlockSpec((_FBLK, 1), lambda i: (jnp.maximum(i - _FGRID, 0), 0)),
            pl.BlockSpec((D, R), lambda i: (0, 0)),
            pl.BlockSpec((1, D), lambda i: (0, 0)),
            pl.BlockSpec((D, D), lambda i: (0, 0)),
            pl.BlockSpec((1, D), lambda i: (0, 0)),
        ],
        out_specs=pl.BlockSpec((_FBLK, D), lambda i: (i, 0)),
        out_shape=jax.ShapeDtypeStruct((EW, D), jnp.float32),
    )(rbf1_t, rbf2_t, env1, env2, fgW1_t, fgb1.reshape(1, D), fgW2,
      fgb2.reshape(1, D))


def _sc_body(dst_hbm, src_hbm, x_hbm, w_hbm, out_hbm,
             dstg, srcg, counts, fill, bk_sd, bk_wid,
             idx0, idx1, dtmp, dtmp1, xbuf, wbuf, xbuf1, wbuf1, zbuf, accsh,
             pstarts, semx, semw, semx1, semw1, sems, sems1):
    cid = lax.axis_index("c")
    sid = lax.axis_index("s")
    wrk = cid * 16 + sid
    slab = wrk * EPT
    iota = lax.iota(jnp.int32, 16)
    ones = jnp.ones((16,), jnp.int32)
    zeros16 = jnp.zeros((16,), jnp.int32)

    for q in range(16):
        counts[pl.ds(q * 16, 16)] = zeros16

    def _zb(r, carry):
        for q in range(4):
            zbuf[r, pl.ds(q * 16, 16)] = jnp.zeros((16,), jnp.float32)
        return carry

    lax.fori_loop(0, K, _zb, 0)

    def _p1_outer(i, carry):
        pltpu.sync_copy(dst_hbm.at[pl.ds(slab + i * STG, STG)], dstg)

        def _p1_inner(j, c2):
            d = dstg[pl.ds(j * 16, 16)]
            c = lax.shift_right_logical(d, CSHIFT)
            plsc.addupdate_scatter(counts, [c * 16 + iota], ones)
            return c2

        lax.fori_loop(0, STG // 16, _p1_inner, 0)
        return carry

    lax.fori_loop(0, NSTG, _p1_outer, 0)

    def _pf(c, pstart):
        cntv = counts[pl.ds(c * 16, 16)]
        inc = plsc.cumsum(cntv)
        fill[pl.ds(c * 16, 16)] = pstart + (inc - cntv)
        pstarts[c] = pstart
        total = jnp.sum(cntv)
        return (pstart + total + (K - 1)) & (-K)

    pend = lax.fori_loop(0, NCHUNK, _pf, jnp.int32(0))
    pstarts[NCHUNK] = pend

    sent_d = jnp.full((16,), CHUNK, jnp.int32)

    def _sent(r, carry):
        for q in range(K // 16):
            sl = pl.ds(q * 16, 16)
            bk_sd[r, sl] = sent_d
            bk_wid[r, sl] = zeros16
        return carry

    lax.fori_loop(0, BROWS, _sent, 0)

    def _p2_outer(i, carry):
        base = slab + i * STG
        pltpu.sync_copy(dst_hbm.at[pl.ds(base, STG)], dstg)
        pltpu.sync_copy(src_hbm.at[pl.ds(base, STG)], srcg)

        def _p2_inner(j, c2):
            d = dstg[pl.ds(j * 16, 16)]
            s = srcg[pl.ds(j * 16, 16)]
            c = lax.shift_right_logical(d, CSHIFT)
            dloc = d & jnp.int32(CHUNK - 1)
            eid = base + j * 16 + iota
            wid = jnp.where(eid >= EW, eid - EW, eid)
            ci = c * 16 + iota
            pos = plsc.load_gather(fill, [ci])
            pr = lax.shift_right_logical(pos, 7)
            pc = pos & jnp.int32(K - 1)
            plsc.store_scatter(bk_sd, [pr, pc], s * jnp.int32(16384) + dloc)
            plsc.store_scatter(bk_wid, [pr, pc], wid)
            plsc.addupdate_scatter(fill, [ci], ones)
            return c2

        lax.fori_loop(0, STG // 16, _p2_inner, 0)
        return carry

    lax.fori_loop(0, NSTG, _p2_outer, 0)

    rows0 = sid * ROWS_PER_TILE
    for z in range(ROWS_PER_TILE // K):
        pltpu.sync_copy(zbuf, accsh.at[pl.ds(rows0 + z * K, K)])
    plsc.subcore_barrier()

    def _issue(row, xb, wb, idx, sx, sw):
        for q in range(K // 16):
            sl = pl.ds(q * 16, 16)
            idx[sl] = lax.shift_right_logical(bk_sd[row, sl], 14)
        pltpu.async_copy(x_hbm.at[idx], xb, sx)
        pltpu.async_copy(w_hbm.at[bk_wid.at[row]], wb, sw)

    def _drain(row, xb, wb, idx, sx, sw):
        pltpu.make_async_copy(x_hbm.at[idx], xb, sx).wait()
        pltpu.make_async_copy(w_hbm.at[bk_wid.at[row]], wb, sw).wait()

    def _mulblk(xb, wb):
        def _mul(r, c3):
            for q in range(4):
                sl = pl.ds(q * 16, 16)
                xb[r, sl] = xb[r, sl] * wb[r, sl]
            return c3

        lax.fori_loop(0, 1, _mul, 0)

    def _scat(row, xb, dt):
        for q in range(K // 16):
            sl = pl.ds(q * 16, 16)
            dt[sl] = bk_sd[row, sl] & jnp.int32(16383)
        pltpu.sync_copy(xb, accsh.at[dt], add=True)

    def _chunk(c, carry):
        p0 = pstarts[c]
        p1 = pstarts[c + 1]
        nblk = lax.shift_right_logical(p1 - p0, 7)
        r0 = lax.shift_right_logical(p0, 7)

        @pl.when(nblk > 0)
        def _():
            _issue(r0, xbuf, wbuf, idx0, semx, semw)

        def _pair(k, c2):
            b0 = 2 * k
            row0 = r0 + b0

            @pl.when(b0 + 1 < nblk)
            def _():
                _issue(row0 + 1, xbuf1, wbuf1, idx1, semx1, semw1)

            _drain(row0, xbuf, wbuf, idx0, semx, semw)
            _mulblk(xbuf, wbuf)
            _scat(row0, xbuf, dtmp)

            @pl.when(b0 + 2 < nblk)
            def _():
                _issue(row0 + 2, xbuf, wbuf, idx0, semx, semw)

            @pl.when(b0 + 1 < nblk)
            def _():
                _drain(row0 + 1, xbuf1, wbuf1, idx1, semx1, semw1)
                _mulblk(xbuf1, wbuf1)
                _scat(row0 + 1, xbuf1, dtmp1)

            return c2

        lax.fori_loop(0, (nblk + 1) >> 1, _pair, 0)
        plsc.subcore_barrier()

        ob = c * CHUNK + rows0
        pltpu.sync_copy(accsh.at[pl.ds(rows0, ROWS_PER_TILE)],
                        out_hbm.at[cid, pl.ds(ob, ROWS_PER_TILE)])
        for z in range(ROWS_PER_TILE // K):
            pltpu.sync_copy(zbuf, accsh.at[pl.ds(rows0 + z * K, K)])
        plsc.subcore_barrier()
        return carry

    lax.fori_loop(0, NCHUNK, _chunk, 0)


def _sc_scatter(dst, src, x, wcat):
    mesh = plsc.VectorSubcoreMesh(core_axis_name="c", subcore_axis_name="s")
    f = pl.kernel(
        _sc_body,
        mesh=mesh,
        compiler_params=pltpu.CompilerParams(
            needs_layout_passes=False, use_tc_tiling_on_sc=False),
        out_type=jax.ShapeDtypeStruct((2, NPAD, D), jnp.float32),
        scratch_types=[
            pltpu.VMEM((STG,), jnp.int32),
            pltpu.VMEM((STG,), jnp.int32),
            pltpu.VMEM((256,), jnp.int32),
            pltpu.VMEM((256,), jnp.int32),
            pltpu.VMEM((BROWS, K), jnp.int32),
            pltpu.VMEM((BROWS, K), jnp.int32),
            pltpu.VMEM((K,), jnp.int32),
            pltpu.VMEM((K,), jnp.int32),
            pltpu.VMEM((K,), jnp.int32),
            pltpu.VMEM((K,), jnp.int32),
            pltpu.VMEM((K, D), jnp.float32),
            pltpu.VMEM((K, D), jnp.float32),
            pltpu.VMEM((K, D), jnp.float32),
            pltpu.VMEM((K, D), jnp.float32),
            pltpu.VMEM((K, D), jnp.float32),
            pltpu.VMEM_SHARED((CHUNK + K, D), jnp.float32),
            pltpu.SMEM((NCHUNK + 1,), jnp.int32),
            pltpu.SemaphoreType.DMA,
            pltpu.SemaphoreType.DMA,
            pltpu.SemaphoreType.DMA,
            pltpu.SemaphoreType.DMA,
            pltpu.SemaphoreType.DMA,
            pltpu.SemaphoreType.DMA,
        ],
    )
    return f(dst, src, x, wcat)


def _final_body(pa_ref, pb_ref, a_ref, b_ref, w2_ref, b2_ref, w3_ref, b3_ref,
                o1_ref, o2_ref):
    i = pl.program_id(0)
    nb = pl.num_programs(0) // 2
    s = pa_ref[0] + pb_ref[0]
    h = jnp.dot(s, w2_ref[...], preferred_element_type=jnp.float32)
    h = _ss(h + b2_ref[...])
    y = jnp.dot(h, w3_ref[...], preferred_element_type=jnp.float32)
    y = y + b3_ref[...]

    @pl.when(i < nb)
    def _():
        o1_ref[...] = y + a_ref[...]

    @pl.when(i >= nb)
    def _():
        o2_ref[...] = y + b_ref[...]


def _final(partial, nf, nfg, W2, b2, W3, b3):
    blk = 1000
    nb = N1 // blk
    return pl.pallas_call(
        _final_body,
        grid=(2 * nb,),
        in_specs=[
            pl.BlockSpec((1, blk, D), lambda i: (0, i, 0)),
            pl.BlockSpec((1, blk, D), lambda i: (1, i, 0)),
            pl.BlockSpec((blk, D), lambda i: (jnp.minimum(i, nb - 1), 0)),
            pl.BlockSpec((blk, D), lambda i: (jnp.maximum(i - nb, 0), 0)),
            pl.BlockSpec((D, D), lambda i: (0, 0)),
            pl.BlockSpec((1, D), lambda i: (0, 0)),
            pl.BlockSpec((D, D), lambda i: (0, 0)),
            pl.BlockSpec((1, D), lambda i: (0, 0)),
        ],
        out_specs=[
            pl.BlockSpec((blk, D), lambda i: (jnp.minimum(i, nb - 1), 0)),
            pl.BlockSpec((blk, D), lambda i: (jnp.maximum(i - nb, 0), 0)),
        ],
        out_shape=[
            jax.ShapeDtypeStruct((N1, D), jnp.float32),
            jax.ShapeDtypeStruct((NG, D), jnp.float32),
        ],
    )(partial, partial, nf, nfg, W2, b2.reshape(1, D), W3, b3.reshape(1, D))


def kernel(edge_index1, edge_index2, node_feature, node_feature_ghost,
           rbf_tensor1, dist1, rbf_tensor2, dist2, cutoff1, cutoff2, exponent,
           dist2_0, dist2_1, W1, b1, W2, b2, W3, b3, fgW1, fgb1, fgW2, fgb2):
    x = _lin1(node_feature, node_feature_ghost, W1, b1)

    dshape = (E1 // 128, 128)
    env1d = 1.0 + jnp.cos(PI * dist1.reshape(dshape) / cutoff1)
    env1 = lax.optimization_barrier(env1d).reshape(E1, 1)
    ef = jnp.asarray(exponent, jnp.float32)

    def _poly(r):
        rpe = r ** ef
        return 1.0 + rpe * (ef * r - (ef + 1.0))

    env2d = (_poly(dist2.reshape(dshape) / cutoff2)
             * _poly(dist2_0.reshape(dshape) / cutoff1)
             * _poly(dist2_1.reshape(dshape) / cutoff1))
    env2 = lax.optimization_barrier(env2d).reshape(E2, 1)

    wcat = _filters(rbf_tensor1.T, rbf_tensor2.T, env1, env2, fgW1.T, fgb1,
                    fgW2, fgb2)

    dst = jnp.concatenate([edge_index1[0], edge_index2[2],
                           edge_index1[2], edge_index2[3]])
    src = jnp.concatenate([edge_index1[2], edge_index2[3],
                           edge_index1[0], edge_index2[2]])

    partial = _sc_scatter(dst, src, x, wcat)

    return _final(partial, node_feature, node_feature_ghost, W2, b2, W3, b3)

# --- scband reference (transcript-rebuilt; emitter-appended) ---
"""Pipeline reference for scband-interaction-block-85298050498577 (READ-ONLY COPY).

The authoritative reference and input builder live on the scoring server;
editing this copy changes nothing except your own understanding.
"""

import jax, jax.numpy as jnp
import numpy as np

N1 = 50000
NG = 50000
E1 = 160000
E2 = 160000
D = 64
R = 300


def softplus_shift(w):
    return jnp.log(jnp.exp(w) + 1.0) - jnp.log(2.0)


def setup_inputs(seed: int = 0):
    key = jax.random.key(seed)
    ks = jax.random.split(key, 24)
    N = N1 + NG
    inp = {}
    inp['edge_index1'] = jax.random.randint(ks[0], (3, E1), 0, N, dtype=jnp.int32)
    inp['edge_index2'] = jax.random.randint(ks[1], (4, E2), 0, N, dtype=jnp.int32)
    inp['node_feature'] = jax.random.normal(ks[2], (N1, D), dtype=jnp.float32)
    inp['node_feature_ghost'] = jax.random.normal(ks[3], (NG, D), dtype=jnp.float32)
    inp['rbf_tensor1'] = jax.random.uniform(ks[4], (E1, R), dtype=jnp.float32)
    inp['dist1'] = jax.random.uniform(ks[5], (E1, 1), dtype=jnp.float32)
    inp['rbf_tensor2'] = jax.random.uniform(ks[6], (E2, R), dtype=jnp.float32)
    inp['dist2'] = jax.random.uniform(ks[7], (E2, 1), dtype=jnp.float32)
    inp['cutoff1'] = jnp.ones((1,), dtype=jnp.float32)
    inp['cutoff2'] = jnp.ones((1,), dtype=jnp.float32)
    inp['exponent'] = 6
    inp['dist2_0'] = jax.random.uniform(ks[8], (E2, 1), dtype=jnp.float32)
    inp['dist2_1'] = jax.random.uniform(ks[9], (E2, 1), dtype=jnp.float32)
    s = 0.05
    inp['W1'] = jax.random.normal(ks[10], (D, D), dtype=jnp.float32) * s
    inp['b1'] = jnp.zeros((D,), dtype=jnp.float32)
    inp['W2'] = jax.random.normal(ks[11], (D, D), dtype=jnp.float32) * s
    inp['b2'] = jnp.zeros((D,), dtype=jnp.float32)
    inp['W3'] = jax.random.normal(ks[12], (D, D), dtype=jnp.float32) * s
    inp['b3'] = jnp.zeros((D,), dtype=jnp.float32)
    inp['fgW1'] = jax.random.normal(ks[13], (R, D), dtype=jnp.float32) * s
    inp['fgb1'] = jnp.zeros((D,), dtype=jnp.float32)
    inp['fgW2'] = jax.random.normal(ks[14], (D, D), dtype=jnp.float32) * s
    inp['fgb2'] = jnp.zeros((D,), dtype=jnp.float32)
    return inp


def reference(edge_index1, edge_index2, node_feature, node_feature_ghost, rbf_tensor1, dist1, rbf_tensor2, dist2, cutoff1, cutoff2, exponent, dist2_0, dist2_1, W1, b1, W2, b2, W3, b3, fgW1, fgb1, fgW2, fgb2):
    x0 = node_feature
    x0g = node_feature_ghost
    # linear1 on both node sets
    nf = node_feature @ W1 + b1
    nfg = node_feature_ghost @ W1 + b1
    # FilterGeneratorBlock on both rbf tensors (shared weights)
    w1 = softplus_shift(rbf_tensor1 @ fgW1 + fgb1)
    w1 = softplus_shift(w1 @ fgW2 + fgb2)
    w2 = softplus_shift(rbf_tensor2 @ fgW1 + fgb1)
    w2 = softplus_shift(w2 @ fgW2 + fgb2)
    # distance-based envelopes
    w1 = w1 * (1.0 + jnp.cos(3.14159265 * dist1 / cutoff1)) * 1.0
    e = exponent

    def poly(r):
        return 1.0 + e * r ** (e + 1) - (e + 1) * r ** e

    w2 = w2 * poly(dist2 / cutoff2) * poly(dist2_0 / cutoff1) * poly(dist2_1 / cutoff1)
    # assemble edges / weights / node features as in cfconv.forward
    weight = jnp.concatenate([w1, w2], axis=0)
    ei = jnp.concatenate([edge_index1[jnp.array([0, 2])], edge_index2[jnp.array([2, 3])]], axis=1)
    x = jnp.concatenate([nf, nfg], axis=0)
    weight = jnp.concatenate([weight, weight], axis=0)
    ei = jnp.concatenate([ei, ei[jnp.array([1, 0])]], axis=1)
    # MessagePassing with flow='target_to_source': x_j = x[ei[1]], aggregate (add) at ei[0]
    msgs = x[ei[1]] * weight
    out = jax.ops.segment_sum(msgs, ei[0], num_segments=x.shape[0])
    nf = out[:N1]
    nfg = out[N1:]
    # linear2 -> shifted softplus -> linear3 -> residual
    nf = nf @ W2 + b2
    nfg = nfg @ W2 + b2
    nf = softplus_shift(nf)
    nfg = softplus_shift(nfg)
    nf = nf @ W3 + b3
    nfg = nfg @ W3 + b3
    return (nf + x0, nfg + x0g)

if __name__ == "__main__":
    import jax
    _d = setup_inputs()
    print(jax.jit(kernel)(*tuple(_d.values())))

</pallas_src>

<mosaic_0001>
#map = affine_map<(d0, d1) -> (0)>
#map1 = affine_map<(d0, d1) -> (0, 0)>
#map2 = affine_map<(d0, d1) -> (0, 0, 0)>
module attributes {stable_mosaic.version = 14 : i64} {
  func.func @_sc_body(%arg0: i32, %arg1: i32, %arg2: memref<640000xi32, #tpu.memory_space<hbm>>, %arg3: memref<640000xi32, #tpu.memory_space<hbm>>, %arg4: memref<100000x64xf32, #tpu.memory_space<hbm>>, %arg5: memref<320000x64xf32, #tpu.memory_space<hbm>>, %arg6: memref<2x106496x64xf32, #tpu.memory_space<hbm>>, %arg7: memref<2000xi32, #tpu.memory_space<vmem>>, %arg8: memref<2000xi32, #tpu.memory_space<vmem>>, %arg9: memref<256xi32, #tpu.memory_space<vmem>>, %arg10: memref<256xi32, #tpu.memory_space<vmem>>, %arg11: memref<170x128xi32, #tpu.memory_space<vmem>>, %arg12: memref<170x128xi32, #tpu.memory_space<vmem>>, %arg13: memref<128xi32, #tpu.memory_space<vmem>>, %arg14: memref<128xi32, #tpu.memory_space<vmem>>, %arg15: memref<128xi32, #tpu.memory_space<vmem>>, %arg16: memref<128xi32, #tpu.memory_space<vmem>>, %arg17: memref<128x64xf32, #tpu.memory_space<vmem>>, %arg18: memref<128x64xf32, #tpu.memory_space<vmem>>, %arg19: memref<128x64xf32, #tpu.memory_space<vmem>>, %arg20: memref<128x64xf32, #tpu.memory_space<vmem>>, %arg21: memref<128x64xf32, #tpu.memory_space<vmem>>, %arg22: memref<8320x64xf32, #tpu.memory_space<vmem_shared>>, %arg23: memref<14xi32, #tpu.memory_space<smem>>, %arg24: memref<!tpu.dma_semaphore, #tpu.memory_space<semaphore_mem>>, %arg25: memref<!tpu.dma_semaphore, #tpu.memory_space<semaphore_mem>>, %arg26: memref<!tpu.dma_semaphore, #tpu.memory_space<semaphore_mem>>, %arg27: memref<!tpu.dma_semaphore, #tpu.memory_space<semaphore_mem>>, %arg28: memref<!tpu.dma_semaphore, #tpu.memory_space<semaphore_mem>>, %arg29: memref<!tpu.dma_semaphore, #tpu.memory_space<semaphore_mem>>) attributes {dimension_semantics = [#tpu.dimension_semantics<core_parallel>, #tpu.dimension_semantics<subcore_parallel>], iteration_bounds = array<i64: 2, 16>, scalar_prefetch = 0 : i64, scratch_operands = 23 : i64, tpu.core_type = #tpu.core_type<sc_vector_subcore>, window_params = [{transform_indices = #map}, {transform_indices = #map}, {transform_indices = #map1}, {transform_indices = #map1}, {transform_indices = #map2}]} {
    %mul3A = arith.constant 16 : i32
    %mul3A_0 = arith.muli %arg0, %mul3A : i32
    %add3A = arith.addi %mul3A_0, %arg1 : i32
    %mul3A_1 = arith.constant 20000 : i32
    %mul3A_2 = arith.muli %add3A, %mul3A_1 : i32
    %iota3A = tpu.iota {dimensions = array<i32: 0>} : vector<16xi32>
    %broadcast_in_dim3A = arith.constant 1 : i32
    %broadcast_in_dim3A_3 = vector.broadcast %broadcast_in_dim3A : i32 to vector<16xi32>
    %broadcast_in_dim3A_4 = arith.constant 0 : i32
    %broadcast_in_dim3A_5 = vector.broadcast %broadcast_in_dim3A_4 : i32 to vector<16xi32>
    %swap3A = arith.constant 0 : index
    %swap3A_6 = tpu.vector_load %arg9[%swap3A] {strides = array<i32>} : memref<256xi32, #tpu.memory_space<vmem>>, vector<16xi32>,
    tpu.vector_store %arg9[%swap3A], %broadcast_in_dim3A_5 {strides = array<i32>} : memref<256xi32, #tpu.memory_space<vmem>>, vector<16xi32>,
    %swap3A_7 = arith.constant 16 : index
    %swap3A_8 = tpu.vector_load %arg9[%swap3A_7] {strides = array<i32>} : memref<256xi32, #tpu.memory_space<vmem>>, vector<16xi32>,
    tpu.vector_store %arg9[%swap3A_7], %broadcast_in_dim3A_5 {strides = array<i32>} : memref<256xi32, #tpu.memory_space<vmem>>, vector<16xi32>,
    %swap3A_9 = arith.constant 32 : index
    %swap3A_10 = tpu.vector_load %arg9[%swap3A_9] {strides = array<i32>} : memref<256xi32, #tpu.memory_space<vmem>>, vector<16xi32>,
    tpu.vector_store %arg9[%swap3A_9], %broadcast_in_dim3A_5 {strides = array<i32>} : memref<256xi32, #tpu.memory_space<vmem>>, vector<16xi32>,
    %swap3A_11 = arith.constant 48 : index
    %swap3A_12 = tpu.vector_load %arg9[%swap3A_11] {strides = array<i32>} : memref<256xi32, #tpu.memory_space<vmem>>, vector<16xi32>,
    tpu.vector_store %arg9[%swap3A_11], %broadcast_in_dim3A_5 {strides = array<i32>} : memref<256xi32, #tpu.memory_space<vmem>>, vector<16xi32>,
    %swap3A_13 = arith.constant 64 : index
    %swap3A_14 = tpu.vector_load %arg9[%swap3A_13] {strides = array<i32>} : memref<256xi32, #tpu.memory_space<vmem>>, vector<16xi32>,
    tpu.vector_store %arg9[%swap3A_13], %broadcast_in_dim3A_5 {strides = array<i32>} : memref<256xi32, #tpu.memory_space<vmem>>, vector<16xi32>,
    %swap3A_15 = arith.constant 80 : index
    %swap3A_16 = tpu.vector_load %arg9[%swap3A_15] {strides = array<i32>} : memref<256xi32, #tpu.memory_space<vmem>>, vector<16xi32>,
    tpu.vector_store %arg9[%swap3A_15], %broadcast_in_dim3A_5 {strides = array<i32>} : memref<256xi32, #tpu.memory_space<vmem>>, vector<16xi32>,
    %swap3A_17 = arith.constant 96 : index
    %swap3A_18 = tpu.vector_load %arg9[%swap3A_17] {strides = array<i32>} : memref<256xi32, #tpu.memory_space<vmem>>, vector<16xi32>,
    tpu.vector_store %arg9[%swap3A_17], %broadcast_in_dim3A_5 {strides = array<i32>} : memref<256xi32, #tpu.memory_space<vmem>>, vector<16xi32>,
    %swap3A_19 = arith.constant 112 : index
    %swap3A_20 = tpu.vector_load %arg9[%swap3A_19] {strides = array<i32>} : memref<256xi32, #tpu.memory_space<vmem>>, vector<16xi32>,
    tpu.vector_store %arg9[%swap3A_19], %broadcast_in_dim3A_5 {strides = array<i32>} : memref<256xi32, #tpu.memory_space<vmem>>, vector<16xi32>,
    %swap3A_21 = arith.constant 128 : index
    %swap3A_22 = tpu.vector_load %arg9[%swap3A_21] {strides = array<i32>} : memref<256xi32, #tpu.memory_space<vmem>>, vector<16xi32>,
    tpu.vector_store %arg9[%swap3A_21], %broadcast_in_dim3A_5 {strides = array<i32>} : memref<256xi32, #tpu.memory_space<vmem>>, vector<16xi32>,
    %swap3A_23 = arith.constant 144 : index
    %swap3A_24 = tpu.vector_load %arg9[%swap3A_23] {strides = array<i32>} : memref<256xi32, #tpu.memory_space<vmem>>, vector<16xi32>,
    tpu.vector_store %arg9[%swap3A_23], %broadcast_in_dim3A_5 {strides = array<i32>} : memref<256xi32, #tpu.memory_space<vmem>>, vector<16xi32>,
    %swap3A_25 = arith.constant 160 : index
    %swap3A_26 = tpu.vector_load %arg9[%swap3A_25] {strides = array<i32>} : memref<256xi32, #tpu.memory_space<vmem>>, vector<16xi32>,
    tpu.vector_store %arg9[%swap3A_25], %broadcast_in_dim3A_5 {strides = array<i32>} : memref<256xi32, #tpu.memory_space<vmem>>, vector<16xi32>,
    %swap3A_27 = arith.constant 176 : index
    %swap3A_28 = tpu.vector_load %arg9[%swap3A_27] {strides = array<i32>} : memref<256xi32, #tpu.memory_space<vmem>>, vector<16xi32>,
    tpu.vector_store %arg9[%swap3A_27], %broadcast_in_dim3A_5 {strides = array<i32>} : memref<256xi32, #tpu.memory_space<vmem>>, vector<16xi32>,
    %swap3A_29 = arith.constant 192 : index
    %swap3A_30 = tpu.vector_load %arg9[%swap3A_29] {strides = array<i32>} : memref<256xi32, #tpu.memory_space<vmem>>, vector<16xi32>,
    tpu.vector_store %arg9[%swap3A_29], %broadcast_in_dim3A_5 {strides = array<i32>} : memref<256xi32, #tpu.memory_space<vmem>>, vector<16xi32>,
    %swap3A_31 = arith.constant 208 : index
    %swap3A_32 = tpu.vector_load %arg9[%swap3A_31] {strides = array<i32>} : memref<256xi32, #tpu.memory_space<vmem>>, vector<16xi32>,
    tpu.vector_store %arg9[%swap3A_31], %broadcast_in_dim3A_5 {strides = array<i32>} : memref<256xi32, #tpu.memory_space<vmem>>, vector<16xi32>,
    %swap3A_33 = arith.constant 224 : index
    %swap3A_34 = tpu.vector_load %arg9[%swap3A_33] {strides = array<i32>} : memref<256xi32, #tpu.memory_space<vmem>>, vector<16xi32>,
    tpu.vector_store %arg9[%swap3A_33], %broadcast_in_dim3A_5 {strides = array<i32>} : memref<256xi32, #tpu.memory_space<vmem>>, vector<16xi32>,
    %swap3A_35 = arith.constant 240 : index
    %swap3A_36 = tpu.vector_load %arg9[%swap3A_35] {strides = array<i32>} : memref<256xi32, #tpu.memory_space<vmem>>, vector<16xi32>,
    tpu.vector_store %arg9[%swap3A_35], %broadcast_in_dim3A_5 {strides = array<i32>} : memref<256xi32, #tpu.memory_space<vmem>>, vector<16xi32>,
    %scan3A = arith.constant 0 : i32
    %scan3A_37 = arith.constant 0 : i32
    %scan3A_38 = arith.constant 128 : i32
    %scan3A_39 = arith.addi %scan3A_37, %scan3A_38 : i32
    %scan3A_40 = arith.constant 1 : i32
    scf.for %scan3A_88 = %scan3A_37 to %scan3A_39 step %scan3A_40  : i32 {
      %broadcast_in_dim3A_89 = arith.constant 0.000000e+00 : f32
      %broadcast_in_dim3A_90 = vector.broadcast %broadcast_in_dim3A_89 : f32 to vector<16xf32>
      %swap3A_91 = arith.index_cast %scan3A_88 : i32 to index
      %swap3A_92 = arith.constant 0 : index
      %swap3A_93 = tpu.vector_load %arg21[%swap3A_91, %swap3A_92] {strides = array<i32>} : memref<128x64xf32, #tpu.memory_space<vmem>>, vector<16xf32>,
      tpu.vector_store %arg21[%swap3A_91, %swap3A_92], %broadcast_in_dim3A_90 {strides = array<i32>} : memref<128x64xf32, #tpu.memory_space<vmem>>, vector<16xf32>,
      %broadcast_in_dim3A_94 = arith.constant 0.000000e+00 : f32
      %broadcast_in_dim3A_95 = vector.broadcast %broadcast_in_dim3A_94 : f32 to vector<16xf32>
      %swap3A_96 = arith.index_cast %scan3A_88 : i32 to index
      %swap3A_97 = arith.constant 16 : index
      %swap3A_98 = tpu.vector_load %arg21[%swap3A_96, %swap3A_97] {strides = array<i32>} : memref<128x64xf32, #tpu.memory_space<vmem>>, vector<16xf32>,
      tpu.vector_store %arg21[%swap3A_96, %swap3A_97], %broadcast_in_dim3A_95 {strides = array<i32>} : memref<128x64xf32, #tpu.memory_space<vmem>>, vector<16xf32>,
      %broadcast_in_dim3A_99 = arith.constant 0.000000e+00 : f32
      %broadcast_in_dim3A_100 = vector.broadcast %broadcast_in_dim3A_99 : f32 to vector<16xf32>
      %swap3A_101 = arith.index_cast %scan3A_88 : i32 to index
      %swap3A_102 = arith.constant 32 : index
      %swap3A_103 = tpu.vector_load %arg21[%swap3A_101, %swap3A_102] {strides = array<i32>} : memref<128x64xf32, #tpu.memory_space<vmem>>, vector<16xf32>,
      tpu.vector_store %arg21[%swap3A_101, %swap3A_102], %broadcast_in_dim3A_100 {strides = array<i32>} : memref<128x64xf32, #tpu.memory_space<vmem>>, vector<16xf32>,
      %broadcast_in_dim3A_104 = arith.constant 0.000000e+00 : f32
      %broadcast_in_dim3A_105 = vector.broadcast %broadcast_in_dim3A_104 : f32 to vector<16xf32>
      %swap3A_106 = arith.index_cast %scan3A_88 : i32 to index
      %swap3A_107 = arith.constant 48 : index
      %swap3A_108 = tpu.vector_load %arg21[%swap3A_106, %swap3A_107] {strides = array<i32>} : memref<128x64xf32, #tpu.memory_space<vmem>>, vector<16xf32>,
      tpu.vector_store %arg21[%swap3A_106, %swap3A_107], %broadcast_in_dim3A_105 {strides = array<i32>} : memref<128x64xf32, #tpu.memory_space<vmem>>, vector<16xf32>,
    }
    %scan3A_41 = arith.constant 128 : i32
    %scan3A_42 = arith.constant 0 : i32
    %scan3A_43 = arith.constant 0 : i32
    %scan3A_44 = arith.constant 10 : i32
    %scan3A_45 = arith.addi %scan3A_43, %scan3A_44 : i32
    %scan3A_46 = arith.constant 1 : i32
    scf.for %scan3A_88 = %scan3A_43 to %scan3A_45 step %scan3A_46  : i32 {
      %mul3A_89 = arith.constant 2000 : i32
      %mul3A_90 = arith.muli %scan3A_88, %mul3A_89 : i32
      %add3A_91 = arith.addi %mul3A_2, %mul3A_90 : i32
      "tpu.region"() ({
        %run_scoped3A = tpu.sem_alloc : memref<!tpu.dma_semaphore, #tpu.memory_space<semaphore_mem>>
        %dma_start3A = tpu.memref_slice %arg2[%add3A_91] : memref<640000xi32, #tpu.memory_space<hbm>> -> memref<2000xi32, #tpu.memory_space<hbm>>
        %dma_start3A_98 = tpu.memref_slice %arg2[%add3A_91] : memref<640000xi32, #tpu.memory_space<hbm>> -> memref<2000xi32, #tpu.memory_space<hbm>>
        tpu.enqueue_dma source(%dma_start3A_98 : memref<2000xi32, #tpu.memory_space<hbm>>) target(%arg7 : memref<2000xi32, #tpu.memory_space<vmem>>) target_semaphore(%run_scoped3A : memref<!tpu.dma_semaphore, #tpu.memory_space<semaphore_mem>>)
        %dma_wait3A = tpu.memref_slice %arg2[%add3A_91] : memref<640000xi32, #tpu.memory_space<hbm>> -> memref<2000xi32, #tpu.memory_space<hbm>>
        %dma_wait3A_99 = tpu.memref_slice %arg2[%add3A_91] : memref<640000xi32, #tpu.memory_space<hbm>> -> memref<2000xi32, #tpu.memory_space<hbm>>
        tpu.wait_dma2 semaphore(%run_scoped3A : memref<!tpu.dma_semaphore, #tpu.memory_space<semaphore_mem>>) src(%dma_wait3A_99 : memref<2000xi32, #tpu.memory_space<hbm>>) dst(%arg7 : memref<2000xi32, #tpu.memory_space<vmem>>)
        tpu.yield
      }) : () -> ()
      %scan3A_92 = arith.constant 0 : i32
      %scan3A_93 = arith.constant 0 : i32
      %scan3A_94 = arith.constant 125 : i32
      %scan3A_95 = arith.addi %scan3A_93, %scan3A_94 : i32
      %scan3A_96 = arith.constant 1 : i32
      scf.for %scan3A_98 = %scan3A_93 to %scan3A_95 step %scan3A_96  : i32 {
        %mul3A_99 = arith.constant 16 : i32
        %mul3A_100 = arith.muli %scan3A_98, %mul3A_99 : i32
        %get3A = arith.index_cast %mul3A_100 : i32 to index
        %get3A_101 = tpu.vector_load %arg7[%get3A] {strides = array<i32>} : memref<2000xi32, #tpu.memory_space<vmem>>, vector<16xi32>,
        %shift_right_logical3A = arith.constant 13 : i32
        %shift_right_logical3A_102 = vector.broadcast %shift_right_logical3A : i32 to vector<16xi32>
        %shift_right_logical3A_103 = arith.shrui %get3A_101, %shift_right_logical3A_102 : vector<16xi32>
        %mul3A_104 = arith.constant 16 : i32
        %mul3A_105 = vector.broadcast %mul3A_104 : i32 to vector<16xi32>
        %mul3A_106 = arith.muli %shift_right_logical3A_103, %mul3A_105 : vector<16xi32>
        %add3A_107 = arith.addi %mul3A_106, %iota3A : vector<16xi32>
        tpu.vector_store_idx %arg9[%add3A_107], %broadcast_in_dim3A_3 {add = true} : memref<256xi32, #tpu.memory_space<vmem>>[vector<16xi32>], vector<16xi32>,
      }
      %scan3A_97 = arith.constant 125 : i32
    }
    %scan3A_47 = arith.constant 10 : i32
    %scan3A_48 = arith.constant 0 : i32
    %scan3A_49 = arith.constant 0 : i32
    %scan3A_50 = arith.constant 13 : i32
    %scan3A_51 = arith.addi %scan3A_49, %scan3A_50 : i32
    %scan3A_52 = arith.constant 1 : i32
    %scan3A_53 = scf.for %scan3A_88 = %scan3A_49 to %scan3A_51 step %scan3A_52 iter_args(%scan3A_89 = %scan3A_48) -> (i32)  : i32 {
      %mul3A_90 = arith.constant 16 : i32
      %mul3A_91 = arith.muli %scan3A_88, %mul3A_90 : i32
      %get3A = arith.index_cast %mul3A_91 : i32 to index
      %get3A_92 = tpu.vector_load %arg9[%get3A] {strides = array<i32>} : memref<256xi32, #tpu.memory_space<vmem>>, vector<16xi32>,
      %broadcast_in_dim3A_93 = arith.constant true
      %broadcast_in_dim3A_94 = vector.broadcast %broadcast_in_dim3A_93 : i1 to vector<16xi1>
      %masked_cumsum3A = tpu.scan <sum>, %get3A_92 masked %broadcast_in_dim3A_94 : vector<16xi32>, vector<16xi1> -> vector<16xi32>
      %sub3A = arith.subi %masked_cumsum3A, %get3A_92 : vector<16xi32>
      %add3A_95 = vector.broadcast %scan3A_89 : i32 to vector<16xi32>
      %add3A_96 = arith.addi %add3A_95, %sub3A : vector<16xi32>
      %mul3A_97 = arith.constant 16 : i32
      %mul3A_98 = arith.muli %scan3A_88, %mul3A_97 : i32
      %swap3A_99 = arith.index_cast %mul3A_98 : i32 to index
      %swap3A_100 = tpu.vector_load %arg10[%swap3A_99] {strides = array<i32>} : memref<256xi32, #tpu.memory_space<vmem>>, vector<16xi32>,
      tpu.vector_store %arg10[%swap3A_99], %add3A_96 {strides = array<i32>} : memref<256xi32, #tpu.memory_space<vmem>>, vector<16xi32>,
      %swap3A_101 = arith.index_cast %scan3A_88 : i32 to index
      %swap3A_102 = memref.load %arg23[%swap3A_101] : memref<14xi32, #tpu.memory_space<smem>>
      memref.store %scan3A_89, %arg23[%swap3A_101] : memref<14xi32, #tpu.memory_space<smem>>
      %reduce_sum3A = arith.constant true
      %reduce_sum3A_103 = vector.broadcast %reduce_sum3A : i1 to vector<16xi1>
      %reduce_sum3A_104 = tpu.scan <sum>, %get3A_92 masked %reduce_sum3A_103 : vector<16xi32>, vector<16xi1> -> vector<16xi32>
      %reduce_sum3A_105 = vector.extract %reduce_sum3A_104[15] : i32 from vector<16xi32>
      %add3A_106 = arith.addi %scan3A_89, %reduce_sum3A_105 : i32
      %add3A_107 = arith.constant 127 : i32
      %add3A_108 = arith.addi %add3A_106, %add3A_107 : i32
      %and3A = arith.constant -128 : i32
      %and3A_109 = arith.andi %add3A_108, %and3A : i32
      scf.yield %and3A_109 : i32
    }
    %scan3A_54 = arith.constant 13 : i32
    %swap3A_55 = arith.constant 13 : i32
    %swap3A_56 = arith.index_cast %swap3A_55 : i32 to index
    %swap3A_57 = memref.load %arg23[%swap3A_56] : memref<14xi32, #tpu.memory_space<smem>>
    memref.store %scan3A_53, %arg23[%swap3A_56] : memref<14xi32, #tpu.memory_space<smem>>
    %broadcast_in_dim3A_58 = arith.constant 8192 : i32
    %broadcast_in_dim3A_59 = vector.broadcast %broadcast_in_dim3A_58 : i32 to vector<16xi32>
    %scan3A_60 = arith.constant 0 : i32
    %scan3A_61 = arith.constant 0 : i32
    %scan3A_62 = arith.constant 170 : i32
    %scan3A_63 = arith.addi %scan3A_61, %scan3A_62 : i32
    %scan3A_64 = arith.constant 1 : i32
    scf.for %scan3A_88 = %scan3A_61 to %scan3A_63 step %scan3A_64  : i32 {
      %swap3A_89 = arith.index_cast %scan3A_88 : i32 to index
      %swap3A_90 = arith.constant 0 : index
      %swap3A_91 = tpu.vector_load %arg11[%swap3A_89, %swap3A_90] {strides = array<i32>} : memref<170x128xi32, #tpu.memory_space<vmem>>, vector<16xi32>,
      tpu.vector_store %arg11[%swap3A_89, %swap3A_90], %broadcast_in_dim3A_59 {strides = array<i32>} : memref<170x128xi32, #tpu.memory_space<vmem>>, vector<16xi32>,
      %swap3A_92 = arith.index_cast %scan3A_88 : i32 to index
      %swap3A_93 = arith.constant 0 : index
      %swap3A_94 = tpu.vector_load %arg12[%swap3A_92, %swap3A_93] {strides = array<i32>} : memref<170x128xi32, #tpu.memory_space<vmem>>, vector<16xi32>,
      tpu.vector_store %arg12[%swap3A_92, %swap3A_93], %broadcast_in_dim3A_5 {strides = array<i32>} : memref<170x128xi32, #tpu.memory_space<vmem>>, vector<16xi32>,
      %swap3A_95 = arith.index_cast %scan3A_88 : i32 to index
      %swap3A_96 = arith.constant 16 : index
      %swap3A_97 = tpu.vector_load %arg11[%swap3A_95, %swap3A_96] {strides = array<i32>} : memref<170x128xi32, #tpu.memory_space<vmem>>, vector<16xi32>,
      tpu.vector_store %arg11[%swap3A_95, %swap3A_96], %broadcast_in_dim3A_59 {strides = array<i32>} : memref<170x128xi32, #tpu.memory_space<vmem>>, vector<16xi32>,
      %swap3A_98 = arith.index_cast %scan3A_88 : i32 to index
      %swap3A_99 = arith.constant 16 : index
      %swap3A_100 = tpu.vector_load %arg12[%swap3A_98, %swap3A_99] {strides = array<i32>} : memref<170x128xi32, #tpu.memory_space<vmem>>, vector<16xi32>,
      tpu.vector_store %arg12[%swap3A_98, %swap3A_99], %broadcast_in_dim3A_5 {strides = array<i32>} : memref<170x128xi32, #tpu.memory_space<vmem>>, vector<16xi32>,
      %swap3A_101 = arith.index_cast %scan3A_88 : i32 to index
      %swap3A_102 = arith.constant 32 : index
      %swap3A_103 = tpu.vector_load %arg11[%swap3A_101, %swap3A_102] {strides = array<i32>} : memref<170x128xi32, #tpu.memory_space<vmem>>, vector<16xi32>,
      tpu.vector_store %arg11[%swap3A_101, %swap3A_102], %broadcast_in_dim3A_59 {strides = array<i32>} : memref<170x128xi32, #tpu.memory_space<vmem>>, vector<16xi32>,
      %swap3A_104 = arith.index_cast %scan3A_88 : i32 to index
      %swap3A_105 = arith.constant 32 : index
      %swap3A_106 = tpu.vector_load %arg12[%swap3A_104, %swap3A_105] {strides = array<i32>} : memref<170x128xi32, #tpu.memory_space<vmem>>, vector<16xi32>,
      tpu.vector_store %arg12[%swap3A_104, %swap3A_105], %broadcast_in_dim3A_5 {strides = array<i32>} : memref<170x128xi32, #tpu.memory_space<vmem>>, vector<16xi32>,
      %swap3A_107 = arith.index_cast %scan3A_88 : i32 to index
      %swap3A_108 = arith.constant 48 : index
      %swap3A_109 = tpu.vector_load %arg11[%swap3A_107, %swap3A_108] {strides = array<i32>} : memref<170x128xi32, #tpu.memory_space<vmem>>, vector<16xi32>,
      tpu.vector_store %arg11[%swap3A_107, %swap3A_108], %broadcast_in_dim3A_59 {strides = array<i32>} : memref<170x128xi32, #tpu.memory_space<vmem>>, vector<16xi32>,
      %swap3A_110 = arith.index_cast %scan3A_88 : i32 to index
      %swap3A_111 = arith.constant 48 : index
      %swap3A_112 = tpu.vector_load %arg12[%swap3A_110, %swap3A_111] {strides = array<i32>} : memref<170x128xi32, #tpu.memory_space<vmem>>, vector<16xi32>,
      tpu.vector_store %arg12[%swap3A_110, %swap3A_111], %broadcast_in_dim3A_5 {strides = array<i32>} : memref<170x128xi32, #tpu.memory_space<vmem>>, vector<16xi32>,
      %swap3A_113 = arith.index_cast %scan3A_88 : i32 to index
      %swap3A_114 = arith.constant 64 : index
      %swap3A_115 = tpu.vector_load %arg11[%swap3A_113, %swap3A_114] {strides = array<i32>} : memref<170x128xi32, #tpu.memory_space<vmem>>, vector<16xi32>,
      tpu.vector_store %arg11[%swap3A_113, %swap3A_114], %broadcast_in_dim3A_59 {strides = array<i32>} : memref<170x128xi32, #tpu.memory_space<vmem>>, vector<16xi32>,
      %swap3A_116 = arith.index_cast %scan3A_88 : i32 to index
      %swap3A_117 = arith.constant 64 : index
      %swap3A_118 = tpu.vector_load %arg12[%swap3A_116, %swap3A_117] {strides = array<i32>} : memref<170x128xi32, #tpu.memory_space<vmem>>, vector<16xi32>,
      tpu.vector_store %arg12[%swap3A_116, %swap3A_117], %broadcast_in_dim3A_5 {strides = array<i32>} : memref<170x128xi32, #tpu.memory_space<vmem>>, vector<16xi32>,
      %swap3A_119 = arith.index_cast %scan3A_88 : i32 to index
      %swap3A_120 = arith.constant 80 : index
      %swap3A_121 = tpu.vector_load %arg11[%swap3A_119, %swap3A_120] {strides = array<i32>} : memref<170x128xi32, #tpu.memory_space<vmem>>, vector<16xi32>,
      tpu.vector_store %arg11[%swap3A_119, %swap3A_120], %broadcast_in_dim3A_59 {strides = array<i32>} : memref<170x128xi32, #tpu.memory_space<vmem>>, vector<16xi32>,
      %swap3A_122 = arith.index_cast %scan3A_88 : i32 to index
      %swap3A_123 = arith.constant 80 : index
      %swap3A_124 = tpu.vector_load %arg12[%swap3A_122, %swap3A_123] {strides = array<i32>} : memref<170x128xi32, #tpu.memory_space<vmem>>, vector<16xi32>,
      tpu.vector_store %arg12[%swap3A_122, %swap3A_123], %broadcast_in_dim3A_5 {strides = array<i32>} : memref<170x128xi32, #tpu.memory_space<vmem>>, vector<16xi32>,
      %swap3A_125 = arith.index_cast %scan3A_88 : i32 to index
      %swap3A_126 = arith.constant 96 : index
      %swap3A_127 = tpu.vector_load %arg11[%swap3A_125, %swap3A_126] {strides = array<i32>} : memref<170x128xi32, #tpu.memory_space<vmem>>, vector<16xi32>,
      tpu.vector_store %arg11[%swap3A_125, %swap3A_126], %broadcast_in_dim3A_59 {strides = array<i32>} : memref<170x128xi32, #tpu.memory_space<vmem>>, vector<16xi32>,
      %swap3A_128 = arith.index_cast %scan3A_88 : i32 to index
      %swap3A_129 = arith.constant 96 : index
      %swap3A_130 = tpu.vector_load %arg12[%swap3A_128, %swap3A_129] {strides = array<i32>} : memref<170x128xi32, #tpu.memory_space<vmem>>, vector<16xi32>,
      tpu.vector_store %arg12[%swap3A_128, %swap3A_129], %broadcast_in_dim3A_5 {strides = array<i32>} : memref<170x128xi32, #tpu.memory_space<vmem>>, vector<16xi32>,
      %swap3A_131 = arith.index_cast %scan3A_88 : i32 to index
      %swap3A_132 = arith.constant 112 : index
      %swap3A_133 = tpu.vector_load %arg11[%swap3A_131, %swap3A_132] {strides = array<i32>} : memref<170x128xi32, #tpu.memory_space<vmem>>, vector<16xi32>,
      tpu.vector_store %arg11[%swap3A_131, %swap3A_132], %broadcast_in_dim3A_59 {strides = array<i32>} : memref<170x128xi32, #tpu.memory_space<vmem>>, vector<16xi32>,
      %swap3A_134 = arith.index_cast %scan3A_88 : i32 to index
      %swap3A_135 = arith.constant 112 : index
      %swap3A_136 = tpu.vector_load %arg12[%swap3A_134, %swap3A_135] {strides = array<i32>} : memref<170x128xi32, #tpu.memory_space<vmem>>, vector<16xi32>,
      tpu.vector_store %arg12[%swap3A_134, %swap3A_135], %broadcast_in_dim3A_5 {strides = array<i32>} : memref<170x128xi32, #tpu.memory_space<vmem>>, vector<16xi32>,
    }
    %scan3A_65 = arith.constant 170 : i32
    %scan3A_66 = arith.constant 0 : i32
    %scan3A_67 = arith.constant 0 : i32
    %scan3A_68 = arith.constant 10 : i32
    %scan3A_69 = arith.addi %scan3A_67, %scan3A_68 : i32
    %scan3A_70 = arith.constant 1 : i32
    scf.for %scan3A_88 = %scan3A_67 to %scan3A_69 step %scan3A_70  : i32 {
      %mul3A_89 = arith.constant 2000 : i32
      %mul3A_90 = arith.muli %scan3A_88, %mul3A_89 : i32
      %add3A_91 = arith.addi %mul3A_2, %mul3A_90 : i32
      "tpu.region"() ({
        %run_scoped3A = tpu.sem_alloc : memref<!tpu.dma_semaphore, #tpu.memory_space<semaphore_mem>>
        %dma_start3A = tpu.memref_slice %arg2[%add3A_91] : memref<640000xi32, #tpu.memory_space<hbm>> -> memref<2000xi32, #tpu.memory_space<hbm>>
        %dma_start3A_98 = tpu.memref_slice %arg2[%add3A_91] : memref<640000xi32, #tpu.memory_space<hbm>> -> memref<2000xi32, #tpu.memory_space<hbm>>
        tpu.enqueue_dma source(%dma_start3A_98 : memref<2000xi32, #tpu.memory_space<hbm>>) target(%arg7 : memref<2000xi32, #tpu.memory_space<vmem>>) target_semaphore(%run_scoped3A : memref<!tpu.dma_semaphore, #tpu.memory_space<semaphore_mem>>)
        %dma_wait3A = tpu.memref_slice %arg2[%add3A_91] : memref<640000xi32, #tpu.memory_space<hbm>> -> memref<2000xi32, #tpu.memory_space<hbm>>
        %dma_wait3A_99 = tpu.memref_slice %arg2[%add3A_91] : memref<640000xi32, #tpu.memory_space<hbm>> -> memref<2000xi32, #tpu.memory_space<hbm>>
        tpu.wait_dma2 semaphore(%run_scoped3A : memref<!tpu.dma_semaphore, #tpu.memory_space<semaphore_mem>>) src(%dma_wait3A_99 : memref<2000xi32, #tpu.memory_space<hbm>>) dst(%arg7 : memref<2000xi32, #tpu.memory_space<vmem>>)
        tpu.yield
      }) : () -> ()
      "tpu.region"() ({
        %run_scoped3A = tpu.sem_alloc : memref<!tpu.dma_semaphore, #tpu.memory_space<semaphore_mem>>
        %dma_start3A = tpu.memref_slice %arg3[%add3A_91] : memref<640000xi32, #tpu.memory_space<hbm>> -> memref<2000xi32, #tpu.memory_space<hbm>>
        %dma_start3A_98 = tpu.memref_slice %arg3[%add3A_91] : memref<640000xi32, #tpu.memory_space<hbm>> -> memref<2000xi32, #tpu.memory_space<hbm>>
        tpu.enqueue_dma source(%dma_start3A_98 : memref<2000xi32, #tpu.memory_space<hbm>>) target(%arg8 : memref<2000xi32, #tpu.memory_space<vmem>>) target_semaphore(%run_scoped3A : memref<!tpu.dma_semaphore, #tpu.memory_space<semaphore_mem>>)
        %dma_wait3A = tpu.memref_slice %arg3[%add3A_91] : memref<640000xi32, #tpu.memory_space<hbm>> -> memref<2000xi32, #tpu.memory_space<hbm>>
        %dma_wait3A_99 = tpu.memref_slice %arg3[%add3A_91] : memref<640000xi32, #tpu.memory_space<hbm>> -> memref<2000xi32, #tpu.memory_space<hbm>>
        tpu.wait_dma2 semaphore(%run_scoped3A : memref<!tpu.dma_semaphore, #tpu.memory_space<semaphore_mem>>) src(%dma_wait3A_99 : memref<2000xi32, #tpu.memory_space<hbm>>) dst(%arg8 : memref<2000xi32, #tpu.memory_space<vmem>>)
        tpu.yield
      }) : () -> ()
      %scan3A_92 = arith.constant 0 : i32
      %scan3A_93 = arith.constant 0 : i32
      %scan3A_94 = arith.constant 125 : i32
      %scan3A_95 = arith.addi %scan3A_93, %scan3A_94 : i32
      %scan3A_96 = arith.constant 1 : i32
      scf.for %scan3A_98 = %scan3A_93 to %scan3A_95 step %scan3A_96  : i32 {
        %mul3A_99 = arith.constant 16 : i32
        %mul3A_100 = arith.muli %scan3A_98, %mul3A_99 : i32
        %get3A = arith.index_cast %mul3A_100 : i32 to index
        %get3A_101 = tpu.vector_load %arg7[%get3A] {strides = array<i32>} : memref<2000xi32, #tpu.memory_space<vmem>>, vector<16xi32>,
        %mul3A_102 = arith.constant 16 : i32
        %mul3A_103 = arith.muli %scan3A_98, %mul3A_102 : i32
        %get3A_104 = arith.index_cast %mul3A_103 : i32 to index
        %get3A_105 = tpu.vector_load %arg8[%get3A_104] {strides = array<i32>} : memref<2000xi32, #tpu.memory_space<vmem>>, vector<16xi32>,
        %shift_right_logical3A = arith.constant 13 : i32
        %shift_right_logical3A_106 = vector.broadcast %shift_right_logical3A : i32 to vector<16xi32>
        %shift_right_logical3A_107 = arith.shrui %get3A_101, %shift_right_logical3A_106 : vector<16xi32>
        %and3A = arith.constant 8191 : i32
        %and3A_108 = vector.broadcast %and3A : i32 to vector<16xi32>
        %and3A_109 = arith.andi %get3A_101, %and3A_108 : vector<16xi32>
        %mul3A_110 = arith.constant 16 : i32
        %mul3A_111 = arith.muli %scan3A_98, %mul3A_110 : i32
        %add3A_112 = arith.addi %add3A_91, %mul3A_111 : i32
        %add3A_113 = vector.broadcast %add3A_112 : i32 to vector<16xi32>
        %add3A_114 = arith.addi %add3A_113, %iota3A : vector<16xi32>
        %ge3A = arith.constant 320000 : i32
        %ge3A_115 = vector.broadcast %ge3A : i32 to vector<16xi32>
        %ge3A_116 = arith.cmpi sge, %add3A_114, %ge3A_115 : vector<16xi32>
        %sub3A = arith.constant 320000 : i32
        %sub3A_117 = vector.broadcast %sub3A : i32 to vector<16xi32>
        %sub3A_118 = arith.subi %add3A_114, %sub3A_117 : vector<16xi32>
        %select_n3A = arith.select %ge3A_116, %sub3A_118, %add3A_114 : vector<16xi1>, vector<16xi32>
        %mul3A_119 = arith.constant 16 : i32
        %mul3A_120 = vector.broadcast %mul3A_119 : i32 to vector<16xi32>
        %mul3A_121 = arith.muli %shift_right_logical3A_107, %mul3A_120 : vector<16xi32>
        %add3A_122 = arith.addi %mul3A_121, %iota3A : vector<16xi32>
        %gather3A = tpu.vector_load_idx %arg10[%add3A_122] : memref<256xi32, #tpu.memory_space<vmem>>[vector<16xi32>], vector<16xi32>,
        %shift_right_logical3A_123 = arith.constant 7 : i32
        %shift_right_logical3A_124 = vector.broadcast %shift_right_logical3A_123 : i32 to vector<16xi32>
        %shift_right_logical3A_125 = arith.shrui %gather3A, %shift_right_logical3A_124 : vector<16xi32>
        %and3A_126 = arith.constant 127 : i32
        %and3A_127 = vector.broadcast %and3A_126 : i32 to vector<16xi32>
        %and3A_128 = arith.andi %gather3A, %and3A_127 : vector<16xi32>
        %mul3A_129 = arith.constant 16384 : i32
        %mul3A_130 = vector.broadcast %mul3A_129 : i32 to vector<16xi32>
        %mul3A_131 = arith.muli %get3A_105, %mul3A_130 : vector<16xi32>
        %add3A_132 = arith.addi %mul3A_131, %and3A_109 : vector<16xi32>
        tpu.vector_store_idx %arg11[%shift_right_logical3A_125, %and3A_128], %add3A_132 : memref<170x128xi32, #tpu.memory_space<vmem>>[vector<16xi32>, vector<16xi32>], vector<16xi32>,
        tpu.vector_store_idx %arg12[%shift_right_logical3A_125, %and3A_128], %select_n3A : memref<170x128xi32, #tpu.memory_space<vmem>>[vector<16xi32>, vector<16xi32>], vector<16xi32>,
        tpu.vector_store_idx %arg10[%add3A_122], %broadcast_in_dim3A_3 {add = true} : memref<256xi32, #tpu.memory_space<vmem>>[vector<16xi32>], vector<16xi32>,
      }
      %scan3A_97 = arith.constant 125 : i32
    }
    %scan3A_71 = arith.constant 10 : i32
    %mul3A_72 = arith.constant 512 : i32
    %mul3A_73 = arith.muli %arg1, %mul3A_72 : i32
    %add3A_74 = arith.constant 0 : i32
    %add3A_75 = arith.addi %mul3A_73, %add3A_74 : i32
    "tpu.region"() ({
      %run_scoped3A = tpu.sem_alloc : memref<!tpu.dma_semaphore, #tpu.memory_space<semaphore_mem>>
      %dma_start3A = arith.constant 0 : i32
      %dma_start3A_88 = tpu.memref_slice %arg22[%add3A_75, %dma_start3A] : memref<8320x64xf32, #tpu.memory_space<vmem_shared>> -> memref<128x64xf32, #tpu.memory_space<vmem_shared>>
      %dma_start3A_89 = arith.constant 0 : i32
      %dma_start3A_90 = tpu.memref_slice %arg22[%add3A_75, %dma_start3A_89] : memref<8320x64xf32, #tpu.memory_space<vmem_shared>> -> memref<128x64xf32, #tpu.memory_space<vmem_shared>>
      tpu.enqueue_dma source(%arg21 : memref<128x64xf32, #tpu.memory_space<vmem>>) target(%dma_start3A_90 : memref<128x64xf32, #tpu.memory_space<vmem_shared>>) target_semaphore(%run_scoped3A : memref<!tpu.dma_semaphore, #tpu.memory_space<semaphore_mem>>)
      %dma_wait3A = arith.constant 0 : i32
      %dma_wait3A_91 = tpu.memref_slice %arg22[%add3A_75, %dma_wait3A] : memref<8320x64xf32, #tpu.memory_space<vmem_shared>> -> memref<128x64xf32, #tpu.memory_space<vmem_shared>>
      %dma_wait3A_92 = arith.constant 0 : i32
      %dma_wait3A_93 = tpu.memref_slice %arg22[%add3A_75, %dma_wait3A_92] : memref<8320x64xf32, #tpu.memory_space<vmem_shared>> -> memref<128x64xf32, #tpu.memory_space<vmem_shared>>
      tpu.wait_dma2 semaphore(%run_scoped3A : memref<!tpu.dma_semaphore, #tpu.memory_space<semaphore_mem>>) src(%arg21 : memref<128x64xf32, #tpu.memory_space<vmem>>) dst(%dma_wait3A_93 : memref<128x64xf32, #tpu.memory_space<vmem_shared>>)
      tpu.yield
    }) : () -> ()
    %add3A_76 = arith.constant 128 : i32
    %add3A_77 = arith.addi %mul3A_73, %add3A_76 : i32
    "tpu.region"() ({
      %run_scoped3A = tpu.sem_alloc : memref<!tpu.dma_semaphore, #tpu.memory_space<semaphore_mem>>
      %dma_start3A = arith.constant 0 : i32
      %dma_start3A_88 = tpu.memref_slice %arg22[%add3A_77, %dma_start3A] : memref<8320x64xf32, #tpu.memory_space<vmem_shared>> -> memref<128x64xf32, #tpu.memory_space<vmem_shared>>
      %dma_start3A_89 = arith.constant 0 : i32
      %dma_start3A_90 = tpu.memref_slice %arg22[%add3A_77, %dma_start3A_89] : memref<8320x64xf32, #tpu.memory_space<vmem_shared>> -> memref<128x64xf32, #tpu.memory_space<vmem_shared>>
      tpu.enqueue_dma source(%arg21 : memref<128x64xf32, #tpu.memory_space<vmem>>) target(%dma_start3A_90 : memref<128x64xf32, #tpu.memory_space<vmem_shared>>) target_semaphore(%run_scoped3A : memref<!tpu.dma_semaphore, #tpu.memory_space<semaphore_mem>>)
      %dma_wait3A = arith.constant 0 : i32
      %dma_wait3A_91 = tpu.memref_slice %arg22[%add3A_77, %dma_wait3A] : memref<8320x64xf32, #tpu.memory_space<vmem_shared>> -> memref<128x64xf32, #tpu.memory_space<vmem_shared>>
      %dma_wait3A_92 = arith.constant 0 : i32
      %dma_wait3A_93 = tpu.memref_slice %arg22[%add3A_77, %dma_wait3A_92] : memref<8320x64xf32, #tpu.memory_space<vmem_shared>> -> memref<128x64xf32, #tpu.memory_space<vmem_shared>>
      tpu.wait_dma2 semaphore(%run_scoped3A : memref<!tpu.dma_semaphore, #tpu.memory_space<semaphore_mem>>) src(%arg21 : memref<128x64xf32, #tpu.memory_space<vmem>>) dst(%dma_wait3A_93 : memref<128x64xf32, #tpu.memory_space<vmem_shared>>)
      tpu.yield
    }) : () -> ()
    %add3A_78 = arith.constant 256 : i32
    %add3A_79 = arith.addi %mul3A_73, %add3A_78 : i32
    "tpu.region"() ({
      %run_scoped3A = tpu.sem_alloc : memref<!tpu.dma_semaphore, #tpu.memory_space<semaphore_mem>>
      %dma_start3A = arith.constant 0 : i32
      %dma_start3A_88 = tpu.memref_slice %arg22[%add3A_79, %dma_start3A] : memref<8320x64xf32, #tpu.memory_space<vmem_shared>> -> memref<128x64xf32, #tpu.memory_space<vmem_shared>>
      %dma_start3A_89 = arith.constant 0 : i32
      %dma_start3A_90 = tpu.memref_slice %arg22[%add3A_79, %dma_start3A_89] : memref<8320x64xf32, #tpu.memory_space<vmem_shared>> -> memref<128x64xf32, #tpu.memory_space<vmem_shared>>
      tpu.enqueue_dma source(%arg21 : memref<128x64xf32, #tpu.memory_space<vmem>>) target(%dma_start3A_90 : memref<128x64xf32, #tpu.memory_space<vmem_shared>>) target_semaphore(%run_scoped3A : memref<!tpu.dma_semaphore, #tpu.memory_space<semaphore_mem>>)
      %dma_wait3A = arith.constant 0 : i32
      %dma_wait3A_91 = tpu.memref_slice %arg22[%add3A_79, %dma_wait3A] : memref<8320x64xf32, #tpu.memory_space<vmem_shared>> -> memref<128x64xf32, #tpu.memory_space<vmem_shared>>
      %dma_wait3A_92 = arith.constant 0 : i32
      %dma_wait3A_93 = tpu.memref_slice %arg22[%add3A_79, %dma_wait3A_92] : memref<8320x64xf32, #tpu.memory_space<vmem_shared>> -> memref<128x64xf32, #tpu.memory_space<vmem_shared>>
      tpu.wait_dma2 semaphore(%run_scoped3A : memref<!tpu.dma_semaphore, #tpu.memory_space<semaphore_mem>>) src(%arg21 : memref<128x64xf32, #tpu.memory_space<vmem>>) dst(%dma_wait3A_93 : memref<128x64xf32, #tpu.memory_space<vmem_shared>>)
      tpu.yield
    }) : () -> ()
    %add3A_80 = arith.constant 384 : i32
    %add3A_81 = arith.addi %mul3A_73, %add3A_80 : i32
    "tpu.region"() ({
      %run_scoped3A = tpu.sem_alloc : memref<!tpu.dma_semaphore, #tpu.memory_space<semaphore_mem>>
      %dma_start3A = arith.constant 0 : i32
      %dma_start3A_88 = tpu.memref_slice %arg22[%add3A_81, %dma_start3A] : memref<8320x64xf32, #tpu.memory_space<vmem_shared>> -> memref<128x64xf32, #tpu.memory_space<vmem_shared>>
      %dma_start3A_89 = arith.constant 0 : i32
      %dma_start3A_90 = tpu.memref_slice %arg22[%add3A_81, %dma_start3A_89] : memref<8320x64xf32, #tpu.memory_space<vmem_shared>> -> memref<128x64xf32, #tpu.memory_space<vmem_shared>>
      tpu.enqueue_dma source(%arg21 : memref<128x64xf32, #tpu.memory_space<vmem>>) target(%dma_start3A_90 : memref<128x64xf32, #tpu.memory_space<vmem_shared>>) target_semaphore(%run_scoped3A : memref<!tpu.dma_semaphore, #tpu.memory_space<semaphore_mem>>)
      %dma_wait3A = arith.constant 0 : i32
      %dma_wait3A_91 = tpu.memref_slice %arg22[%add3A_81, %dma_wait3A] : memref<8320x64xf32, #tpu.memory_space<vmem_shared>> -> memref<128x64xf32, #tpu.memory_space<vmem_shared>>
      %dma_wait3A_92 = arith.constant 0 : i32
      %dma_wait3A_93 = tpu.memref_slice %arg22[%add3A_81, %dma_wait3A_92] : memref<8320x64xf32, #tpu.memory_space<vmem_shared>> -> memref<128x64xf32, #tpu.memory_space<vmem_shared>>
      tpu.wait_dma2 semaphore(%run_scoped3A : memref<!tpu.dma_semaphore, #tpu.memory_space<semaphore_mem>>) src(%arg21 : memref<128x64xf32, #tpu.memory_space<vmem>>) dst(%dma_wait3A_93 : memref<128x64xf32, #tpu.memory_space<vmem_shared>>)
      tpu.yield
    }) : () -> ()
    %barrier3A = arith.constant 0 : index
    tpu.barrier barrier_id(%barrier3A)
    %scan3A_82 = arith.constant 0 : i32
    %scan3A_83 = arith.constant 0 : i32
    %scan3A_84 = arith.constant 13 : i32
    %scan3A_85 = arith.addi %scan3A_83, %scan3A_84 : i32
    %scan3A_86 = arith.constant 1 : i32
    scf.for %scan3A_88 = %scan3A_83 to %scan3A_85 step %scan3A_86  : i32 {
      %get3A = arith.index_cast %scan3A_88 : i32 to index
      %get3A_89 = memref.load %arg23[%get3A] : memref<14xi32, #tpu.memory_space<smem>>
      %add3A_90 = arith.constant 1 : i32
      %add3A_91 = arith.addi %scan3A_88, %add3A_90 : i32
      %get3A_92 = arith.index_cast %add3A_91 : i32 to index
      %get3A_93 = memref.load %arg23[%get3A_92] : memref<14xi32, #tpu.memory_space<smem>>
      %sub3A = arith.subi %get3A_93, %get3A_89 : i32
      %shift_right_logical3A = arith.constant 7 : i32
      %shift_right_logical3A_94 = arith.shrui %sub3A, %shift_right_logical3A : i32
      %shift_right_logical3A_95 = arith.constant 7 : i32
      %shift_right_logical3A_96 = arith.shrui %get3A_89, %shift_right_logical3A_95 : i32
      %gt3A = arith.constant 0 : i32
      %gt3A_97 = arith.cmpi sgt, %shift_right_logical3A_94, %gt3A : i32
      %convert_element_type3A = arith.extui %gt3A_97 : i1 to i32
      %cond3A = arith.constant 0 : i32
      %cond3A_98 = arith.cmpi ne, %convert_element_type3A, %cond3A : i32
      scf.if %cond3A_98 {
        %get3A_124 = arith.index_cast %shift_right_logical3A_96 : i32 to index
        %get3A_125 = arith.constant 0 : index
        %get3A_126 = tpu.vector_load %arg11[%get3A_124, %get3A_125] {strides = array<i32>} : memref<170x128xi32, #tpu.memory_space<vmem>>, vector<16xi32>,
        %shift_right_logical3A_127 = arith.constant 14 : i32
        %shift_right_logical3A_128 = vector.broadcast %shift_right_logical3A_127 : i32 to vector<16xi32>
        %shift_right_logical3A_129 = arith.shrui %get3A_126, %shift_right_logical3A_128 : vector<16xi32>
        %swap3A_130 = arith.constant 0 : index
        %swap3A_131 = tpu.vector_load %arg13[%swap3A_130] {strides = array<i32>} : memref<128xi32, #tpu.memory_space<vmem>>, vector<16xi32>,
        tpu.vector_store %arg13[%swap3A_130], %shift_right_logical3A_129 {strides = array<i32>} : memref<128xi32, #tpu.memory_space<vmem>>, vector<16xi32>,
        %get3A_132 = arith.index_cast %shift_right_logical3A_96 : i32 to index
        %get3A_133 = arith.constant 16 : index
        %get3A_134 = tpu.vector_load %arg11[%get3A_132, %get3A_133] {strides = array<i32>} : memref<170x128xi32, #tpu.memory_space<vmem>>, vector<16xi32>,
        %shift_right_logical3A_135 = arith.constant 14 : i32
        %shift_right_logical3A_136 = vector.broadcast %shift_right_logical3A_135 : i32 to vector<16xi32>
        %shift_right_logical3A_137 = arith.shrui %get3A_134, %shift_right_logical3A_136 : vector<16xi32>
        %swap3A_138 = arith.constant 16 : index
        %swap3A_139 = tpu.vector_load %arg13[%swap3A_138] {strides = array<i32>} : memref<128xi32, #tpu.memory_space<vmem>>, vector<16xi32>,
        tpu.vector_store %arg13[%swap3A_138], %shift_right_logical3A_137 {strides = array<i32>} : memref<128xi32, #tpu.memory_space<vmem>>, vector<16xi32>,
        %get3A_140 = arith.index_cast %shift_right_logical3A_96 : i32 to index
        %get3A_141 = arith.constant 32 : index
        %get3A_142 = tpu.vector_load %arg11[%get3A_140, %get3A_141] {strides = array<i32>} : memref<170x128xi32, #tpu.memory_space<vmem>>, vector<16xi32>,
        %shift_right_logical3A_143 = arith.constant 14 : i32
        %shift_right_logical3A_144 = vector.broadcast %shift_right_logical3A_143 : i32 to vector<16xi32>
        %shift_right_logical3A_145 = arith.shrui %get3A_142, %shift_right_logical3A_144 : vector<16xi32>
        %swap3A_146 = arith.constant 32 : index
        %swap3A_147 = tpu.vector_load %arg13[%swap3A_146] {strides = array<i32>} : memref<128xi32, #tpu.memory_space<vmem>>, vector<16xi32>,
        tpu.vector_store %arg13[%swap3A_146], %shift_right_logical3A_145 {strides = array<i32>} : memref<128xi32, #tpu.memory_space<vmem>>, vector<16xi32>,
        %get3A_148 = arith.index_cast %shift_right_logical3A_96 : i32 to index
        %get3A_149 = arith.constant 48 : index
        %get3A_150 = tpu.vector_load %arg11[%get3A_148, %get3A_149] {strides = array<i32>} : memref<170x128xi32, #tpu.memory_space<vmem>>, vector<16xi32>,
        %shift_right_logical3A_151 = arith.constant 14 : i32
        %shift_right_logical3A_152 = vector.broadcast %shift_right_logical3A_151 : i32 to vector<16xi32>
        %shift_right_logical3A_153 = arith.shrui %get3A_150, %shift_right_logical3A_152 : vector<16xi32>
        %swap3A_154 = arith.constant 48 : index
        %swap3A_155 = tpu.vector_load %arg13[%swap3A_154] {strides = array<i32>} : memref<128xi32, #tpu.memory_space<vmem>>, vector<16xi32>,
        tpu.vector_store %arg13[%swap3A_154], %shift_right_logical3A_153 {strides = array<i32>} : memref<128xi32, #tpu.memory_space<vmem>>, vector<16xi32>,
        %get3A_156 = arith.index_cast %shift_right_logical3A_96 : i32 to index
        %get3A_157 = arith.constant 64 : index
        %get3A_158 = tpu.vector_load %arg11[%get3A_156, %get3A_157] {strides = array<i32>} : memref<170x128xi32, #tpu.memory_space<vmem>>, vector<16xi32>,
        %shift_right_logical3A_159 = arith.constant 14 : i32
        %shift_right_logical3A_160 = vector.broadcast %shift_right_logical3A_159 : i32 to vector<16xi32>
        %shift_right_logical3A_161 = arith.shrui %get3A_158, %shift_right_logical3A_160 : vector<16xi32>
        %swap3A_162 = arith.constant 64 : index
        %swap3A_163 = tpu.vector_load %arg13[%swap3A_162] {strides = array<i32>} : memref<128xi32, #tpu.memory_space<vmem>>, vector<16xi32>,
        tpu.vector_store %arg13[%swap3A_162], %shift_right_logical3A_161 {strides = array<i32>} : memref<128xi32, #tpu.memory_space<vmem>>, vector<16xi32>,
        %get3A_164 = arith.index_cast %shift_right_logical3A_96 : i32 to index
        %get3A_165 = arith.constant 80 : index
        %get3A_166 = tpu.vector_load %arg11[%get3A_164, %get3A_165] {strides = array<i32>} : memref<170x128xi32, #tpu.memory_space<vmem>>, vector<16xi32>,
        %shift_right_logical3A_167 = arith.constant 14 : i32
        %shift_right_logical3A_168 = vector.broadcast %shift_right_logical3A_167 : i32 to vector<16xi32>
        %shift_right_logical3A_169 = arith.shrui %get3A_166, %shift_right_logical3A_168 : vector<16xi32>
        %swap3A_170 = arith.constant 80 : index
        %swap3A_171 = tpu.vector_load %arg13[%swap3A_170] {strides = array<i32>} : memref<128xi32, #tpu.memory_space<vmem>>, vector<16xi32>,
        tpu.vector_store %arg13[%swap3A_170], %shift_right_logical3A_169 {strides = array<i32>} : memref<128xi32, #tpu.memory_space<vmem>>, vector<16xi32>,
        %get3A_172 = arith.index_cast %shift_right_logical3A_96 : i32 to index
        %get3A_173 = arith.constant 96 : index
        %get3A_174 = tpu.vector_load %arg11[%get3A_172, %get3A_173] {strides = array<i32>} : memref<170x128xi32, #tpu.memory_space<vmem>>, vector<16xi32>,
        %shift_right_logical3A_175 = arith.constant 14 : i32
        %shift_right_logical3A_176 = vector.broadcast %shift_right_logical3A_175 : i32 to vector<16xi32>
        %shift_right_logical3A_177 = arith.shrui %get3A_174, %shift_right_logical3A_176 : vector<16xi32>
        %swap3A_178 = arith.constant 96 : index
        %swap3A_179 = tpu.vector_load %arg13[%swap3A_178] {strides = array<i32>} : memref<128xi32, #tpu.memory_space<vmem>>, vector<16xi32>,
        tpu.vector_store %arg13[%swap3A_178], %shift_right_logical3A_177 {strides = array<i32>} : memref<128xi32, #tpu.memory_space<vmem>>, vector<16xi32>,
        %get3A_180 = arith.index_cast %shift_right_logical3A_96 : i32 to index
        %get3A_181 = arith.constant 112 : index
        %get3A_182 = tpu.vector_load %arg11[%get3A_180, %get3A_181] {strides = array<i32>} : memref<170x128xi32, #tpu.memory_space<vmem>>, vector<16xi32>,
        %shift_right_logical3A_183 = arith.constant 14 : i32
        %shift_right_logical3A_184 = vector.broadcast %shift_right_logical3A_183 : i32 to vector<16xi32>
        %shift_right_logical3A_185 = arith.shrui %get3A_182, %shift_right_logical3A_184 : vector<16xi32>
        %swap3A_186 = arith.constant 112 : index
        %swap3A_187 = tpu.vector_load %arg13[%swap3A_186] {strides = array<i32>} : memref<128xi32, #tpu.memory_space<vmem>>, vector<16xi32>,
        tpu.vector_store %arg13[%swap3A_186], %shift_right_logical3A_185 {strides = array<i32>} : memref<128xi32, #tpu.memory_space<vmem>>, vector<16xi32>,
        %dma_start3A = arith.constant 0 : i32
        %dma_start3A_188 = arith.constant 0 : i32
        %dma_start3A_189 = tpu.memref_slice %arg4[%dma_start3A, %dma_start3A_188] : memref<100000x64xf32, #tpu.memory_space<hbm>> -> memref<100000x64xf32, #tpu.memory_space<hbm>>
        tpu.enqueue_indirect_dma source(%dma_start3A_189 : memref<100000x64xf32, #tpu.memory_space<hbm>>) target(%arg17 : memref<128x64xf32, #tpu.memory_space<vmem>>) offsets(%arg13 : memref<128xi32, #tpu.memory_space<vmem>>) semaphore(%arg24 : memref<!tpu.dma_semaphore, #tpu.memory_space<semaphore_mem>>)
        %dma_start3A_190 = arith.constant 0 : i32
        %dma_start3A_191 = tpu.memref_slice %arg12[%shift_right_logical3A_96, %dma_start3A_190] : memref<170x128xi32, #tpu.memory_space<vmem>> -> memref<1x128xi32, #tpu.memory_space<vmem>>
        %dma_start3A_192 = tpu.memref_squeeze %dma_start3A_191 : memref<1x128xi32, #tpu.memory_space<vmem>> -> memref<128xi32, #tpu.memory_space<vmem>>
        %dma_start3A_193 = arith.constant 0 : i32
        %dma_start3A_194 = arith.constant 0 : i32
        %dma_start3A_195 = tpu.memref_slice %arg5[%dma_start3A_193, %dma_start3A_194] : memref<320000x64xf32, #tpu.memory_space<hbm>> -> memref<320000x64xf32, #tpu.memory_space<hbm>>
        tpu.enqueue_indirect_dma source(%dma_start3A_195 : memref<320000x64xf32, #tpu.memory_space<hbm>>) target(%arg18 : memref<128x64xf32, #tpu.memory_space<vmem>>) offsets(%dma_start3A_192 : memref<128xi32, #tpu.memory_space<vmem>>) semaphore(%arg25 : memref<!tpu.dma_semaphore, #tpu.memory_space<semaphore_mem>>)
      } else {
      }
      %add3A_99 = arith.constant 1 : i32
      %add3A_100 = arith.addi %shift_right_logical3A_94, %add3A_99 : i32
      %shift_right_arithmetic3A = arith.constant 1 : i32
      %shift_right_arithmetic3A_101 = arith.shrsi %add3A_100, %shift_right_arithmetic3A : i32
      %while3A = arith.constant 0 : i32
      %while3A_102 = arith.constant 0 : i32
      %while3A_103 = arith.subi %shift_right_arithmetic3A_101, %while3A_102 : i32
      %while3A_104 = arith.addi %while3A_102, %while3A_103 : i32
      %while3A_105 = arith.constant 1 : i32
      %while3A_106 = arith.divsi %while3A_103, %while3A_105 : i32
      %while3A_107 = arith.muli %while3A_106, %while3A_105 : i32
      %while3A_108 = arith.addi %while3A_102, %while3A_107 : i32
      %while3A_109 = arith.constant 1 : i32
      scf.for %while3A_124 = %while3A_102 to %while3A_108 step %while3A_109  : i32 {
        %mul3A_125 = arith.constant 2 : i32
        %mul3A_126 = arith.muli %mul3A_125, %while3A_124 : i32
        %add3A_127 = arith.addi %shift_right_logical3A_96, %mul3A_126 : i32
        %add3A_128 = arith.constant 1 : i32
        %add3A_129 = arith.addi %mul3A_126, %add3A_128 : i32
        %lt3A = arith.cmpi slt, %add3A_129, %shift_right_logical3A_94 : i32
        %convert_element_type3A_130 = arith.extui %lt3A : i1 to i32
        %cond3A_131 = arith.constant 0 : i32
        %cond3A_132 = arith.cmpi ne, %convert_element_type3A_130, %cond3A_131 : i32
        scf.if %cond3A_132 {
          %add3A_259 = arith.constant 1 : i32
          %add3A_260 = arith.addi %add3A_127, %add3A_259 : i32
          %get3A_261 = arith.index_cast %add3A_260 : i32 to index
          %get3A_262 = arith.constant 0 : index
          %get3A_263 = tpu.vector_load %arg11[%get3A_261, %get3A_262] {strides = array<i32>} : memref<170x128xi32, #tpu.memory_space<vmem>>, vector<16xi32>,
          %shift_right_logical3A_264 = arith.constant 14 : i32
          %shift_right_logical3A_265 = vector.broadcast %shift_right_logical3A_264 : i32 to vector<16xi32>
          %shift_right_logical3A_266 = arith.shrui %get3A_263, %shift_right_logical3A_265 : vector<16xi32>
          %swap3A_267 = arith.constant 0 : index
          %swap3A_268 = tpu.vector_load %arg14[%swap3A_267] {strides = array<i32>} : memref<128xi32, #tpu.memory_space<vmem>>, vector<16xi32>,
          tpu.vector_store %arg14[%swap3A_267], %shift_right_logical3A_266 {strides = array<i32>} : memref<128xi32, #tpu.memory_space<vmem>>, vector<16xi32>,
          %get3A_269 = arith.index_cast %add3A_260 : i32 to index
          %get3A_270 = arith.constant 16 : index
          %get3A_271 = tpu.vector_load %arg11[%get3A_269, %get3A_270] {strides = array<i32>} : memref<170x128xi32, #tpu.memory_space<vmem>>, vector<16xi32>,
          %shift_right_logical3A_272 = arith.constant 14 : i32
          %shift_right_logical3A_273 = vector.broadcast %shift_right_logical3A_272 : i32 to vector<16xi32>
          %shift_right_logical3A_274 = arith.shrui %get3A_271, %shift_right_logical3A_273 : vector<16xi32>
          %swap3A_275 = arith.constant 16 : index
          %swap3A_276 = tpu.vector_load %arg14[%swap3A_275] {strides = array<i32>} : memref<128xi32, #tpu.memory_space<vmem>>, vector<16xi32>,
          tpu.vector_store %arg14[%swap3A_275], %shift_right_logical3A_274 {strides = array<i32>} : memref<128xi32, #tpu.memory_space<vmem>>, vector<16xi32>,
          %get3A_277 = arith.index_cast %add3A_260 : i32 to index
          %get3A_278 = arith.constant 32 : index
          %get3A_279 = tpu.vector_load %arg11[%get3A_277, %get3A_278] {strides = array<i32>} : memref<170x128xi32, #tpu.memory_space<vmem>>, vector<16xi32>,
          %shift_right_logical3A_280 = arith.constant 14 : i32
          %shift_right_logical3A_281 = vector.broadcast %shift_right_logical3A_280 : i32 to vector<16xi32>
          %shift_right_logical3A_282 = arith.shrui %get3A_279, %shift_right_logical3A_281 : vector<16xi32>
          %swap3A_283 = arith.constant 32 : index
          %swap3A_284 = tpu.vector_load %arg14[%swap3A_283] {strides = array<i32>} : memref<128xi32, #tpu.memory_space<vmem>>, vector<16xi32>,
          tpu.vector_store %arg14[%swap3A_283], %shift_right_logical3A_282 {strides = array<i32>} : memref<128xi32, #tpu.memory_space<vmem>>, vector<16xi32>,
          %get3A_285 = arith.index_cast %add3A_260 : i32 to index
          %get3A_286 = arith.constant 48 : index
          %get3A_287 = tpu.vector_load %arg11[%get3A_285, %get3A_286] {strides = array<i32>} : memref<170x128xi32, #tpu.memory_space<vmem>>, vector<16xi32>,
          %shift_right_logical3A_288 = arith.constant 14 : i32
          %shift_right_logical3A_289 = vector.broadcast %shift_right_logical3A_288 : i32 to vector<16xi32>
          %shift_right_logical3A_290 = arith.shrui %get3A_287, %shift_right_logical3A_289 : vector<16xi32>
          %swap3A_291 = arith.constant 48 : index
          %swap3A_292 = tpu.vector_load %arg14[%swap3A_291] {strides = array<i32>} : memref<128xi32, #tpu.memory_space<vmem>>, vector<16xi32>,
          tpu.vector_store %arg14[%swap3A_291], %shift_right_logical3A_290 {strides = array<i32>} : memref<128xi32, #tpu.memory_space<vmem>>, vector<16xi32>,
          %get3A_293 = arith.index_cast %add3A_260 : i32 to index
          %get3A_294 = arith.constant 64 : index
          %get3A_295 = tpu.vector_load %arg11[%get3A_293, %get3A_294] {strides = array<i32>} : memref<170x128xi32, #tpu.memory_space<vmem>>, vector<16xi32>,
          %shift_right_logical3A_296 = arith.constant 14 : i32
          %shift_right_logical3A_297 = vector.broadcast %shift_right_logical3A_296 : i32 to vector<16xi32>
          %shift_right_logical3A_298 = arith.shrui %get3A_295, %shift_right_logical3A_297 : vector<16xi32>
          %swap3A_299 = arith.constant 64 : index
          %swap3A_300 = tpu.vector_load %arg14[%swap3A_299] {strides = array<i32>} : memref<128xi32, #tpu.memory_space<vmem>>, vector<16xi32>,
          tpu.vector_store %arg14[%swap3A_299], %shift_right_logical3A_298 {strides = array<i32>} : memref<128xi32, #tpu.memory_space<vmem>>, vector<16xi32>,
          %get3A_301 = arith.index_cast %add3A_260 : i32 to index
          %get3A_302 = arith.constant 80 : index
          %get3A_303 = tpu.vector_load %arg11[%get3A_301, %get3A_302] {strides = array<i32>} : memref<170x128xi32, #tpu.memory_space<vmem>>, vector<16xi32>,
          %shift_right_logical3A_304 = arith.constant 14 : i32
          %shift_right_logical3A_305 = vector.broadcast %shift_right_logical3A_304 : i32 to vector<16xi32>
          %shift_right_logical3A_306 = arith.shrui %get3A_303, %shift_right_logical3A_305 : vector<16xi32>
          %swap3A_307 = arith.constant 80 : index
          %swap3A_308 = tpu.vector_load %arg14[%swap3A_307] {strides = array<i32>} : memref<128xi32, #tpu.memory_space<vmem>>, vector<16xi32>,
          tpu.vector_store %arg14[%swap3A_307], %shift_right_logical3A_306 {strides = array<i32>} : memref<128xi32, #tpu.memory_space<vmem>>, vector<16xi32>,
          %get3A_309 = arith.index_cast %add3A_260 : i32 to index
          %get3A_310 = arith.constant 96 : index
          %get3A_311 = tpu.vector_load %arg11[%get3A_309, %get3A_310] {strides = array<i32>} : memref<170x128xi32, #tpu.memory_space<vmem>>, vector<16xi32>,
          %shift_right_logical3A_312 = arith.constant 14 : i32
          %shift_right_logical3A_313 = vector.broadcast %shift_right_logical3A_312 : i32 to vector<16xi32>
          %shift_right_logical3A_314 = arith.shrui %get3A_311, %shift_right_logical3A_313 : vector<16xi32>
          %swap3A_315 = arith.constant 96 : index
          %swap3A_316 = tpu.vector_load %arg14[%swap3A_315] {strides = array<i32>} : memref<128xi32, #tpu.memory_space<vmem>>, vector<16xi32>,
          tpu.vector_store %arg14[%swap3A_315], %shift_right_logical3A_314 {strides = array<i32>} : memref<128xi32, #tpu.memory_space<vmem>>, vector<16xi32>,
          %get3A_317 = arith.index_cast %add3A_260 : i32 to index
          %get3A_318 = arith.constant 112 : index
          %get3A_319 = tpu.vector_load %arg11[%get3A_317, %get3A_318] {strides = array<i32>} : memref<170x128xi32, #tpu.memory_space<vmem>>, vector<16xi32>,
          %shift_right_logical3A_320 = arith.constant 14 : i32
          %shift_right_logical3A_321 = vector.broadcast %shift_right_logical3A_320 : i32 to vector<16xi32>
          %shift_right_logical3A_322 = arith.shrui %get3A_319, %shift_right_logical3A_321 : vector<16xi32>
          %swap3A_323 = arith.constant 112 : index
          %swap3A_324 = tpu.vector_load %arg14[%swap3A_323] {strides = array<i32>} : memref<128xi32, #tpu.memory_space<vmem>>, vector<16xi32>,
          tpu.vector_store %arg14[%swap3A_323], %shift_right_logical3A_322 {strides = array<i32>} : memref<128xi32, #tpu.memory_space<vmem>>, vector<16xi32>,
          %dma_start3A = arith.constant 0 : i32
          %dma_start3A_325 = arith.constant 0 : i32
          %dma_start3A_326 = tpu.memref_slice %arg4[%dma_start3A, %dma_start3A_325] : memref<100000x64xf32, #tpu.memory_space<hbm>> -> memref<100000x64xf32, #tpu.memory_space<hbm>>
          tpu.enqueue_indirect_dma source(%dma_start3A_326 : memref<100000x64xf32, #tpu.memory_space<hbm>>) target(%arg19 : memref<128x64xf32, #tpu.memory_space<vmem>>) offsets(%arg14 : memref<128xi32, #tpu.memory_space<vmem>>) semaphore(%arg26 : memref<!tpu.dma_semaphore, #tpu.memory_space<semaphore_mem>>)
          %dma_start3A_327 = arith.constant 0 : i32
          %dma_start3A_328 = tpu.memref_slice %arg12[%add3A_260, %dma_start3A_327] : memref<170x128xi32, #tpu.memory_space<vmem>> -> memref<1x128xi32, #tpu.memory_space<vmem>>
          %dma_start3A_329 = tpu.memref_squeeze %dma_start3A_328 : memref<1x128xi32, #tpu.memory_space<vmem>> -> memref<128xi32, #tpu.memory_space<vmem>>
          %dma_start3A_330 = arith.constant 0 : i32
          %dma_start3A_331 = arith.constant 0 : i32
          %dma_start3A_332 = tpu.memref_slice %arg5[%dma_start3A_330, %dma_start3A_331] : memref<320000x64xf32, #tpu.memory_space<hbm>> -> memref<320000x64xf32, #tpu.memory_space<hbm>>
          tpu.enqueue_indirect_dma source(%dma_start3A_332 : memref<320000x64xf32, #tpu.memory_space<hbm>>) target(%arg20 : memref<128x64xf32, #tpu.memory_space<vmem>>) offsets(%dma_start3A_329 : memref<128xi32, #tpu.memory_space<vmem>>) semaphore(%arg27 : memref<!tpu.dma_semaphore, #tpu.memory_space<semaphore_mem>>)
        } else {
        }
        %dma_wait3A = arith.constant 0 : i32
        %dma_wait3A_133 = arith.constant 0 : i32
        %dma_wait3A_134 = tpu.memref_slice %arg4[%dma_wait3A, %dma_wait3A_133] : memref<100000x64xf32, #tpu.memory_space<hbm>> -> memref<100000x64xf32, #tpu.memory_space<hbm>>
        tpu.wait_indirect_dma semaphore(%arg24 : memref<!tpu.dma_semaphore, #tpu.memory_space<semaphore_mem>>) src(%dma_wait3A_134 : memref<100000x64xf32, #tpu.memory_space<hbm>>) dst(%arg17 : memref<128x64xf32, #tpu.memory_space<vmem>>)
        %dma_wait3A_135 = arith.constant 0 : i32
        %dma_wait3A_136 = tpu.memref_slice %arg12[%add3A_127, %dma_wait3A_135] : memref<170x128xi32, #tpu.memory_space<vmem>> -> memref<1x128xi32, #tpu.memory_space<vmem>>
        %dma_wait3A_137 = tpu.memref_squeeze %dma_wait3A_136 : memref<1x128xi32, #tpu.memory_space<vmem>> -> memref<128xi32, #tpu.memory_space<vmem>>
        %dma_wait3A_138 = arith.constant 0 : i32
        %dma_wait3A_139 = arith.constant 0 : i32
        %dma_wait3A_140 = tpu.memref_slice %arg5[%dma_wait3A_138, %dma_wait3A_139] : memref<320000x64xf32, #tpu.memory_space<hbm>> -> memref<320000x64xf32, #tpu.memory_space<hbm>>
        tpu.wait_indirect_dma semaphore(%arg25 : memref<!tpu.dma_semaphore, #tpu.memory_space<semaphore_mem>>) src(%dma_wait3A_140 : memref<320000x64xf32, #tpu.memory_space<hbm>>) dst(%arg18 : memref<128x64xf32, #tpu.memory_space<vmem>>)
        %scan3A_141 = arith.constant 0 : i32
        %scan3A_142 = arith.constant 0 : i32
        %get3A_143 = arith.index_cast %scan3A_142 : i32 to index
        %get3A_144 = arith.constant 0 : index
        %get3A_145 = tpu.vector_load %arg17[%get3A_143, %get3A_144] {strides = array<i32>} : memref<128x64xf32, #tpu.memory_space<vmem>>, vector<16xf32>,
        %get3A_146 = arith.index_cast %scan3A_142 : i32 to index
        %get3A_147 = arith.constant 0 : index
        %get3A_148 = tpu.vector_load %arg18[%get3A_146, %get3A_147] {strides = array<i32>} : memref<128x64xf32, #tpu.memory_space<vmem>>, vector<16xf32>,
        %mul3A_149 = arith.mulf %get3A_145, %get3A_148 : vector<16xf32>
        %swap3A_150 = arith.index_cast %scan3A_142 : i32 to index
        %swap3A_151 = arith.constant 0 : index
        %swap3A_152 = tpu.vector_load %arg17[%swap3A_150, %swap3A_151] {strides = array<i32>} : memref<128x64xf32, #tpu.memory_space<vmem>>, vector<16xf32>,
        tpu.vector_store %arg17[%swap3A_150, %swap3A_151], %mul3A_149 {strides = array<i32>} : memref<128x64xf32, #tpu.memory_space<vmem>>, vector<16xf32>,
        %get3A_153 = arith.index_cast %scan3A_142 : i32 to index
        %get3A_154 = arith.constant 16 : index
        %get3A_155 = tpu.vector_load %arg17[%get3A_153, %get3A_154] {strides = array<i32>} : memref<128x64xf32, #tpu.memory_space<vmem>>, vector<16xf32>,
        %get3A_156 = arith.index_cast %scan3A_142 : i32 to index
        %get3A_157 = arith.constant 16 : index
        %get3A_158 = tpu.vector_load %arg18[%get3A_156, %get3A_157] {strides = array<i32>} : memref<128x64xf32, #tpu.memory_space<vmem>>, vector<16xf32>,
        %mul3A_159 = arith.mulf %get3A_155, %get3A_158 : vector<16xf32>
        %swap3A_160 = arith.index_cast %scan3A_142 : i32 to index
        %swap3A_161 = arith.constant 16 : index
        %swap3A_162 = tpu.vector_load %arg17[%swap3A_160, %swap3A_161] {strides = array<i32>} : memref<128x64xf32, #tpu.memory_space<vmem>>, vector<16xf32>,
        tpu.vector_store %arg17[%swap3A_160, %swap3A_161], %mul3A_159 {strides = array<i32>} : memref<128x64xf32, #tpu.memory_space<vmem>>, vector<16xf32>,
        %get3A_163 = arith.index_cast %scan3A_142 : i32 to index
        %get3A_164 = arith.constant 32 : index
        %get3A_165 = tpu.vector_load %arg17[%get3A_163, %get3A_164] {strides = array<i32>} : memref<128x64xf32, #tpu.memory_space<vmem>>, vector<16xf32>,
        %get3A_166 = arith.index_cast %scan3A_142 : i32 to index
        %get3A_167 = arith.constant 32 : index
        %get3A_168 = tpu.vector_load %arg18[%get3A_166, %get3A_167] {strides = array<i32>} : memref<128x64xf32, #tpu.memory_space<vmem>>, vector<16xf32>,
        %mul3A_169 = arith.mulf %get3A_165, %get3A_168 : vector<16xf32>
        %swap3A_170 = arith.index_cast %scan3A_142 : i32 to index
        %swap3A_171 = arith.constant 32 : index
        %swap3A_172 = tpu.vector_load %arg17[%swap3A_170, %swap3A_171] {strides = array<i32>} : memref<128x64xf32, #tpu.memory_space<vmem>>, vector<16xf32>,
        tpu.vector_store %arg17[%swap3A_170, %swap3A_171], %mul3A_169 {strides = array<i32>} : memref<128x64xf32, #tpu.memory_space<vmem>>, vector<16xf32>,
        %get3A_173 = arith.index_cast %scan3A_142 : i32 to index
        %get3A_174 = arith.constant 48 : index
        %get3A_175 = tpu.vector_load %arg17[%get3A_173, %get3A_174] {strides = array<i32>} : memref<128x64xf32, #tpu.memory_space<vmem>>, vector<16xf32>,
        %get3A_176 = arith.index_cast %scan3A_142 : i32 to index
        %get3A_177 = arith.constant 48 : index
        %get3A_178 = tpu.vector_load %arg18[%get3A_176, %get3A_177] {strides = array<i32>} : memref<128x64xf32, #tpu.memory_space<vmem>>, vector<16xf32>,
        %mul3A_179 = arith.mulf %get3A_175, %get3A_178 : vector<16xf32>
        %swap3A_180 = arith.index_cast %scan3A_142 : i32 to index
        %swap3A_181 = arith.constant 48 : index
        %swap3A_182 = tpu.vector_load %arg17[%swap3A_180, %swap3A_181] {strides = array<i32>} : memref<128x64xf32, #tpu.memory_space<vmem>>, vector<16xf32>,
        tpu.vector_store %arg17[%swap3A_180, %swap3A_181], %mul3A_179 {strides = array<i32>} : memref<128x64xf32, #tpu.memory_space<vmem>>, vector<16xf32>,
        %scan3A_183 = arith.constant 1 : i32
        %get3A_184 = arith.index_cast %add3A_127 : i32 to index
        %get3A_185 = arith.constant 0 : index
        %get3A_186 = tpu.vector_load %arg11[%get3A_184, %get3A_185] {strides = array<i32>} : memref<170x128xi32, #tpu.memory_space<vmem>>, vector<16xi32>,
        %and3A = arith.constant 16383 : i32
        %and3A_187 = vector.broadcast %and3A : i32 to vector<16xi32>
        %and3A_188 = arith.andi %get3A_186, %and3A_187 : vector<16xi32>
        %swap3A_189 = arith.constant 0 : index
        %swap3A_190 = tpu.vector_load %arg15[%swap3A_189] {strides = array<i32>} : memref<128xi32, #tpu.memory_space<vmem>>, vector<16xi32>,
        tpu.vector_store %arg15[%swap3A_189], %and3A_188 {strides = array<i32>} : memref<128xi32, #tpu.memory_space<vmem>>, vector<16xi32>,
        %get3A_191 = arith.index_cast %add3A_127 : i32 to index
        %get3A_192 = arith.constant 16 : index
        %get3A_193 = tpu.vector_load %arg11[%get3A_191, %get3A_192] {strides = array<i32>} : memref<170x128xi32, #tpu.memory_space<vmem>>, vector<16xi32>,
        %and3A_194 = arith.constant 16383 : i32
        %and3A_195 = vector.broadcast %and3A_194 : i32 to vector<16xi32>
        %and3A_196 = arith.andi %get3A_193, %and3A_195 : vector<16xi32>
        %swap3A_197 = arith.constant 16 : index
        %swap3A_198 = tpu.vector_load %arg15[%swap3A_197] {strides = array<i32>} : memref<128xi32, #tpu.memory_space<vmem>>, vector<16xi32>,
        tpu.vector_store %arg15[%swap3A_197], %and3A_196 {strides = array<i32>} : memref<128xi32, #tpu.memory_space<vmem>>, vector<16xi32>,
        %get3A_199 = arith.index_cast %add3A_127 : i32 to index
        %get3A_200 = arith.constant 32 : index
        %get3A_201 = tpu.vector_load %arg11[%get3A_199, %get3A_200] {strides = array<i32>} : memref<170x128xi32, #tpu.memory_space<vmem>>, vector<16xi32>,
        %and3A_202 = arith.constant 16383 : i32
        %and3A_203 = vector.broadcast %and3A_202 : i32 to vector<16xi32>
        %and3A_204 = arith.andi %get3A_201, %and3A_203 : vector<16xi32>
        %swap3A_205 = arith.constant 32 : index
        %swap3A_206 = tpu.vector_load %arg15[%swap3A_205] {strides = array<i32>} : memref<128xi32, #tpu.memory_space<vmem>>, vector<16xi32>,
        tpu.vector_store %arg15[%swap3A_205], %and3A_204 {strides = array<i32>} : memref<128xi32, #tpu.memory_space<vmem>>, vector<16xi32>,
        %get3A_207 = arith.index_cast %add3A_127 : i32 to index
        %get3A_208 = arith.constant 48 : index
        %get3A_209 = tpu.vector_load %arg11[%get3A_207, %get3A_208] {strides = array<i32>} : memref<170x128xi32, #tpu.memory_space<vmem>>, vector<16xi32>,
        %and3A_210 = arith.constant 16383 : i32
        %and3A_211 = vector.broadcast %and3A_210 : i32 to vector<16xi32>
        %and3A_212 = arith.andi %get3A_209, %and3A_211 : vector<16xi32>
        %swap3A_213 = arith.constant 48 : index
        %swap3A_214 = tpu.vector_load %arg15[%swap3A_213] {strides = array<i32>} : memref<128xi32, #tpu.memory_space<vmem>>, vector<16xi32>,
        tpu.vector_store %arg15[%swap3A_213], %and3A_212 {strides = array<i32>} : memref<128xi32, #tpu.memory_space<vmem>>, vector<16xi32>,
        %get3A_215 = arith.index_cast %add3A_127 : i32 to index
        %get3A_216 = arith.constant 64 : index
        %get3A_217 = tpu.vector_load %arg11[%get3A_215, %get3A_216] {strides = array<i32>} : memref<170x128xi32, #tpu.memory_space<vmem>>, vector<16xi32>,
        %and3A_218 = arith.constant 16383 : i32
        %and3A_219 = vector.broadcast %and3A_218 : i32 to vector<16xi32>
        %and3A_220 = arith.andi %get3A_217, %and3A_219 : vector<16xi32>
        %swap3A_221 = arith.constant 64 : index
        %swap3A_222 = tpu.vector_load %arg15[%swap3A_221] {strides = array<i32>} : memref<128xi32, #tpu.memory_space<vmem>>, vector<16xi32>,
        tpu.vector_store %arg15[%swap3A_221], %and3A_220 {strides = array<i32>} : memref<128xi32, #tpu.memory_space<vmem>>, vector<16xi32>,
        %get3A_223 = arith.index_cast %add3A_127 : i32 to index
        %get3A_224 = arith.constant 80 : index
        %get3A_225 = tpu.vector_load %arg11[%get3A_223, %get3A_224] {strides = array<i32>} : memref<170x128xi32, #tpu.memory_space<vmem>>, vector<16xi32>,
        %and3A_226 = arith.constant 16383 : i32
        %and3A_227 = vector.broadcast %and3A_226 : i32 to vector<16xi32>
        %and3A_228 = arith.andi %get3A_225, %and3A_227 : vector<16xi32>
        %swap3A_229 = arith.constant 80 : index
        %swap3A_230 = tpu.vector_load %arg15[%swap3A_229] {strides = array<i32>} : memref<128xi32, #tpu.memory_space<vmem>>, vector<16xi32>,
        tpu.vector_store %arg15[%swap3A_229], %and3A_228 {strides = array<i32>} : memref<128xi32, #tpu.memory_space<vmem>>, vector<16xi32>,
        %get3A_231 = arith.index_cast %add3A_127 : i32 to index
        %get3A_232 = arith.constant 96 : index
        %get3A_233 = tpu.vector_load %arg11[%get3A_231, %get3A_232] {strides = array<i32>} : memref<170x128xi32, #tpu.memory_space<vmem>>, vector<16xi32>,
        %and3A_234 = arith.constant 16383 : i32
        %and3A_235 = vector.broadcast %and3A_234 : i32 to vector<16xi32>
        %and3A_236 = arith.andi %get3A_233, %and3A_235 : vector<16xi32>
        %swap3A_237 = arith.constant 96 : index
        %swap3A_238 = tpu.vector_load %arg15[%swap3A_237] {strides = array<i32>} : memref<128xi32, #tpu.memory_space<vmem>>, vector<16xi32>,
        tpu.vector_store %arg15[%swap3A_237], %and3A_236 {strides = array<i32>} : memref<128xi32, #tpu.memory_space<vmem>>, vector<16xi32>,
        %get3A_239 = arith.index_cast %add3A_127 : i32 to index
        %get3A_240 = arith.constant 112 : index
        %get3A_241 = tpu.vector_load %arg11[%get3A_239, %get3A_240] {strides = array<i32>} : memref<170x128xi32, #tpu.memory_space<vmem>>, vector<16xi32>,
        %and3A_242 = arith.constant 16383 : i32
        %and3A_243 = vector.broadcast %and3A_242 : i32 to vector<16xi32>
        %and3A_244 = arith.andi %get3A_241, %and3A_243 : vector<16xi32>
        %swap3A_245 = arith.constant 112 : index
        %swap3A_246 = tpu.vector_load %arg15[%swap3A_245] {strides = array<i32>} : memref<128xi32, #tpu.memory_space<vmem>>, vector<16xi32>,
        tpu.vector_store %arg15[%swap3A_245], %and3A_244 {strides = array<i32>} : memref<128xi32, #tpu.memory_space<vmem>>, vector<16xi32>,
        "tpu.region"() ({
          %run_scoped3A = tpu.sem_alloc : memref<!tpu.dma_semaphore, #tpu.memory_space<semaphore_mem>>
          %dma_start3A = arith.constant 0 : i32
          %dma_start3A_259 = arith.constant 0 : i32
          %dma_start3A_260 = tpu.memref_slice %arg22[%dma_start3A, %dma_start3A_259] : memref<8320x64xf32, #tpu.memory_space<vmem_shared>> -> memref<8320x64xf32, #tpu.memory_space<vmem_shared>>
          tpu.enqueue_indirect_dma source(%arg17 : memref<128x64xf32, #tpu.memory_space<vmem>>) target(%dma_start3A_260 : memref<8320x64xf32, #tpu.memory_space<vmem_shared>>) offsets(%arg15 : memref<128xi32, #tpu.memory_space<vmem>>) semaphore(%run_scoped3A : memref<!tpu.dma_semaphore, #tpu.memory_space<semaphore_mem>>) {add = true}
          %dma_wait3A_261 = arith.constant 0 : i32
          %dma_wait3A_262 = arith.constant 0 : i32
          %dma_wait3A_263 = tpu.memref_slice %arg22[%dma_wait3A_261, %dma_wait3A_262] : memref<8320x64xf32, #tpu.memory_space<vmem_shared>> -> memref<8320x64xf32, #tpu.memory_space<vmem_shared>>
          tpu.wait_indirect_dma semaphore(%run_scoped3A : memref<!tpu.dma_semaphore, #tpu.memory_space<semaphore_mem>>) src(%arg17 : memref<128x64xf32, #tpu.memory_space<vmem>>) dst(%dma_wait3A_263 : memref<8320x64xf32, #tpu.memory_space<vmem_shared>>)
          tpu.yield
        }) : () -> ()
        %add3A_247 = arith.constant 2 : i32
        %add3A_248 = arith.addi %mul3A_126, %add3A_247 : i32
        %lt3A_249 = arith.cmpi slt, %add3A_248, %shift_right_logical3A_94 : i32
        %convert_element_type3A_250 = arith.extui %lt3A_249 : i1 to i32
        %cond3A_251 = arith.constant 0 : i32
        %cond3A_252 = arith.cmpi ne, %convert_element_type3A_250, %cond3A_251 : i32
        scf.if %cond3A_252 {
          %add3A_259 = arith.constant 2 : i32
          %add3A_260 = arith.addi %add3A_127, %add3A_259 : i32
          %get3A_261 = arith.index_cast %add3A_260 : i32 to index
          %get3A_262 = arith.constant 0 : index
          %get3A_263 = tpu.vector_load %arg11[%get3A_261, %get3A_262] {strides = array<i32>} : memref<170x128xi32, #tpu.memory_space<vmem>>, vector<16xi32>,
          %shift_right_logical3A_264 = arith.constant 14 : i32
          %shift_right_logical3A_265 = vector.broadcast %shift_right_logical3A_264 : i32 to vector<16xi32>
          %shift_right_logical3A_266 = arith.shrui %get3A_263, %shift_right_logical3A_265 : vector<16xi32>
          %swap3A_267 = arith.constant 0 : index
          %swap3A_268 = tpu.vector_load %arg13[%swap3A_267] {strides = array<i32>} : memref<128xi32, #tpu.memory_space<vmem>>, vector<16xi32>,
          tpu.vector_store %arg13[%swap3A_267], %shift_right_logical3A_266 {strides = array<i32>} : memref<128xi32, #tpu.memory_space<vmem>>, vector<16xi32>,
          %get3A_269 = arith.index_cast %add3A_260 : i32 to index
          %get3A_270 = arith.constant 16 : index
          %get3A_271 = tpu.vector_load %arg11[%get3A_269, %get3A_270] {strides = array<i32>} : memref<170x128xi32, #tpu.memory_space<vmem>>, vector<16xi32>,
          %shift_right_logical3A_272 = arith.constant 14 : i32
          %shift_right_logical3A_273 = vector.broadcast %shift_right_logical3A_272 : i32 to vector<16xi32>
          %shift_right_logical3A_274 = arith.shrui %get3A_271, %shift_right_logical3A_273 : vector<16xi32>
          %swap3A_275 = arith.constant 16 : index
          %swap3A_276 = tpu.vector_load %arg13[%swap3A_275] {strides = array<i32>} : memref<128xi32, #tpu.memory_space<vmem>>, vector<16xi32>,
          tpu.vector_store %arg13[%swap3A_275], %shift_right_logical3A_274 {strides = array<i32>} : memref<128xi32, #tpu.memory_space<vmem>>, vector<16xi32>,
          %get3A_277 = arith.index_cast %add3A_260 : i32 to index
          %get3A_278 = arith.constant 32 : index
          %get3A_279 = tpu.vector_load %arg11[%get3A_277, %get3A_278] {strides = array<i32>} : memref<170x128xi32, #tpu.memory_space<vmem>>, vector<16xi32>,
          %shift_right_logical3A_280 = arith.constant 14 : i32
          %shift_right_logical3A_281 = vector.broadcast %shift_right_logical3A_280 : i32 to vector<16xi32>
          %shift_right_logical3A_282 = arith.shrui %get3A_279, %shift_right_logical3A_281 : vector<16xi32>
          %swap3A_283 = arith.constant 32 : index
          %swap3A_284 = tpu.vector_load %arg13[%swap3A_283] {strides = array<i32>} : memref<128xi32, #tpu.memory_space<vmem>>, vector<16xi32>,
          tpu.vector_store %arg13[%swap3A_283], %shift_right_logical3A_282 {strides = array<i32>} : memref<128xi32, #tpu.memory_space<vmem>>, vector<16xi32>,
          %get3A_285 = arith.index_cast %add3A_260 : i32 to index
          %get3A_286 = arith.constant 48 : index
          %get3A_287 = tpu.vector_load %arg11[%get3A_285, %get3A_286] {strides = array<i32>} : memref<170x128xi32, #tpu.memory_space<vmem>>, vector<16xi32>,
          %shift_right_logical3A_288 = arith.constant 14 : i32
          %shift_right_logical3A_289 = vector.broadcast %shift_right_logical3A_288 : i32 to vector<16xi32>
          %shift_right_logical3A_290 = arith.shrui %get3A_287, %shift_right_logical3A_289 : vector<16xi32>
          %swap3A_291 = arith.constant 48 : index
          %swap3A_292 = tpu.vector_load %arg13[%swap3A_291] {strides = array<i32>} : memref<128xi32, #tpu.memory_space<vmem>>, vector<16xi32>,
          tpu.vector_store %arg13[%swap3A_291], %shift_right_logical3A_290 {strides = array<i32>} : memref<128xi32, #tpu.memory_space<vmem>>, vector<16xi32>,
          %get3A_293 = arith.index_cast %add3A_260 : i32 to index
          %get3A_294 = arith.constant 64 : index
          %get3A_295 = tpu.vector_load %arg11[%get3A_293, %get3A_294] {strides = array<i32>} : memref<170x128xi32, #tpu.memory_space<vmem>>, vector<16xi32>,
          %shift_right_logical3A_296 = arith.constant 14 : i32
          %shift_right_logical3A_297 = vector.broadcast %shift_right_logical3A_296 : i32 to vector<16xi32>
          %shift_right_logical3A_298 = arith.shrui %get3A_295, %shift_right_logical3A_297 : vector<16xi32>
          %swap3A_299 = arith.constant 64 : index
          %swap3A_300 = tpu.vector_load %arg13[%swap3A_299] {strides = array<i32>} : memref<128xi32, #tpu.memory_space<vmem>>, vector<16xi32>,
          tpu.vector_store %arg13[%swap3A_299], %shift_right_logical3A_298 {strides = array<i32>} : memref<128xi32, #tpu.memory_space<vmem>>, vector<16xi32>,
          %get3A_301 = arith.index_cast %add3A_260 : i32 to index
          %get3A_302 = arith.constant 80 : index
          %get3A_303 = tpu.vector_load %arg11[%get3A_301, %get3A_302] {strides = array<i32>} : memref<170x128xi32, #tpu.memory_space<vmem>>, vector<16xi32>,
          %shift_right_logical3A_304 = arith.constant 14 : i32
          %shift_right_logical3A_305 = vector.broadcast %shift_right_logical3A_304 : i32 to vector<16xi32>
          %shift_right_logical3A_306 = arith.shrui %get3A_303, %shift_right_logical3A_305 : vector<16xi32>
          %swap3A_307 = arith.constant 80 : index
          %swap3A_308 = tpu.vector_load %arg13[%swap3A_307] {strides = array<i32>} : memref<128xi32, #tpu.memory_space<vmem>>, vector<16xi32>,
          tpu.vector_store %arg13[%swap3A_307], %shift_right_logical3A_306 {strides = array<i32>} : memref<128xi32, #tpu.memory_space<vmem>>, vector<16xi32>,
          %get3A_309 = arith.index_cast %add3A_260 : i32 to index
          %get3A_310 = arith.constant 96 : index
          %get3A_311 = tpu.vector_load %arg11[%get3A_309, %get3A_310] {strides = array<i32>} : memref<170x128xi32, #tpu.memory_space<vmem>>, vector<16xi32>,
          %shift_right_logical3A_312 = arith.constant 14 : i32
          %shift_right_logical3A_313 = vector.broadcast %shift_right_logical3A_312 : i32 to vector<16xi32>
          %shift_right_logical3A_314 = arith.shrui %get3A_311, %shift_right_logical3A_313 : vector<16xi32>
          %swap3A_315 = arith.constant 96 : index
          %swap3A_316 = tpu.vector_load %arg13[%swap3A_315] {strides = array<i32>} : memref<128xi32, #tpu.memory_space<vmem>>, vector<16xi32>,
          tpu.vector_store %arg13[%swap3A_315], %shift_right_logical3A_314 {strides = array<i32>} : memref<128xi32, #tpu.memory_space<vmem>>, vector<16xi32>,
          %get3A_317 = arith.index_cast %add3A_260 : i32 to index
          %get3A_318 = arith.constant 112 : index
          %get3A_319 = tpu.vector_load %arg11[%get3A_317, %get3A_318] {strides = array<i32>} : memref<170x128xi32, #tpu.memory_space<vmem>>, vector<16xi32>,
          %shift_right_logical3A_320 = arith.constant 14 : i32
          %shift_right_logical3A_321 = vector.broadcast %shift_right_logical3A_320 : i32 to vector<16xi32>
          %shift_right_logical3A_322 = arith.shrui %get3A_319, %shift_right_logical3A_321 : vector<16xi32>
          %swap3A_323 = arith.constant 112 : index
          %swap3A_324 = tpu.vector_load %arg13[%swap3A_323] {strides = array<i32>} : memref<128xi32, #tpu.memory_space<vmem>>, vector<16xi32>,
          tpu.vector_store %arg13[%swap3A_323], %shift_right_logical3A_322 {strides = array<i32>} : memref<128xi32, #tpu.memory_space<vmem>>, vector<16xi32>,
          %dma_start3A = arith.constant 0 : i32
          %dma_start3A_325 = arith.constant 0 : i32
          %dma_start3A_326 = tpu.memref_slice %arg4[%dma_start3A, %dma_start3A_325] : memref<100000x64xf32, #tpu.memory_space<hbm>> -> memref<100000x64xf32, #tpu.memory_space<hbm>>
          tpu.enqueue_indirect_dma source(%dma_start3A_326 : memref<100000x64xf32, #tpu.memory_space<hbm>>) target(%arg17 : memref<128x64xf32, #tpu.memory_space<vmem>>) offsets(%arg13 : memref<128xi32, #tpu.memory_space<vmem>>) semaphore(%arg24 : memref<!tpu.dma_semaphore, #tpu.memory_space<semaphore_mem>>)
          %dma_start3A_327 = arith.constant 0 : i32
          %dma_start3A_328 = tpu.memref_slice %arg12[%add3A_260, %dma_start3A_327] : memref<170x128xi32, #tpu.memory_space<vmem>> -> memref<1x128xi32, #tpu.memory_space<vmem>>
          %dma_start3A_329 = tpu.memref_squeeze %dma_start3A_328 : memref<1x128xi32, #tpu.memory_space<vmem>> -> memref<128xi32, #tpu.memory_space<vmem>>
          %dma_start3A_330 = arith.constant 0 : i32
          %dma_start3A_331 = arith.constant 0 : i32
          %dma_start3A_332 = tpu.memref_slice %arg5[%dma_start3A_330, %dma_start3A_331] : memref<320000x64xf32, #tpu.memory_space<hbm>> -> memref<320000x64xf32, #tpu.memory_space<hbm>>
          tpu.enqueue_indirect_dma source(%dma_start3A_332 : memref<320000x64xf32, #tpu.memory_space<hbm>>) target(%arg18 : memref<128x64xf32, #tpu.memory_space<vmem>>) offsets(%dma_start3A_329 : memref<128xi32, #tpu.memory_space<vmem>>) semaphore(%arg25 : memref<!tpu.dma_semaphore, #tpu.memory_space<semaphore_mem>>)
        } else {
        }
        %add3A_253 = arith.constant 1 : i32
        %add3A_254 = arith.addi %mul3A_126, %add3A_253 : i32
        %lt3A_255 = arith.cmpi slt, %add3A_254, %shift_right_logical3A_94 : i32
        %convert_element_type3A_256 = arith.extui %lt3A_255 : i1 to i32
        %cond3A_257 = arith.constant 0 : i32
        %cond3A_258 = arith.cmpi ne, %convert_element_type3A_256, %cond3A_257 : i32
        scf.if %cond3A_258 {
          %add3A_259 = arith.constant 1 : i32
          %add3A_260 = arith.addi %add3A_127, %add3A_259 : i32
          %dma_wait3A_261 = arith.constant 0 : i32
          %dma_wait3A_262 = arith.constant 0 : i32
          %dma_wait3A_263 = tpu.memref_slice %arg4[%dma_wait3A_261, %dma_wait3A_262] : memref<100000x64xf32, #tpu.memory_space<hbm>> -> memref<100000x64xf32, #tpu.memory_space<hbm>>
          tpu.wait_indirect_dma semaphore(%arg26 : memref<!tpu.dma_semaphore, #tpu.memory_space<semaphore_mem>>) src(%dma_wait3A_263 : memref<100000x64xf32, #tpu.memory_space<hbm>>) dst(%arg19 : memref<128x64xf32, #tpu.memory_space<vmem>>)
          %dma_wait3A_264 = arith.constant 0 : i32
          %dma_wait3A_265 = tpu.memref_slice %arg12[%add3A_260, %dma_wait3A_264] : memref<170x128xi32, #tpu.memory_space<vmem>> -> memref<1x128xi32, #tpu.memory_space<vmem>>
          %dma_wait3A_266 = tpu.memref_squeeze %dma_wait3A_265 : memref<1x128xi32, #tpu.memory_space<vmem>> -> memref<128xi32, #tpu.memory_space<vmem>>
          %dma_wait3A_267 = arith.constant 0 : i32
          %dma_wait3A_268 = arith.constant 0 : i32
          %dma_wait3A_269 = tpu.memref_slice %arg5[%dma_wait3A_267, %dma_wait3A_268] : memref<320000x64xf32, #tpu.memory_space<hbm>> -> memref<320000x64xf32, #tpu.memory_space<hbm>>
          tpu.wait_indirect_dma semaphore(%arg27 : memref<!tpu.dma_semaphore, #tpu.memory_space<semaphore_mem>>) src(%dma_wait3A_269 : memref<320000x64xf32, #tpu.memory_space<hbm>>) dst(%arg20 : memref<128x64xf32, #tpu.memory_space<vmem>>)
          %scan3A_270 = arith.constant 0 : i32
          %scan3A_271 = arith.constant 0 : i32
          %get3A_272 = arith.index_cast %scan3A_271 : i32 to index
          %get3A_273 = arith.constant 0 : index
          %get3A_274 = tpu.vector_load %arg19[%get3A_272, %get3A_273] {strides = array<i32>} : memref<128x64xf32, #tpu.memory_space<vmem>>, vector<16xf32>,
          %get3A_275 = arith.index_cast %scan3A_271 : i32 to index
          %get3A_276 = arith.constant 0 : index
          %get3A_277 = tpu.vector_load %arg20[%get3A_275, %get3A_276] {strides = array<i32>} : memref<128x64xf32, #tpu.memory_space<vmem>>, vector<16xf32>,
          %mul3A_278 = arith.mulf %get3A_274, %get3A_277 : vector<16xf32>
          %swap3A_279 = arith.index_cast %scan3A_271 : i32 to index
          %swap3A_280 = arith.constant 0 : index
          %swap3A_281 = tpu.vector_load %arg19[%swap3A_279, %swap3A_280] {strides = array<i32>} : memref<128x64xf32, #tpu.memory_space<vmem>>, vector<16xf32>,
          tpu.vector_store %arg19[%swap3A_279, %swap3A_280], %mul3A_278 {strides = array<i32>} : memref<128x64xf32, #tpu.memory_space<vmem>>, vector<16xf32>,
          %get3A_282 = arith.index_cast %scan3A_271 : i32 to index
          %get3A_283 = arith.constant 16 : index
          %get3A_284 = tpu.vector_load %arg19[%get3A_282, %get3A_283] {strides = array<i32>} : memref<128x64xf32, #tpu.memory_space<vmem>>, vector<16xf32>,
          %get3A_285 = arith.index_cast %scan3A_271 : i32 to index
          %get3A_286 = arith.constant 16 : index
          %get3A_287 = tpu.vector_load %arg20[%get3A_285, %get3A_286] {strides = array<i32>} : memref<128x64xf32, #tpu.memory_space<vmem>>, vector<16xf32>,
          %mul3A_288 = arith.mulf %get3A_284, %get3A_287 : vector<16xf32>
          %swap3A_289 = arith.index_cast %scan3A_271 : i32 to index
          %swap3A_290 = arith.constant 16 : index
          %swap3A_291 = tpu.vector_load %arg19[%swap3A_289, %swap3A_290] {strides = array<i32>} : memref<128x64xf32, #tpu.memory_space<vmem>>, vector<16xf32>,
          tpu.vector_store %arg19[%swap3A_289, %swap3A_290], %mul3A_288 {strides = array<i32>} : memref<128x64xf32, #tpu.memory_space<vmem>>, vector<16xf32>,
          %get3A_292 = arith.index_cast %scan3A_271 : i32 to index
          %get3A_293 = arith.constant 32 : index
          %get3A_294 = tpu.vector_load %arg19[%get3A_292, %get3A_293] {strides = array<i32>} : memref<128x64xf32, #tpu.memory_space<vmem>>, vector<16xf32>,
          %get3A_295 = arith.index_cast %scan3A_271 : i32 to index
          %get3A_296 = arith.constant 32 : index
          %get3A_297 = tpu.vector_load %arg20[%get3A_295, %get3A_296] {strides = array<i32>} : memref<128x64xf32, #tpu.memory_space<vmem>>, vector<16xf32>,
          %mul3A_298 = arith.mulf %get3A_294, %get3A_297 : vector<16xf32>
          %swap3A_299 = arith.index_cast %scan3A_271 : i32 to index
          %swap3A_300 = arith.constant 32 : index
          %swap3A_301 = tpu.vector_load %arg19[%swap3A_299, %swap3A_300] {strides = array<i32>} : memref<128x64xf32, #tpu.memory_space<vmem>>, vector<16xf32>,
          tpu.vector_store %arg19[%swap3A_299, %swap3A_300], %mul3A_298 {strides = array<i32>} : memref<128x64xf32, #tpu.memory_space<vmem>>, vector<16xf32>,
          %get3A_302 = arith.index_cast %scan3A_271 : i32 to index
          %get3A_303 = arith.constant 48 : index
          %get3A_304 = tpu.vector_load %arg19[%get3A_302, %get3A_303] {strides = array<i32>} : memref<128x64xf32, #tpu.memory_space<vmem>>, vector<16xf32>,
          %get3A_305 = arith.index_cast %scan3A_271 : i32 to index
          %get3A_306 = arith.constant 48 : index
          %get3A_307 = tpu.vector_load %arg20[%get3A_305, %get3A_306] {strides = array<i32>} : memref<128x64xf32, #tpu.memory_space<vmem>>, vector<16xf32>,
          %mul3A_308 = arith.mulf %get3A_304, %get3A_307 : vector<16xf32>
          %swap3A_309 = arith.index_cast %scan3A_271 : i32 to index
          %swap3A_310 = arith.constant 48 : index
          %swap3A_311 = tpu.vector_load %arg19[%swap3A_309, %swap3A_310] {strides = array<i32>} : memref<128x64xf32, #tpu.memory_space<vmem>>, vector<16xf32>,
          tpu.vector_store %arg19[%swap3A_309, %swap3A_310], %mul3A_308 {strides = array<i32>} : memref<128x64xf32, #tpu.memory_space<vmem>>, vector<16xf32>,
          %scan3A_312 = arith.constant 1 : i32
          %add3A_313 = arith.constant 1 : i32
          %add3A_314 = arith.addi %add3A_127, %add3A_313 : i32
          %get3A_315 = arith.index_cast %add3A_314 : i32 to index
          %get3A_316 = arith.constant 0 : index
          %get3A_317 = tpu.vector_load %arg11[%get3A_315, %get3A_316] {strides = array<i32>} : memref<170x128xi32, #tpu.memory_space<vmem>>, vector<16xi32>,
          %and3A_318 = arith.constant 16383 : i32
          %and3A_319 = vector.broadcast %and3A_318 : i32 to vector<16xi32>
          %and3A_320 = arith.andi %get3A_317, %and3A_319 : vector<16xi32>
          %swap3A_321 = arith.constant 0 : index
          %swap3A_322 = tpu.vector_load %arg16[%swap3A_321] {strides = array<i32>} : memref<128xi32, #tpu.memory_space<vmem>>, vector<16xi32>,
          tpu.vector_store %arg16[%swap3A_321], %and3A_320 {strides = array<i32>} : memref<128xi32, #tpu.memory_space<vmem>>, vector<16xi32>,
          %get3A_323 = arith.index_cast %add3A_314 : i32 to index
          %get3A_324 = arith.constant 16 : index
          %get3A_325 = tpu.vector_load %arg11[%get3A_323, %get3A_324] {strides = array<i32>} : memref<170x128xi32, #tpu.memory_space<vmem>>, vector<16xi32>,
          %and3A_326 = arith.constant 16383 : i32
          %and3A_327 = vector.broadcast %and3A_326 : i32 to vector<16xi32>
          %and3A_328 = arith.andi %get3A_325, %and3A_327 : vector<16xi32>
          %swap3A_329 = arith.constant 16 : index
          %swap3A_330 = tpu.vector_load %arg16[%swap3A_329] {strides = array<i32>} : memref<128xi32, #tpu.memory_space<vmem>>, vector<16xi32>,
          tpu.vector_store %arg16[%swap3A_329], %and3A_328 {strides = array<i32>} : memref<128xi32, #tpu.memory_space<vmem>>, vector<16xi32>,
          %get3A_331 = arith.index_cast %add3A_314 : i32 to index
          %get3A_332 = arith.constant 32 : index
          %get3A_333 = tpu.vector_load %arg11[%get3A_331, %get3A_332] {strides = array<i32>} : memref<170x128xi32, #tpu.memory_space<vmem>>, vector<16xi32>,
          %and3A_334 = arith.constant 16383 : i32
          %and3A_335 = vector.broadcast %and3A_334 : i32 to vector<16xi32>
          %and3A_336 = arith.andi %get3A_333, %and3A_335 : vector<16xi32>
          %swap3A_337 = arith.constant 32 : index
          %swap3A_338 = tpu.vector_load %arg16[%swap3A_337] {strides = array<i32>} : memref<128xi32, #tpu.memory_space<vmem>>, vector<16xi32>,
          tpu.vector_store %arg16[%swap3A_337], %and3A_336 {strides = array<i32>} : memref<128xi32, #tpu.memory_space<vmem>>, vector<16xi32>,
          %get3A_339 = arith.index_cast %add3A_314 : i32 to index
          %get3A_340 = arith.constant 48 : index
          %get3A_341 = tpu.vector_load %arg11[%get3A_339, %get3A_340] {strides = array<i32>} : memref<170x128xi32, #tpu.memory_space<vmem>>, vector<16xi32>,
          %and3A_342 = arith.constant 16383 : i32
          %and3A_343 = vector.broadcast %and3A_342 : i32 to vector<16xi32>
          %and3A_344 = arith.andi %get3A_341, %and3A_343 : vector<16xi32>
          %swap3A_345 = arith.constant 48 : index
          %swap3A_346 = tpu.vector_load %arg16[%swap3A_345] {strides = array<i32>} : memref<128xi32, #tpu.memory_space<vmem>>, vector<16xi32>,
          tpu.vector_store %arg16[%swap3A_345], %and3A_344 {strides = array<i32>} : memref<128xi32, #tpu.memory_space<vmem>>, vector<16xi32>,
          %get3A_347 = arith.index_cast %add3A_314 : i32 to index
          %get3A_348 = arith.constant 64 : index
          %get3A_349 = tpu.vector_load %arg11[%get3A_347, %get3A_348] {strides = array<i32>} : memref<170x128xi32, #tpu.memory_space<vmem>>, vector<16xi32>,
          %and3A_350 = arith.constant 16383 : i32
          %and3A_351 = vector.broadcast %and3A_350 : i32 to vector<16xi32>
          %and3A_352 = arith.andi %get3A_349, %and3A_351 : vector<16xi32>
          %swap3A_353 = arith.constant 64 : index
          %swap3A_354 = tpu.vector_load %arg16[%swap3A_353] {strides = array<i32>} : memref<128xi32, #tpu.memory_space<vmem>>, vector<16xi32>,
          tpu.vector_store %arg16[%swap3A_353], %and3A_352 {strides = array<i32>} : memref<128xi32, #tpu.memory_space<vmem>>, vector<16xi32>,
          %get3A_355 = arith.index_cast %add3A_314 : i32 to index
          %get3A_356 = arith.constant 80 : index
          %get3A_357 = tpu.vector_load %arg11[%get3A_355, %get3A_356] {strides = array<i32>} : memref<170x128xi32, #tpu.memory_space<vmem>>, vector<16xi32>,
          %and3A_358 = arith.constant 16383 : i32
          %and3A_359 = vector.broadcast %and3A_358 : i32 to vector<16xi32>
          %and3A_360 = arith.andi %get3A_357, %and3A_359 : vector<16xi32>
          %swap3A_361 = arith.constant 80 : index
          %swap3A_362 = tpu.vector_load %arg16[%swap3A_361] {strides = array<i32>} : memref<128xi32, #tpu.memory_space<vmem>>, vector<16xi32>,
          tpu.vector_store %arg16[%swap3A_361], %and3A_360 {strides = array<i32>} : memref<128xi32, #tpu.memory_space<vmem>>, vector<16xi32>,
          %get3A_363 = arith.index_cast %add3A_314 : i32 to index
          %get3A_364 = arith.constant 96 : index
          %get3A_365 = tpu.vector_load %arg11[%get3A_363, %get3A_364] {strides = array<i32>} : memref<170x128xi32, #tpu.memory_space<vmem>>, vector<16xi32>,
          %and3A_366 = arith.constant 16383 : i32
          %and3A_367 = vector.broadcast %and3A_366 : i32 to vector<16xi32>
          %and3A_368 = arith.andi %get3A_365, %and3A_367 : vector<16xi32>
          %swap3A_369 = arith.constant 96 : index
          %swap3A_370 = tpu.vector_load %arg16[%swap3A_369] {strides = array<i32>} : memref<128xi32, #tpu.memory_space<vmem>>, vector<16xi32>,
          tpu.vector_store %arg16[%swap3A_369], %and3A_368 {strides = array<i32>} : memref<128xi32, #tpu.memory_space<vmem>>, vector<16xi32>,
          %get3A_371 = arith.index_cast %add3A_314 : i32 to index
          %get3A_372 = arith.constant 112 : index
          %get3A_373 = tpu.vector_load %arg11[%get3A_371, %get3A_372] {strides = array<i32>} : memref<170x128xi32, #tpu.memory_space<vmem>>, vector<16xi32>,
          %and3A_374 = arith.constant 16383 : i32
          %and3A_375 = vector.broadcast %and3A_374 : i32 to vector<16xi32>
          %and3A_376 = arith.andi %get3A_373, %and3A_375 : vector<16xi32>
          %swap3A_377 = arith.constant 112 : index
          %swap3A_378 = tpu.vector_load %arg16[%swap3A_377] {strides = array<i32>} : memref<128xi32, #tpu.memory_space<vmem>>, vector<16xi32>,
          tpu.vector_store %arg16[%swap3A_377], %and3A_376 {strides = array<i32>} : memref<128xi32, #tpu.memory_space<vmem>>, vector<16xi32>,
          "tpu.region"() ({
            %run_scoped3A = tpu.sem_alloc : memref<!tpu.dma_semaphore, #tpu.memory_space<semaphore_mem>>
            %dma_start3A = arith.constant 0 : i32
            %dma_start3A_379 = arith.constant 0 : i32
            %dma_start3A_380 = tpu.memref_slice %arg22[%dma_start3A, %dma_start3A_379] : memref<8320x64xf32, #tpu.memory_space<vmem_shared>> -> memref<8320x64xf32, #tpu.memory_space<vmem_shared>>
            tpu.enqueue_indirect_dma source(%arg19 : memref<128x64xf32, #tpu.memory_space<vmem>>) target(%dma_start3A_380 : memref<8320x64xf32, #tpu.memory_space<vmem_shared>>) offsets(%arg16 : memref<128xi32, #tpu.memory_space<vmem>>) semaphore(%run_scoped3A : memref<!tpu.dma_semaphore, #tpu.memory_space<semaphore_mem>>) {add = true}
            %dma_wait3A_381 = arith.constant 0 : i32
            %dma_wait3A_382 = arith.constant 0 : i32
            %dma_wait3A_383 = tpu.memref_slice %arg22[%dma_wait3A_381, %dma_wait3A_382] : memref<8320x64xf32, #tpu.memory_space<vmem_shared>> -> memref<8320x64xf32, #tpu.memory_space<vmem_shared>>
            tpu.wait_indirect_dma semaphore(%run_scoped3A : memref<!tpu.dma_semaphore, #tpu.memory_space<semaphore_mem>>) src(%arg19 : memref<128x64xf32, #tpu.memory_space<vmem>>) dst(%dma_wait3A_383 : memref<8320x64xf32, #tpu.memory_space<vmem_shared>>)
            tpu.yield
          }) : () -> ()
        } else {
        }
      }
      %while3A_110 = arith.constant 1 : i32
      scf.for %while3A_124 = %while3A_108 to %while3A_104 step %while3A_110  : i32 {
        %mul3A_125 = arith.constant 2 : i32
        %mul3A_126 = arith.muli %mul3A_125, %while3A_124 : i32
        %add3A_127 = arith.addi %shift_right_logical3A_96, %mul3A_126 : i32
        %add3A_128 = arith.constant 1 : i32
        %add3A_129 = arith.addi %mul3A_126, %add3A_128 : i32
        %lt3A = arith.cmpi slt, %add3A_129, %shift_right_logical3A_94 : i32
        %convert_element_type3A_130 = arith.extui %lt3A : i1 to i32
        %cond3A_131 = arith.constant 0 : i32
        %cond3A_132 = arith.cmpi ne, %convert_element_type3A_130, %cond3A_131 : i32
        scf.if %cond3A_132 {
          %add3A_259 = arith.constant 1 : i32
          %add3A_260 = arith.addi %add3A_127, %add3A_259 : i32
          %get3A_261 = arith.index_cast %add3A_260 : i32 to index
          %get3A_262 = arith.constant 0 : index
          %get3A_263 = tpu.vector_load %arg11[%get3A_261, %get3A_262] {strides = array<i32>} : memref<170x128xi32, #tpu.memory_space<vmem>>, vector<16xi32>,
          %shift_right_logical3A_264 = arith.constant 14 : i32
          %shift_right_logical3A_265 = vector.broadcast %shift_right_logical3A_264 : i32 to vector<16xi32>
          %shift_right_logical3A_266 = arith.shrui %get3A_263, %shift_right_logical3A_265 : vector<16xi32>
          %swap3A_267 = arith.constant 0 : index
          %swap3A_268 = tpu.vector_load %arg14[%swap3A_267] {strides = array<i32>} : memref<128xi32, #tpu.memory_space<vmem>>, vector<16xi32>,
          tpu.vector_store %arg14[%swap3A_267], %shift_right_logical3A_266 {strides = array<i32>} : memref<128xi32, #tpu.memory_space<vmem>>, vector<16xi32>,
          %get3A_269 = arith.index_cast %add3A_260 : i32 to index
          %get3A_270 = arith.constant 16 : index
          %get3A_271 = tpu.vector_load %arg11[%get3A_269, %get3A_270] {strides = array<i32>} : memref<170x128xi32, #tpu.memory_space<vmem>>, vector<16xi32>,
          %shift_right_logical3A_272 = arith.constant 14 : i32
          %shift_right_logical3A_273 = vector.broadcast %shift_right_logical3A_272 : i32 to vector<16xi32>
          %shift_right_logical3A_274 = arith.shrui %get3A_271, %shift_right_logical3A_273 : vector<16xi32>
          %swap3A_275 = arith.constant 16 : index
          %swap3A_276 = tpu.vector_load %arg14[%swap3A_275] {strides = array<i32>} : memref<128xi32, #tpu.memory_space<vmem>>, vector<16xi32>,
          tpu.vector_store %arg14[%swap3A_275], %shift_right_logical3A_274 {strides = array<i32>} : memref<128xi32, #tpu.memory_space<vmem>>, vector<16xi32>,
          %get3A_277 = arith.index_cast %add3A_260 : i32 to index
          %get3A_278 = arith.constant 32 : index
          %get3A_279 = tpu.vector_load %arg11[%get3A_277, %get3A_278] {strides = array<i32>} : memref<170x128xi32, #tpu.memory_space<vmem>>, vector<16xi32>,
          %shift_right_logical3A_280 = arith.constant 14 : i32
          %shift_right_logical3A_281 = vector.broadcast %shift_right_logical3A_280 : i32 to vector<16xi32>
          %shift_right_logical3A_282 = arith.shrui %get3A_279, %shift_right_logical3A_281 : vector<16xi32>
          %swap3A_283 = arith.constant 32 : index
          %swap3A_284 = tpu.vector_load %arg14[%swap3A_283] {strides = array<i32>} : memref<128xi32, #tpu.memory_space<vmem>>, vector<16xi32>,
          tpu.vector_store %arg14[%swap3A_283], %shift_right_logical3A_282 {strides = array<i32>} : memref<128xi32, #tpu.memory_space<vmem>>, vector<16xi32>,
          %get3A_285 = arith.index_cast %add3A_260 : i32 to index
          %get3A_286 = arith.constant 48 : index
          %get3A_287 = tpu.vector_load %arg11[%get3A_285, %get3A_286] {strides = array<i32>} : memref<170x128xi32, #tpu.memory_space<vmem>>, vector<16xi32>,
          %shift_right_logical3A_288 = arith.constant 14 : i32
          %shift_right_logical3A_289 = vector.broadcast %shift_right_logical3A_288 : i32 to vector<16xi32>
          %shift_right_logical3A_290 = arith.shrui %get3A_287, %shift_right_logical3A_289 : vector<16xi32>
          %swap3A_291 = arith.constant 48 : index
          %swap3A_292 = tpu.vector_load %arg14[%swap3A_291] {strides = array<i32>} : memref<128xi32, #tpu.memory_space<vmem>>, vector<16xi32>,
          tpu.vector_store %arg14[%swap3A_291], %shift_right_logical3A_290 {strides = array<i32>} : memref<128xi32, #tpu.memory_space<vmem>>, vector<16xi32>,
          %get3A_293 = arith.index_cast %add3A_260 : i32 to index
          %get3A_294 = arith.constant 64 : index
          %get3A_295 = tpu.vector_load %arg11[%get3A_293, %get3A_294] {strides = array<i32>} : memref<170x128xi32, #tpu.memory_space<vmem>>, vector<16xi32>,
          %shift_right_logical3A_296 = arith.constant 14 : i32
          %shift_right_logical3A_297 = vector.broadcast %shift_right_logical3A_296 : i32 to vector<16xi32>
          %shift_right_logical3A_298 = arith.shrui %get3A_295, %shift_right_logical3A_297 : vector<16xi32>
          %swap3A_299 = arith.constant 64 : index
          %swap3A_300 = tpu.vector_load %arg14[%swap3A_299] {strides = array<i32>} : memref<128xi32, #tpu.memory_space<vmem>>, vector<16xi32>,
          tpu.vector_store %arg14[%swap3A_299], %shift_right_logical3A_298 {strides = array<i32>} : memref<128xi32, #tpu.memory_space<vmem>>, vector<16xi32>,
          %get3A_301 = arith.index_cast %add3A_260 : i32 to index
          %get3A_302 = arith.constant 80 : index
          %get3A_303 = tpu.vector_load %arg11[%get3A_301, %get3A_302] {strides = array<i32>} : memref<170x128xi32, #tpu.memory_space<vmem>>, vector<16xi32>,
          %shift_right_logical3A_304 = arith.constant 14 : i32
          %shift_right_logical3A_305 = vector.broadcast %shift_right_logical3A_304 : i32 to vector<16xi32>
          %shift_right_logical3A_306 = arith.shrui %get3A_303, %shift_right_logical3A_305 : vector<16xi32>
          %swap3A_307 = arith.constant 80 : index
          %swap3A_308 = tpu.vector_load %arg14[%swap3A_307] {strides = array<i32>} : memref<128xi32, #tpu.memory_space<vmem>>, vector<16xi32>,
          tpu.vector_store %arg14[%swap3A_307], %shift_right_logical3A_306 {strides = array<i32>} : memref<128xi32, #tpu.memory_space<vmem>>, vector<16xi32>,
          %get3A_309 = arith.index_cast %add3A_260 : i32 to index
          %get3A_310 = arith.constant 96 : index
          %get3A_311 = tpu.vector_load %arg11[%get3A_309, %get3A_310] {strides = array<i32>} : memref<170x128xi32, #tpu.memory_space<vmem>>, vector<16xi32>,
          %shift_right_logical3A_312 = arith.constant 14 : i32
          %shift_right_logical3A_313 = vector.broadcast %shift_right_logical3A_312 : i32 to vector<16xi32>
          %shift_right_logical3A_314 = arith.shrui %get3A_311, %shift_right_logical3A_313 : vector<16xi32>
          %swap3A_315 = arith.constant 96 : index
          %swap3A_316 = tpu.vector_load %arg14[%swap3A_315] {strides = array<i32>} : memref<128xi32, #tpu.memory_space<vmem>>, vector<16xi32>,
          tpu.vector_store %arg14[%swap3A_315], %shift_right_logical3A_314 {strides = array<i32>} : memref<128xi32, #tpu.memory_space<vmem>>, vector<16xi32>,
          %get3A_317 = arith.index_cast %add3A_260 : i32 to index
          %get3A_318 = arith.constant 112 : index
          %get3A_319 = tpu.vector_load %arg11[%get3A_317, %get3A_318] {strides = array<i32>} : memref<170x128xi32, #tpu.memory_space<vmem>>, vector<16xi32>,
          %shift_right_logical3A_320 = arith.constant 14 : i32
          %shift_right_logical3A_321 = vector.broadcast %shift_right_logical3A_320 : i32 to vector<16xi32>
          %shift_right_logical3A_322 = arith.shrui %get3A_319, %shift_right_logical3A_321 : vector<16xi32>
          %swap3A_323 = arith.constant 112 : index
          %swap3A_324 = tpu.vector_load %arg14[%swap3A_323] {strides = array<i32>} : memref<128xi32, #tpu.memory_space<vmem>>, vector<16xi32>,
          tpu.vector_store %arg14[%swap3A_323], %shift_right_logical3A_322 {strides = array<i32>} : memref<128xi32, #tpu.memory_space<vmem>>, vector<16xi32>,
          %dma_start3A = arith.constant 0 : i32
          %dma_start3A_325 = arith.constant 0 : i32
          %dma_start3A_326 = tpu.memref_slice %arg4[%dma_start3A, %dma_start3A_325] : memref<100000x64xf32, #tpu.memory_space<hbm>> -> memref<100000x64xf32, #tpu.memory_space<hbm>>
          tpu.enqueue_indirect_dma source(%dma_start3A_326 : memref<100000x64xf32, #tpu.memory_space<hbm>>) target(%arg19 : memref<128x64xf32, #tpu.memory_space<vmem>>) offsets(%arg14 : memref<128xi32, #tpu.memory_space<vmem>>) semaphore(%arg26 : memref<!tpu.dma_semaphore, #tpu.memory_space<semaphore_mem>>)
          %dma_start3A_327 = arith.constant 0 : i32
          %dma_start3A_328 = tpu.memref_slice %arg12[%add3A_260, %dma_start3A_327] : memref<170x128xi32, #tpu.memory_space<vmem>> -> memref<1x128xi32, #tpu.memory_space<vmem>>
          %dma_start3A_329 = tpu.memref_squeeze %dma_start3A_328 : memref<1x128xi32, #tpu.memory_space<vmem>> -> memref<128xi32, #tpu.memory_space<vmem>>
          %dma_start3A_330 = arith.constant 0 : i32
          %dma_start3A_331 = arith.constant 0 : i32
          %dma_start3A_332 = tpu.memref_slice %arg5[%dma_start3A_330, %dma_start3A_331] : memref<320000x64xf32, #tpu.memory_space<hbm>> -> memref<320000x64xf32, #tpu.memory_space<hbm>>
          tpu.enqueue_indirect_dma source(%dma_start3A_332 : memref<320000x64xf32, #tpu.memory_space<hbm>>) target(%arg20 : memref<128x64xf32, #tpu.memory_space<vmem>>) offsets(%dma_start3A_329 : memref<128xi32, #tpu.memory_space<vmem>>) semaphore(%arg27 : memref<!tpu.dma_semaphore, #tpu.memory_space<semaphore_mem>>)
        } else {
        }
        %dma_wait3A = arith.constant 0 : i32
        %dma_wait3A_133 = arith.constant 0 : i32
        %dma_wait3A_134 = tpu.memref_slice %arg4[%dma_wait3A, %dma_wait3A_133] : memref<100000x64xf32, #tpu.memory_space<hbm>> -> memref<100000x64xf32, #tpu.memory_space<hbm>>
        tpu.wait_indirect_dma semaphore(%arg24 : memref<!tpu.dma_semaphore, #tpu.memory_space<semaphore_mem>>) src(%dma_wait3A_134 : memref<100000x64xf32, #tpu.memory_space<hbm>>) dst(%arg17 : memref<128x64xf32, #tpu.memory_space<vmem>>)
        %dma_wait3A_135 = arith.constant 0 : i32
        %dma_wait3A_136 = tpu.memref_slice %arg12[%add3A_127, %dma_wait3A_135] : memref<170x128xi32, #tpu.memory_space<vmem>> -> memref<1x128xi32, #tpu.memory_space<vmem>>
        %dma_wait3A_137 = tpu.memref_squeeze %dma_wait3A_136 : memref<1x128xi32, #tpu.memory_space<vmem>> -> memref<128xi32, #tpu.memory_space<vmem>>
        %dma_wait3A_138 = arith.constant 0 : i32
        %dma_wait3A_139 = arith.constant 0 : i32
        %dma_wait3A_140 = tpu.memref_slice %arg5[%dma_wait3A_138, %dma_wait3A_139] : memref<320000x64xf32, #tpu.memory_space<hbm>> -> memref<320000x64xf32, #tpu.memory_space<hbm>>
        tpu.wait_indirect_dma semaphore(%arg25 : memref<!tpu.dma_semaphore, #tpu.memory_space<semaphore_mem>>) src(%dma_wait3A_140 : memref<320000x64xf32, #tpu.memory_space<hbm>>) dst(%arg18 : memref<128x64xf32, #tpu.memory_space<vmem>>)
        %scan3A_141 = arith.constant 0 : i32
        %scan3A_142 = arith.constant 0 : i32
        %get3A_143 = arith.index_cast %scan3A_142 : i32 to index
        %get3A_144 = arith.constant 0 : index
        %get3A_145 = tpu.vector_load %arg17[%get3A_143, %get3A_144] {strides = array<i32>} : memref<128x64xf32, #tpu.memory_space<vmem>>, vector<16xf32>,
        %get3A_146 = arith.index_cast %scan3A_142 : i32 to index
        %get3A_147 = arith.constant 0 : index
        %get3A_148 = tpu.vector_load %arg18[%get3A_146, %get3A_147] {strides = array<i32>} : memref<128x64xf32, #tpu.memory_space<vmem>>, vector<16xf32>,
        %mul3A_149 = arith.mulf %get3A_145, %get3A_148 : vector<16xf32>
        %swap3A_150 = arith.index_cast %scan3A_142 : i32 to index
        %swap3A_151 = arith.constant 0 : index
        %swap3A_152 = tpu.vector_load %arg17[%swap3A_150, %swap3A_151] {strides = array<i32>} : memref<128x64xf32, #tpu.memory_space<vmem>>, vector<16xf32>,
        tpu.vector_store %arg17[%swap3A_150, %swap3A_151], %mul3A_149 {strides = array<i32>} : memref<128x64xf32, #tpu.memory_space<vmem>>, vector<16xf32>,
        %get3A_153 = arith.index_cast %scan3A_142 : i32 to index
        %get3A_154 = arith.constant 16 : index
        %get3A_155 = tpu.vector_load %arg17[%get3A_153, %get3A_154] {strides = array<i32>} : memref<128x64xf32, #tpu.memory_space<vmem>>, vector<16xf32>,
        %get3A_156 = arith.index_cast %scan3A_142 : i32 to index
        %get3A_157 = arith.constant 16 : index
        %get3A_158 = tpu.vector_load %arg18[%get3A_156, %get3A_157] {strides = array<i32>} : memref<128x64xf32, #tpu.memory_space<vmem>>, vector<16xf32>,
        %mul3A_159 = arith.mulf %get3A_155, %get3A_158 : vector<16xf32>
        %swap3A_160 = arith.index_cast %scan3A_142 : i32 to index
        %swap3A_161 = arith.constant 16 : index
        %swap3A_162 = tpu.vector_load %arg17[%swap3A_160, %swap3A_161] {strides = array<i32>} : memref<128x64xf32, #tpu.memory_space<vmem>>, vector<16xf32>,
        tpu.vector_store %arg17[%swap3A_160, %swap3A_161], %mul3A_159 {strides = array<i32>} : memref<128x64xf32, #tpu.memory_space<vmem>>, vector<16xf32>,
        %get3A_163 = arith.index_cast %scan3A_142 : i32 to index
        %get3A_164 = arith.constant 32 : index
        %get3A_165 = tpu.vector_load %arg17[%get3A_163, %get3A_164] {strides = array<i32>} : memref<128x64xf32, #tpu.memory_space<vmem>>, vector<16xf32>,
        %get3A_166 = arith.index_cast %scan3A_142 : i32 to index
        %get3A_167 = arith.constant 32 : index
        %get3A_168 = tpu.vector_load %arg18[%get3A_166, %get3A_167] {strides = array<i32>} : memref<128x64xf32, #tpu.memory_space<vmem>>, vector<16xf32>,
        %mul3A_169 = arith.mulf %get3A_165, %get3A_168 : vector<16xf32>
        %swap3A_170 = arith.index_cast %scan3A_142 : i32 to index
        %swap3A_171 = arith.constant 32 : index
        %swap3A_172 = tpu.vector_load %arg17[%swap3A_170, %swap3A_171] {strides = array<i32>} : memref<128x64xf32, #tpu.memory_space<vmem>>, vector<16xf32>,
        tpu.vector_store %arg17[%swap3A_170, %swap3A_171], %mul3A_169 {strides = array<i32>} : memref<128x64xf32, #tpu.memory_space<vmem>>, vector<16xf32>,
        %get3A_173 = arith.index_cast %scan3A_142 : i32 to index
        %get3A_174 = arith.constant 48 : index
        %get3A_175 = tpu.vector_load %arg17[%get3A_173, %get3A_174] {strides = array<i32>} : memref<128x64xf32, #tpu.memory_space<vmem>>, vector<16xf32>,
        %get3A_176 = arith.index_cast %scan3A_142 : i32 to index
        %get3A_177 = arith.constant 48 : index
        %get3A_178 = tpu.vector_load %arg18[%get3A_176, %get3A_177] {strides = array<i32>} : memref<128x64xf32, #tpu.memory_space<vmem>>, vector<16xf32>,
        %mul3A_179 = arith.mulf %get3A_175, %get3A_178 : vector<16xf32>
        %swap3A_180 = arith.index_cast %scan3A_142 : i32 to index
        %swap3A_181 = arith.constant 48 : index
        %swap3A_182 = tpu.vector_load %arg17[%swap3A_180, %swap3A_181] {strides = array<i32>} : memref<128x64xf32, #tpu.memory_space<vmem>>, vector<16xf32>,
        tpu.vector_store %arg17[%swap3A_180, %swap3A_181], %mul3A_179 {strides = array<i32>} : memref<128x64xf32, #tpu.memory_space<vmem>>, vector<16xf32>,
        %scan3A_183 = arith.constant 1 : i32
        %get3A_184 = arith.index_cast %add3A_127 : i32 to index
        %get3A_185 = arith.constant 0 : index
        %get3A_186 = tpu.vector_load %arg11[%get3A_184, %get3A_185] {strides = array<i32>} : memref<170x128xi32, #tpu.memory_space<vmem>>, vector<16xi32>,
        %and3A = arith.constant 16383 : i32
        %and3A_187 = vector.broadcast %and3A : i32 to vector<16xi32>
        %and3A_188 = arith.andi %get3A_186, %and3A_187 : vector<16xi32>
        %swap3A_189 = arith.constant 0 : index
        %swap3A_190 = tpu.vector_load %arg15[%swap3A_189] {strides = array<i32>} : memref<128xi32, #tpu.memory_space<vmem>>, vector<16xi32>,
        tpu.vector_store %arg15[%swap3A_189], %and3A_188 {strides = array<i32>} : memref<128xi32, #tpu.memory_space<vmem>>, vector<16xi32>,
        %get3A_191 = arith.index_cast %add3A_127 : i32 to index
        %get3A_192 = arith.constant 16 : index
        %get3A_193 = tpu.vector_load %arg11[%get3A_191, %get3A_192] {strides = array<i32>} : memref<170x128xi32, #tpu.memory_space<vmem>>, vector<16xi32>,
        %and3A_194 = arith.constant 16383 : i32
        %and3A_195 = vector.broadcast %and3A_194 : i32 to vector<16xi32>
        %and3A_196 = arith.andi %get3A_193, %and3A_195 : vector<16xi32>
        %swap3A_197 = arith.constant 16 : index
        %swap3A_198 = tpu.vector_load %arg15[%swap3A_197] {strides = array<i32>} : memref<128xi32, #tpu.memory_space<vmem>>, vector<16xi32>,
        tpu.vector_store %arg15[%swap3A_197], %and3A_196 {strides = array<i32>} : memref<128xi32, #tpu.memory_space<vmem>>, vector<16xi32>,
        %get3A_199 = arith.index_cast %add3A_127 : i32 to index
        %get3A_200 = arith.constant 32 : index
        %get3A_201 = tpu.vector_load %arg11[%get3A_199, %get3A_200] {strides = array<i32>} : memref<170x128xi32, #tpu.memory_space<vmem>>, vector<16xi32>,
        %and3A_202 = arith.constant 16383 : i32
        %and3A_203 = vector.broadcast %and3A_202 : i32 to vector<16xi32>
        %and3A_204 = arith.andi %get3A_201, %and3A_203 : vector<16xi32>
        %swap3A_205 = arith.constant 32 : index
        %swap3A_206 = tpu.vector_load %arg15[%swap3A_205] {strides = array<i32>} : memref<128xi32, #tpu.memory_space<vmem>>, vector<16xi32>,
        tpu.vector_store %arg15[%swap3A_205], %and3A_204 {strides = array<i32>} : memref<128xi32, #tpu.memory_space<vmem>>, vector<16xi32>,
        %get3A_207 = arith.index_cast %add3A_127 : i32 to index
        %get3A_208 = arith.constant 48 : index
        %get3A_209 = tpu.vector_load %arg11[%get3A_207, %get3A_208] {strides = array<i32>} : memref<170x128xi32, #tpu.memory_space<vmem>>, vector<16xi32>,
        %and3A_210 = arith.constant 16383 : i32
        %and3A_211 = vector.broadcast %and3A_210 : i32 to vector<16xi32>
        %and3A_212 = arith.andi %get3A_209, %and3A_211 : vector<16xi32>
        %swap3A_213 = arith.constant 48 : index
        %swap3A_214 = tpu.vector_load %arg15[%swap3A_213] {strides = array<i32>} : memref<128xi32, #tpu.memory_space<vmem>>, vector<16xi32>,
        tpu.vector_store %arg15[%swap3A_213], %and3A_212 {strides = array<i32>} : memref<128xi32, #tpu.memory_space<vmem>>, vector<16xi32>,
        %get3A_215 = arith.index_cast %add3A_127 : i32 to index
        %get3A_216 = arith.constant 64 : index
        %get3A_217 = tpu.vector_load %arg11[%get3A_215, %get3A_216] {strides = array<i32>} : memref<170x128xi32, #tpu.memory_space<vmem>>, vector<16xi32>,
        %and3A_218 = arith.constant 16383 : i32
        %and3A_219 = vector.broadcast %and3A_218 : i32 to vector<16xi32>
        %and3A_220 = arith.andi %get3A_217, %and3A_219 : vector<16xi32>
        %swap3A_221 = arith.constant 64 : index
        %swap3A_222 = tpu.vector_load %arg15[%swap3A_221] {strides = array<i32>} : memref<128xi32, #tpu.memory_space<vmem>>, vector<16xi32>,
        tpu.vector_store %arg15[%swap3A_221], %and3A_220 {strides = array<i32>} : memref<128xi32, #tpu.memory_space<vmem>>, vector<16xi32>,
        %get3A_223 = arith.index_cast %add3A_127 : i32 to index
        %get3A_224 = arith.constant 80 : index
        %get3A_225 = tpu.vector_load %arg11[%get3A_223, %get3A_224] {strides = array<i32>} : memref<170x128xi32, #tpu.memory_space<vmem>>, vector<16xi32>,
        %and3A_226 = arith.constant 16383 : i32
        %and3A_227 = vector.broadcast %and3A_226 : i32 to vector<16xi32>
        %and3A_228 = arith.andi %get3A_225, %and3A_227 : vector<16xi32>
        %swap3A_229 = arith.constant 80 : index
        %swap3A_230 = tpu.vector_load %arg15[%swap3A_229] {strides = array<i32>} : memref<128xi32, #tpu.memory_space<vmem>>, vector<16xi32>,
        tpu.vector_store %arg15[%swap3A_229], %and3A_228 {strides = array<i32>} : memref<128xi32, #tpu.memory_space<vmem>>, vector<16xi32>,
        %get3A_231 = arith.index_cast %add3A_127 : i32 to index
        %get3A_232 = arith.constant 96 : index
        %get3A_233 = tpu.vector_load %arg11[%get3A_231, %get3A_232] {strides = array<i32>} : memref<170x128xi32, #tpu.memory_space<vmem>>, vector<16xi32>,
        %and3A_234 = arith.constant 16383 : i32
        %and3A_235 = vector.broadcast %and3A_234 : i32 to vector<16xi32>
        %and3A_236 = arith.andi %get3A_233, %and3A_235 : vector<16xi32>
        %swap3A_237 = arith.constant 96 : index
        %swap3A_238 = tpu.vector_load %arg15[%swap3A_237] {strides = array<i32>} : memref<128xi32, #tpu.memory_space<vmem>>, vector<16xi32>,
        tpu.vector_store %arg15[%swap3A_237], %and3A_236 {strides = array<i32>} : memref<128xi32, #tpu.memory_space<vmem>>, vector<16xi32>,
        %get3A_239 = arith.index_cast %add3A_127 : i32 to index
        %get3A_240 = arith.constant 112 : index
        %get3A_241 = tpu.vector_load %arg11[%get3A_239, %get3A_240] {strides = array<i32>} : memref<170x128xi32, #tpu.memory_space<vmem>>, vector<16xi32>,
        %and3A_242 = arith.constant 16383 : i32
        %and3A_243 = vector.broadcast %and3A_242 : i32 to vector<16xi32>
        %and3A_244 = arith.andi %get3A_241, %and3A_243 : vector<16xi32>
        %swap3A_245 = arith.constant 112 : index
        %swap3A_246 = tpu.vector_load %arg15[%swap3A_245] {strides = array<i32>} : memref<128xi32, #tpu.memory_space<vmem>>, vector<16xi32>,
        tpu.vector_store %arg15[%swap3A_245], %and3A_244 {strides = array<i32>} : memref<128xi32, #tpu.memory_space<vmem>>, vector<16xi32>,
        "tpu.region"() ({
          %run_scoped3A = tpu.sem_alloc : memref<!tpu.dma_semaphore, #tpu.memory_space<semaphore_mem>>
          %dma_start3A = arith.constant 0 : i32
          %dma_start3A_259 = arith.constant 0 : i32
          %dma_start3A_260 = tpu.memref_slice %arg22[%dma_start3A, %dma_start3A_259] : memref<8320x64xf32, #tpu.memory_space<vmem_shared>> -> memref<8320x64xf32, #tpu.memory_space<vmem_shared>>
          tpu.enqueue_indirect_dma source(%arg17 : memref<128x64xf32, #tpu.memory_space<vmem>>) target(%dma_start3A_260 : memref<8320x64xf32, #tpu.memory_space<vmem_shared>>) offsets(%arg15 : memref<128xi32, #tpu.memory_space<vmem>>) semaphore(%run_scoped3A : memref<!tpu.dma_semaphore, #tpu.memory_space<semaphore_mem>>) {add = true}
          %dma_wait3A_261 = arith.constant 0 : i32
          %dma_wait3A_262 = arith.constant 0 : i32
          %dma_wait3A_263 = tpu.memref_slice %arg22[%dma_wait3A_261, %dma_wait3A_262] : memref<8320x64xf32, #tpu.memory_space<vmem_shared>> -> memref<8320x64xf32, #tpu.memory_space<vmem_shared>>
          tpu.wait_indirect_dma semaphore(%run_scoped3A : memref<!tpu.dma_semaphore, #tpu.memory_space<semaphore_mem>>) src(%arg17 : memref<128x64xf32, #tpu.memory_space<vmem>>) dst(%dma_wait3A_263 : memref<8320x64xf32, #tpu.memory_space<vmem_shared>>)
          tpu.yield
        }) : () -> ()
        %add3A_247 = arith.constant 2 : i32
        %add3A_248 = arith.addi %mul3A_126, %add3A_247 : i32
        %lt3A_249 = arith.cmpi slt, %add3A_248, %shift_right_logical3A_94 : i32
        %convert_element_type3A_250 = arith.extui %lt3A_249 : i1 to i32
        %cond3A_251 = arith.constant 0 : i32
        %cond3A_252 = arith.cmpi ne, %convert_element_type3A_250, %cond3A_251 : i32
        scf.if %cond3A_252 {
          %add3A_259 = arith.constant 2 : i32
          %add3A_260 = arith.addi %add3A_127, %add3A_259 : i32
          %get3A_261 = arith.index_cast %add3A_260 : i32 to index
          %get3A_262 = arith.constant 0 : index
          %get3A_263 = tpu.vector_load %arg11[%get3A_261, %get3A_262] {strides = array<i32>} : memref<170x128xi32, #tpu.memory_space<vmem>>, vector<16xi32>,
          %shift_right_logical3A_264 = arith.constant 14 : i32
          %shift_right_logical3A_265 = vector.broadcast %shift_right_logical3A_264 : i32 to vector<16xi32>
          %shift_right_logical3A_266 = arith.shrui %get3A_263, %shift_right_logical3A_265 : vector<16xi32>
          %swap3A_267 = arith.constant 0 : index
          %swap3A_268 = tpu.vector_load %arg13[%swap3A_267] {strides = array<i32>} : memref<128xi32, #tpu.memory_space<vmem>>, vector<16xi32>,
          tpu.vector_store %arg13[%swap3A_267], %shift_right_logical3A_266 {strides = array<i32>} : memref<128xi32, #tpu.memory_space<vmem>>, vector<16xi32>,
          %get3A_269 = arith.index_cast %add3A_260 : i32 to index
          %get3A_270 = arith.constant 16 : index
          %get3A_271 = tpu.vector_load %arg11[%get3A_269, %get3A_270] {strides = array<i32>} : memref<170x128xi32, #tpu.memory_space<vmem>>, vector<16xi32>,
          %shift_right_logical3A_272 = arith.constant 14 : i32
          %shift_right_logical3A_273 = vector.broadcast %shift_right_logical3A_272 : i32 to vector<16xi32>
          %shift_right_logical3A_274 = arith.shrui %get3A_271, %shift_right_logical3A_273 : vector<16xi32>
          %swap3A_275 = arith.constant 16 : index
          %swap3A_276 = tpu.vector_load %arg13[%swap3A_275] {strides = array<i32>} : memref<128xi32, #tpu.memory_space<vmem>>, vector<16xi32>,
          tpu.vector_store %arg13[%swap3A_275], %shift_right_logical3A_274 {strides = array<i32>} : memref<128xi32, #tpu.memory_space<vmem>>, vector<16xi32>,
          %get3A_277 = arith.index_cast %add3A_260 : i32 to index
          %get3A_278 = arith.constant 32 : index
          %get3A_279 = tpu.vector_load %arg11[%get3A_277, %get3A_278] {strides = array<i32>} : memref<170x128xi32, #tpu.memory_space<vmem>>, vector<16xi32>,
          %shift_right_logical3A_280 = arith.constant 14 : i32
          %shift_right_logical3A_281 = vector.broadcast %shift_right_logical3A_280 : i32 to vector<16xi32>
          %shift_right_logical3A_282 = arith.shrui %get3A_279, %shift_right_logical3A_281 : vector<16xi32>
          %swap3A_283 = arith.constant 32 : index
          %swap3A_284 = tpu.vector_load %arg13[%swap3A_283] {strides = array<i32>} : memref<128xi32, #tpu.memory_space<vmem>>, vector<16xi32>,
          tpu.vector_store %arg13[%swap3A_283], %shift_right_logical3A_282 {strides = array<i32>} : memref<128xi32, #tpu.memory_space<vmem>>, vector<16xi32>,
          %get3A_285 = arith.index_cast %add3A_260 : i32 to index
          %get3A_286 = arith.constant 48 : index
          %get3A_287 = tpu.vector_load %arg11[%get3A_285, %get3A_286] {strides = array<i32>} : memref<170x128xi32, #tpu.memory_space<vmem>>, vector<16xi32>,
          %shift_right_logical3A_288 = arith.constant 14 : i32
          %shift_right_logical3A_289 = vector.broadcast %shift_right_logical3A_288 : i32 to vector<16xi32>
          %shift_right_logical3A_290 = arith.shrui %get3A_287, %shift_right_logical3A_289 : vector<16xi32>
          %swap3A_291 = arith.constant 48 : index
          %swap3A_292 = tpu.vector_load %arg13[%swap3A_291] {strides = array<i32>} : memref<128xi32, #tpu.memory_space<vmem>>, vector<16xi32>,
          tpu.vector_store %arg13[%swap3A_291], %shift_right_logical3A_290 {strides = array<i32>} : memref<128xi32, #tpu.memory_space<vmem>>, vector<16xi32>,
          %get3A_293 = arith.index_cast %add3A_260 : i32 to index
          %get3A_294 = arith.constant 64 : index
          %get3A_295 = tpu.vector_load %arg11[%get3A_293, %get3A_294] {strides = array<i32>} : memref<170x128xi32, #tpu.memory_space<vmem>>, vector<16xi32>,
          %shift_right_logical3A_296 = arith.constant 14 : i32
          %shift_right_logical3A_297 = vector.broadcast %shift_right_logical3A_296 : i32 to vector<16xi32>
          %shift_right_logical3A_298 = arith.shrui %get3A_295, %shift_right_logical3A_297 : vector<16xi32>
          %swap3A_299 = arith.constant 64 : index
          %swap3A_300 = tpu.vector_load %arg13[%swap3A_299] {strides = array<i32>} : memref<128xi32, #tpu.memory_space<vmem>>, vector<16xi32>,
          tpu.vector_store %arg13[%swap3A_299], %shift_right_logical3A_298 {strides = array<i32>} : memref<128xi32, #tpu.memory_space<vmem>>, vector<16xi32>,
          %get3A_301 = arith.index_cast %add3A_260 : i32 to index
          %get3A_302 = arith.constant 80 : index
          %get3A_303 = tpu.vector_load %arg11[%get3A_301, %get3A_302] {strides = array<i32>} : memref<170x128xi32, #tpu.memory_space<vmem>>, vector<16xi32>,
          %shift_right_logical3A_304 = arith.constant 14 : i32
          %shift_right_logical3A_305 = vector.broadcast %shift_right_logical3A_304 : i32 to vector<16xi32>
          %shift_right_logical3A_306 = arith.shrui %get3A_303, %shift_right_logical3A_305 : vector<16xi32>
          %swap3A_307 = arith.constant 80 : index
          %swap3A_308 = tpu.vector_load %arg13[%swap3A_307] {strides = array<i32>} : memref<128xi32, #tpu.memory_space<vmem>>, vector<16xi32>,
          tpu.vector_store %arg13[%swap3A_307], %shift_right_logical3A_306 {strides = array<i32>} : memref<128xi32, #tpu.memory_space<vmem>>, vector<16xi32>,
          %get3A_309 = arith.index_cast %add3A_260 : i32 to index
          %get3A_310 = arith.constant 96 : index
          %get3A_311 = tpu.vector_load %arg11[%get3A_309, %get3A_310] {strides = array<i32>} : memref<170x128xi32, #tpu.memory_space<vmem>>, vector<16xi32>,
          %shift_right_logical3A_312 = arith.constant 14 : i32
          %shift_right_logical3A_313 = vector.broadcast %shift_right_logical3A_312 : i32 to vector<16xi32>
          %shift_right_logical3A_314 = arith.shrui %get3A_311, %shift_right_logical3A_313 : vector<16xi32>
          %swap3A_315 = arith.constant 96 : index
          %swap3A_316 = tpu.vector_load %arg13[%swap3A_315] {strides = array<i32>} : memref<128xi32, #tpu.memory_space<vmem>>, vector<16xi32>,
          tpu.vector_store %arg13[%swap3A_315], %shift_right_logical3A_314 {strides = array<i32>} : memref<128xi32, #tpu.memory_space<vmem>>, vector<16xi32>,
          %get3A_317 = arith.index_cast %add3A_260 : i32 to index
          %get3A_318 = arith.constant 112 : index
          %get3A_319 = tpu.vector_load %arg11[%get3A_317, %get3A_318] {strides = array<i32>} : memref<170x128xi32, #tpu.memory_space<vmem>>, vector<16xi32>,
          %shift_right_logical3A_320 = arith.constant 14 : i32
          %shift_right_logical3A_321 = vector.broadcast %shift_right_logical3A_320 : i32 to vector<16xi32>
          %shift_right_logical3A_322 = arith.shrui %get3A_319, %shift_right_logical3A_321 : vector<16xi32>
          %swap3A_323 = arith.constant 112 : index
          %swap3A_324 = tpu.vector_load %arg13[%swap3A_323] {strides = array<i32>} : memref<128xi32, #tpu.memory_space<vmem>>, vector<16xi32>,
          tpu.vector_store %arg13[%swap3A_323], %shift_right_logical3A_322 {strides = array<i32>} : memref<128xi32, #tpu.memory_space<vmem>>, vector<16xi32>,
          %dma_start3A = arith.constant 0 : i32
          %dma_start3A_325 = arith.constant 0 : i32
          %dma_start3A_326 = tpu.memref_slice %arg4[%dma_start3A, %dma_start3A_325] : memref<100000x64xf32, #tpu.memory_space<hbm>> -> memref<100000x64xf32, #tpu.memory_space<hbm>>
          tpu.enqueue_indirect_dma source(%dma_start3A_326 : memref<100000x64xf32, #tpu.memory_space<hbm>>) target(%arg17 : memref<128x64xf32, #tpu.memory_space<vmem>>) offsets(%arg13 : memref<128xi32, #tpu.memory_space<vmem>>) semaphore(%arg24 : memref<!tpu.dma_semaphore, #tpu.memory_space<semaphore_mem>>)
          %dma_start3A_327 = arith.constant 0 : i32
          %dma_start3A_328 = tpu.memref_slice %arg12[%add3A_260, %dma_start3A_327] : memref<170x128xi32, #tpu.memory_space<vmem>> -> memref<1x128xi32, #tpu.memory_space<vmem>>
          %dma_start3A_329 = tpu.memref_squeeze %dma_start3A_328 : memref<1x128xi32, #tpu.memory_space<vmem>> -> memref<128xi32, #tpu.memory_space<vmem>>
          %dma_start3A_330 = arith.constant 0 : i32
          %dma_start3A_331 = arith.constant 0 : i32
          %dma_start3A_332 = tpu.memref_slice %arg5[%dma_start3A_330, %dma_start3A_331] : memref<320000x64xf32, #tpu.memory_space<hbm>> -> memref<320000x64xf32, #tpu.memory_space<hbm>>
          tpu.enqueue_indirect_dma source(%dma_start3A_332 : memref<320000x64xf32, #tpu.memory_space<hbm>>) target(%arg18 : memref<128x64xf32, #tpu.memory_space<vmem>>) offsets(%dma_start3A_329 : memref<128xi32, #tpu.memory_space<vmem>>) semaphore(%arg25 : memref<!tpu.dma_semaphore, #tpu.memory_space<semaphore_mem>>)
        } else {
        }
        %add3A_253 = arith.constant 1 : i32
        %add3A_254 = arith.addi %mul3A_126, %add3A_253 : i32
        %lt3A_255 = arith.cmpi slt, %add3A_254, %shift_right_logical3A_94 : i32
        %convert_element_type3A_256 = arith.extui %lt3A_255 : i1 to i32
        %cond3A_257 = arith.constant 0 : i32
        %cond3A_258 = arith.cmpi ne, %convert_element_type3A_256, %cond3A_257 : i32
        scf.if %cond3A_258 {
          %add3A_259 = arith.constant 1 : i32
          %add3A_260 = arith.addi %add3A_127, %add3A_259 : i32
          %dma_wait3A_261 = arith.constant 0 : i32
          %dma_wait3A_262 = arith.constant 0 : i32
          %dma_wait3A_263 = tpu.memref_slice %arg4[%dma_wait3A_261, %dma_wait3A_262] : memref<100000x64xf32, #tpu.memory_space<hbm>> -> memref<100000x64xf32, #tpu.memory_space<hbm>>
          tpu.wait_indirect_dma semaphore(%arg26 : memref<!tpu.dma_semaphore, #tpu.memory_space<semaphore_mem>>) src(%dma_wait3A_263 : memref<100000x64xf32, #tpu.memory_space<hbm>>) dst(%arg19 : memref<128x64xf32, #tpu.memory_space<vmem>>)
          %dma_wait3A_264 = arith.constant 0 : i32
          %dma_wait3A_265 = tpu.memref_slice %arg12[%add3A_260, %dma_wait3A_264] : memref<170x128xi32, #tpu.memory_space<vmem>> -> memref<1x128xi32, #tpu.memory_space<vmem>>
          %dma_wait3A_266 = tpu.memref_squeeze %dma_wait3A_265 : memref<1x128xi32, #tpu.memory_space<vmem>> -> memref<128xi32, #tpu.memory_space<vmem>>
          %dma_wait3A_267 = arith.constant 0 : i32
          %dma_wait3A_268 = arith.constant 0 : i32
          %dma_wait3A_269 = tpu.memref_slice %arg5[%dma_wait3A_267, %dma_wait3A_268] : memref<320000x64xf32, #tpu.memory_space<hbm>> -> memref<320000x64xf32, #tpu.memory_space<hbm>>
          tpu.wait_indirect_dma semaphore(%arg27 : memref<!tpu.dma_semaphore, #tpu.memory_space<semaphore_mem>>) src(%dma_wait3A_269 : memref<320000x64xf32, #tpu.memory_space<hbm>>) dst(%arg20 : memref<128x64xf32, #tpu.memory_space<vmem>>)
          %scan3A_270 = arith.constant 0 : i32
          %scan3A_271 = arith.constant 0 : i32
          %get3A_272 = arith.index_cast %scan3A_271 : i32 to index
          %get3A_273 = arith.constant 0 : index
          %get3A_274 = tpu.vector_load %arg19[%get3A_272, %get3A_273] {strides = array<i32>} : memref<128x64xf32, #tpu.memory_space<vmem>>, vector<16xf32>,
          %get3A_275 = arith.index_cast %scan3A_271 : i32 to index
          %get3A_276 = arith.constant 0 : index
          %get3A_277 = tpu.vector_load %arg20[%get3A_275, %get3A_276] {strides = array<i32>} : memref<128x64xf32, #tpu.memory_space<vmem>>, vector<16xf32>,
          %mul3A_278 = arith.mulf %get3A_274, %get3A_277 : vector<16xf32>
          %swap3A_279 = arith.index_cast %scan3A_271 : i32 to index
          %swap3A_280 = arith.constant 0 : index
          %swap3A_281 = tpu.vector_load %arg19[%swap3A_279, %swap3A_280] {strides = array<i32>} : memref<128x64xf32, #tpu.memory_space<vmem>>, vector<16xf32>,
          tpu.vector_store %arg19[%swap3A_279, %swap3A_280], %mul3A_278 {strides = array<i32>} : memref<128x64xf32, #tpu.memory_space<vmem>>, vector<16xf32>,
          %get3A_282 = arith.index_cast %scan3A_271 : i32 to index
          %get3A_283 = arith.constant 16 : index
          %get3A_284 = tpu.vector_load %arg19[%get3A_282, %get3A_283] {strides = array<i32>} : memref<128x64xf32, #tpu.memory_space<vmem>>, vector<16xf32>,
          %get3A_285 = arith.index_cast %scan3A_271 : i32 to index
          %get3A_286 = arith.constant 16 : index
          %get3A_287 = tpu.vector_load %arg20[%get3A_285, %get3A_286] {strides = array<i32>} : memref<128x64xf32, #tpu.memory_space<vmem>>, vector<16xf32>,
          %mul3A_288 = arith.mulf %get3A_284, %get3A_287 : vector<16xf32>
          %swap3A_289 = arith.index_cast %scan3A_271 : i32 to index
          %swap3A_290 = arith.constant 16 : index
          %swap3A_291 = tpu.vector_load %arg19[%swap3A_289, %swap3A_290] {strides = array<i32>} : memref<128x64xf32, #tpu.memory_space<vmem>>, vector<16xf32>,
          tpu.vector_store %arg19[%swap3A_289, %swap3A_290], %mul3A_288 {strides = array<i32>} : memref<128x64xf32, #tpu.memory_space<vmem>>, vector<16xf32>,
          %get3A_292 = arith.index_cast %scan3A_271 : i32 to index
          %get3A_293 = arith.constant 32 : index
          %get3A_294 = tpu.vector_load %arg19[%get3A_292, %get3A_293] {strides = array<i32>} : memref<128x64xf32, #tpu.memory_space<vmem>>, vector<16xf32>,
          %get3A_295 = arith.index_cast %scan3A_271 : i32 to index
          %get3A_296 = arith.constant 32 : index
          %get3A_297 = tpu.vector_load %arg20[%get3A_295, %get3A_296] {strides = array<i32>} : memref<128x64xf32, #tpu.memory_space<vmem>>, vector<16xf32>,
          %mul3A_298 = arith.mulf %get3A_294, %get3A_297 : vector<16xf32>
          %swap3A_299 = arith.index_cast %scan3A_271 : i32 to index
          %swap3A_300 = arith.constant 32 : index
          %swap3A_301 = tpu.vector_load %arg19[%swap3A_299, %swap3A_300] {strides = array<i32>} : memref<128x64xf32, #tpu.memory_space<vmem>>, vector<16xf32>,
          tpu.vector_store %arg19[%swap3A_299, %swap3A_300], %mul3A_298 {strides = array<i32>} : memref<128x64xf32, #tpu.memory_space<vmem>>, vector<16xf32>,
          %get3A_302 = arith.index_cast %scan3A_271 : i32 to index
          %get3A_303 = arith.constant 48 : index
          %get3A_304 = tpu.vector_load %arg19[%get3A_302, %get3A_303] {strides = array<i32>} : memref<128x64xf32, #tpu.memory_space<vmem>>, vector<16xf32>,
          %get3A_305 = arith.index_cast %scan3A_271 : i32 to index
          %get3A_306 = arith.constant 48 : index
          %get3A_307 = tpu.vector_load %arg20[%get3A_305, %get3A_306] {strides = array<i32>} : memref<128x64xf32, #tpu.memory_space<vmem>>, vector<16xf32>,
          %mul3A_308 = arith.mulf %get3A_304, %get3A_307 : vector<16xf32>
          %swap3A_309 = arith.index_cast %scan3A_271 : i32 to index
          %swap3A_310 = arith.constant 48 : index
          %swap3A_311 = tpu.vector_load %arg19[%swap3A_309, %swap3A_310] {strides = array<i32>} : memref<128x64xf32, #tpu.memory_space<vmem>>, vector<16xf32>,
          tpu.vector_store %arg19[%swap3A_309, %swap3A_310], %mul3A_308 {strides = array<i32>} : memref<128x64xf32, #tpu.memory_space<vmem>>, vector<16xf32>,
          %scan3A_312 = arith.constant 1 : i32
          %add3A_313 = arith.constant 1 : i32
          %add3A_314 = arith.addi %add3A_127, %add3A_313 : i32
          %get3A_315 = arith.index_cast %add3A_314 : i32 to index
          %get3A_316 = arith.constant 0 : index
          %get3A_317 = tpu.vector_load %arg11[%get3A_315, %get3A_316] {strides = array<i32>} : memref<170x128xi32, #tpu.memory_space<vmem>>, vector<16xi32>,
          %and3A_318 = arith.constant 16383 : i32
          %and3A_319 = vector.broadcast %and3A_318 : i32 to vector<16xi32>
          %and3A_320 = arith.andi %get3A_317, %and3A_319 : vector<16xi32>
          %swap3A_321 = arith.constant 0 : index
          %swap3A_322 = tpu.vector_load %arg16[%swap3A_321] {strides = array<i32>} : memref<128xi32, #tpu.memory_space<vmem>>, vector<16xi32>,
          tpu.vector_store %arg16[%swap3A_321], %and3A_320 {strides = array<i32>} : memref<128xi32, #tpu.memory_space<vmem>>, vector<16xi32>,
          %get3A_323 = arith.index_cast %add3A_314 : i32 to index
          %get3A_324 = arith.constant 16 : index
          %get3A_325 = tpu.vector_load %arg11[%get3A_323, %get3A_324] {strides = array<i32>} : memref<170x128xi32, #tpu.memory_space<vmem>>, vector<16xi32>,
          %and3A_326 = arith.constant 16383 : i32
          %and3A_327 = vector.broadcast %and3A_326 : i32 to vector<16xi32>
          %and3A_328 = arith.andi %get3A_325, %and3A_327 : vector<16xi32>
          %swap3A_329 = arith.constant 16 : index
          %swap3A_330 = tpu.vector_load %arg16[%swap3A_329] {strides = array<i32>} : memref<128xi32, #tpu.memory_space<vmem>>, vector<16xi32>,
          tpu.vector_store %arg16[%swap3A_329], %and3A_328 {strides = array<i32>} : memref<128xi32, #tpu.memory_space<vmem>>, vector<16xi32>,
          %get3A_331 = arith.index_cast %add3A_314 : i32 to index
          %get3A_332 = arith.constant 32 : index
          %get3A_333 = tpu.vector_load %arg11[%get3A_331, %get3A_332] {strides = array<i32>} : memref<170x128xi32, #tpu.memory_space<vmem>>, vector<16xi32>,
          %and3A_334 = arith.constant 16383 : i32
          %and3A_335 = vector.broadcast %and3A_334 : i32 to vector<16xi32>
          %and3A_336 = arith.andi %get3A_333, %and3A_335 : vector<16xi32>
          %swap3A_337 = arith.constant 32 : index
          %swap3A_338 = tpu.vector_load %arg16[%swap3A_337] {strides = array<i32>} : memref<128xi32, #tpu.memory_space<vmem>>, vector<16xi32>,
          tpu.vector_store %arg16[%swap3A_337], %and3A_336 {strides = array<i32>} : memref<128xi32, #tpu.memory_space<vmem>>, vector<16xi32>,
          %get3A_339 = arith.index_cast %add3A_314 : i32 to index
          %get3A_340 = arith.constant 48 : index
          %get3A_341 = tpu.vector_load %arg11[%get3A_339, %get3A_340] {strides = array<i32>} : memref<170x128xi32, #tpu.memory_space<vmem>>, vector<16xi32>,
          %and3A_342 = arith.constant 16383 : i32
          %and3A_343 = vector.broadcast %and3A_342 : i32 to vector<16xi32>
          %and3A_344 = arith.andi %get3A_341, %and3A_343 : vector<16xi32>
          %swap3A_345 = arith.constant 48 : index
          %swap3A_346 = tpu.vector_load %arg16[%swap3A_345] {strides = array<i32>} : memref<128xi32, #tpu.memory_space<vmem>>, vector<16xi32>,
          tpu.vector_store %arg16[%swap3A_345], %and3A_344 {strides = array<i32>} : memref<128xi32, #tpu.memory_space<vmem>>, vector<16xi32>,
          %get3A_347 = arith.index_cast %add3A_314 : i32 to index
          %get3A_348 = arith.constant 64 : index
          %get3A_349 = tpu.vector_load %arg11[%get3A_347, %get3A_348] {strides = array<i32>} : memref<170x128xi32, #tpu.memory_space<vmem>>, vector<16xi32>,
          %and3A_350 = arith.constant 16383 : i32
          %and3A_351 = vector.broadcast %and3A_350 : i32 to vector<16xi32>
          %and3A_352 = arith.andi %get3A_349, %and3A_351 : vector<16xi32>
          %swap3A_353 = arith.constant 64 : index
          %swap3A_354 = tpu.vector_load %arg16[%swap3A_353] {strides = array<i32>} : memref<128xi32, #tpu.memory_space<vmem>>, vector<16xi32>,
          tpu.vector_store %arg16[%swap3A_353], %and3A_352 {strides = array<i32>} : memref<128xi32, #tpu.memory_space<vmem>>, vector<16xi32>,
          %get3A_355 = arith.index_cast %add3A_314 : i32 to index
          %get3A_356 = arith.constant 80 : index
          %get3A_357 = tpu.vector_load %arg11[%get3A_355, %get3A_356] {strides = array<i32>} : memref<170x128xi32, #tpu.memory_space<vmem>>, vector<16xi32>,
          %and3A_358 = arith.constant 16383 : i32
          %and3A_359 = vector.broadcast %and3A_358 : i32 to vector<16xi32>
          %and3A_360 = arith.andi %get3A_357, %and3A_359 : vector<16xi32>
          %swap3A_361 = arith.constant 80 : index
          %swap3A_362 = tpu.vector_load %arg16[%swap3A_361] {strides = array<i32>} : memref<128xi32, #tpu.memory_space<vmem>>, vector<16xi32>,
          tpu.vector_store %arg16[%swap3A_361], %and3A_360 {strides = array<i32>} : memref<128xi32, #tpu.memory_space<vmem>>, vector<16xi32>,
          %get3A_363 = arith.index_cast %add3A_314 : i32 to index
          %get3A_364 = arith.constant 96 : index
          %get3A_365 = tpu.vector_load %arg11[%get3A_363, %get3A_364] {strides = array<i32>} : memref<170x128xi32, #tpu.memory_space<vmem>>, vector<16xi32>,
          %and3A_366 = arith.constant 16383 : i32
          %and3A_367 = vector.broadcast %and3A_366 : i32 to vector<16xi32>
          %and3A_368 = arith.andi %get3A_365, %and3A_367 : vector<16xi32>
          %swap3A_369 = arith.constant 96 : index
          %swap3A_370 = tpu.vector_load %arg16[%swap3A_369] {strides = array<i32>} : memref<128xi32, #tpu.memory_space<vmem>>, vector<16xi32>,
          tpu.vector_store %arg16[%swap3A_369], %and3A_368 {strides = array<i32>} : memref<128xi32, #tpu.memory_space<vmem>>, vector<16xi32>,
          %get3A_371 = arith.index_cast %add3A_314 : i32 to index
          %get3A_372 = arith.constant 112 : index
          %get3A_373 = tpu.vector_load %arg11[%get3A_371, %get3A_372] {strides = array<i32>} : memref<170x128xi32, #tpu.memory_space<vmem>>, vector<16xi32>,
          %and3A_374 = arith.constant 16383 : i32
          %and3A_375 = vector.broadcast %and3A_374 : i32 to vector<16xi32>
          %and3A_376 = arith.andi %get3A_373, %and3A_375 : vector<16xi32>
          %swap3A_377 = arith.constant 112 : index
          %swap3A_378 = tpu.vector_load %arg16[%swap3A_377] {strides = array<i32>} : memref<128xi32, #tpu.memory_space<vmem>>, vector<16xi32>,
          tpu.vector_store %arg16[%swap3A_377], %and3A_376 {strides = array<i32>} : memref<128xi32, #tpu.memory_space<vmem>>, vector<16xi32>,
          "tpu.region"() ({
            %run_scoped3A = tpu.sem_alloc : memref<!tpu.dma_semaphore, #tpu.memory_space<semaphore_mem>>
            %dma_start3A = arith.constant 0 : i32
            %dma_start3A_379 = arith.constant 0 : i32
            %dma_start3A_380 = tpu.memref_slice %arg22[%dma_start3A, %dma_start3A_379] : memref<8320x64xf32, #tpu.memory_space<vmem_shared>> -> memref<8320x64xf32, #tpu.memory_space<vmem_shared>>
            tpu.enqueue_indirect_dma source(%arg19 : memref<128x64xf32, #tpu.memory_space<vmem>>) target(%dma_start3A_380 : memref<8320x64xf32, #tpu.memory_space<vmem_shared>>) offsets(%arg16 : memref<128xi32, #tpu.memory_space<vmem>>) semaphore(%run_scoped3A : memref<!tpu.dma_semaphore, #tpu.memory_space<semaphore_mem>>) {add = true}
            %dma_wait3A_381 = arith.constant 0 : i32
            %dma_wait3A_382 = arith.constant 0 : i32
            %dma_wait3A_383 = tpu.memref_slice %arg22[%dma_wait3A_381, %dma_wait3A_382] : memref<8320x64xf32, #tpu.memory_space<vmem_shared>> -> memref<8320x64xf32, #tpu.memory_space<vmem_shared>>
            tpu.wait_indirect_dma semaphore(%run_scoped3A : memref<!tpu.dma_semaphore, #tpu.memory_space<semaphore_mem>>) src(%arg19 : memref<128x64xf32, #tpu.memory_space<vmem>>) dst(%dma_wait3A_383 : memref<8320x64xf32, #tpu.memory_space<vmem_shared>>)
            tpu.yield
          }) : () -> ()
        } else {
        }
      }
      %barrier3A_111 = arith.constant 0 : index
      tpu.barrier barrier_id(%barrier3A_111)
      %mul3A_112 = arith.constant 8192 : i32
      %mul3A_113 = arith.muli %scan3A_88, %mul3A_112 : i32
      %add3A_114 = arith.addi %mul3A_113, %mul3A_73 : i32
      "tpu.region"() ({
        %run_scoped3A = tpu.sem_alloc : memref<!tpu.dma_semaphore, #tpu.memory_space<semaphore_mem>>
        %dma_start3A = arith.constant 0 : i32
        %dma_start3A_124 = tpu.memref_slice %arg6[%arg0, %add3A_114, %dma_start3A] : memref<2x106496x64xf32, #tpu.memory_space<hbm>> -> memref<1x512x64xf32, #tpu.memory_space<hbm>>
        %dma_start3A_125 = tpu.memref_squeeze %dma_start3A_124 : memref<1x512x64xf32, #tpu.memory_space<hbm>> -> memref<512x64xf32, #tpu.memory_space<hbm>>
        %dma_start3A_126 = arith.constant 0 : i32
        %dma_start3A_127 = tpu.memref_slice %arg22[%mul3A_73, %dma_start3A_126] : memref<8320x64xf32, #tpu.memory_space<vmem_shared>> -> memref<512x64xf32, #tpu.memory_space<vmem_shared>>
        tpu.enqueue_dma source(%dma_start3A_127 : memref<512x64xf32, #tpu.memory_space<vmem_shared>>) target(%dma_start3A_125 : memref<512x64xf32, #tpu.memory_space<hbm>>) target_semaphore(%run_scoped3A : memref<!tpu.dma_semaphore, #tpu.memory_space<semaphore_mem>>)
        %dma_wait3A = arith.constant 0 : i32
        %dma_wait3A_128 = tpu.memref_slice %arg6[%arg0, %add3A_114, %dma_wait3A] : memref<2x106496x64xf32, #tpu.memory_space<hbm>> -> memref<1x512x64xf32, #tpu.memory_space<hbm>>
        %dma_wait3A_129 = tpu.memref_squeeze %dma_wait3A_128 : memref<1x512x64xf32, #tpu.memory_space<hbm>> -> memref<512x64xf32, #tpu.memory_space<hbm>>
        %dma_wait3A_130 = arith.constant 0 : i32
        %dma_wait3A_131 = tpu.memref_slice %arg22[%mul3A_73, %dma_wait3A_130] : memref<8320x64xf32, #tpu.memory_space<vmem_shared>> -> memref<512x64xf32, #tpu.memory_space<vmem_shared>>
        tpu.wait_dma2 semaphore(%run_scoped3A : memref<!tpu.dma_semaphore, #tpu.memory_space<semaphore_mem>>) src(%dma_wait3A_131 : memref<512x64xf32, #tpu.memory_space<vmem_shared>>) dst(%dma_wait3A_129 : memref<512x64xf32, #tpu.memory_space<hbm>>)
        tpu.yield
      }) : () -> ()
      %add3A_115 = arith.constant 0 : i32
      %add3A_116 = arith.addi %mul3A_73, %add3A_115 : i32
      "tpu.region"() ({
        %run_scoped3A = tpu.sem_alloc : memref<!tpu.dma_semaphore, #tpu.memory_space<semaphore_mem>>
        %dma_start3A = arith.constant 0 : i32
        %dma_start3A_124 = tpu.memref_slice %arg22[%add3A_116, %dma_start3A] : memref<8320x64xf32, #tpu.memory_space<vmem_shared>> -> memref<128x64xf32, #tpu.memory_space<vmem_shared>>
        %dma_start3A_125 = arith.constant 0 : i32
        %dma_start3A_126 = tpu.memref_slice %arg22[%add3A_116, %dma_start3A_125] : memref<8320x64xf32, #tpu.memory_space<vmem_shared>> -> memref<128x64xf32, #tpu.memory_space<vmem_shared>>
        tpu.enqueue_dma source(%arg21 : memref<128x64xf32, #tpu.memory_space<vmem>>) target(%dma_start3A_126 : memref<128x64xf32, #tpu.memory_space<vmem_shared>>) target_semaphore(%run_scoped3A : memref<!tpu.dma_semaphore, #tpu.memory_space<semaphore_mem>>)
        %dma_wait3A = arith.constant 0 : i32
        %dma_wait3A_127 = tpu.memref_slice %arg22[%add3A_116, %dma_wait3A] : memref<8320x64xf32, #tpu.memory_space<vmem_shared>> -> memref<128x64xf32, #tpu.memory_space<vmem_shared>>
        %dma_wait3A_128 = arith.constant 0 : i32
        %dma_wait3A_129 = tpu.memref_slice %arg22[%add3A_116, %dma_wait3A_128] : memref<8320x64xf32, #tpu.memory_space<vmem_shared>> -> memref<128x64xf32, #tpu.memory_space<vmem_shared>>
        tpu.wait_dma2 semaphore(%run_scoped3A : memref<!tpu.dma_semaphore, #tpu.memory_space<semaphore_mem>>) src(%arg21 : memref<128x64xf32, #tpu.memory_space<vmem>>) dst(%dma_wait3A_129 : memref<128x64xf32, #tpu.memory_space<vmem_shared>>)
        tpu.yield
      }) : () -> ()
      %add3A_117 = arith.constant 128 : i32
      %add3A_118 = arith.addi %mul3A_73, %add3A_117 : i32
      "tpu.region"() ({
        %run_scoped3A = tpu.sem_alloc : memref<!tpu.dma_semaphore, #tpu.memory_space<semaphore_mem>>
        %dma_start3A = arith.constant 0 : i32
        %dma_start3A_124 = tpu.memref_slice %arg22[%add3A_118, %dma_start3A] : memref<8320x64xf32, #tpu.memory_space<vmem_shared>> -> memref<128x64xf32, #tpu.memory_space<vmem_shared>>
        %dma_start3A_125 = arith.constant 0 : i32
        %dma_start3A_126 = tpu.memref_slice %arg22[%add3A_118, %dma_start3A_125] : memref<8320x64xf32, #tpu.memory_space<vmem_shared>> -> memref<128x64xf32, #tpu.memory_space<vmem_shared>>
        tpu.enqueue_dma source(%arg21 : memref<128x64xf32, #tpu.memory_space<vmem>>) target(%dma_start3A_126 : memref<128x64xf32, #tpu.memory_space<vmem_shared>>) target_semaphore(%run_scoped3A : memref<!tpu.dma_semaphore, #tpu.memory_space<semaphore_mem>>)
        %dma_wait3A = arith.constant 0 : i32
        %dma_wait3A_127 = tpu.memref_slice %arg22[%add3A_118, %dma_wait3A] : memref<8320x64xf32, #tpu.memory_space<vmem_shared>> -> memref<128x64xf32, #tpu.memory_space<vmem_shared>>
        %dma_wait3A_128 = arith.constant 0 : i32
        %dma_wait3A_129 = tpu.memref_slice %arg22[%add3A_118, %dma_wait3A_128] : memref<8320x64xf32, #tpu.memory_space<vmem_shared>> -> memref<128x64xf32, #tpu.memory_space<vmem_shared>>
        tpu.wait_dma2 semaphore(%run_scoped3A : memref<!tpu.dma_semaphore, #tpu.memory_space<semaphore_mem>>) src(%arg21 : memref<128x64xf32, #tpu.memory_space<vmem>>) dst(%dma_wait3A_129 : memref<128x64xf32, #tpu.memory_space<vmem_shared>>)
        tpu.yield
      }) : () -> ()
      %add3A_119 = arith.constant 256 : i32
      %add3A_120 = arith.addi %mul3A_73, %add3A_119 : i32
      "tpu.region"() ({
        %run_scoped3A = tpu.sem_alloc : memref<!tpu.dma_semaphore, #tpu.memory_space<semaphore_mem>>
        %dma_start3A = arith.constant 0 : i32
        %dma_start3A_124 = tpu.memref_slice %arg22[%add3A_120, %dma_start3A] : memref<8320x64xf32, #tpu.memory_space<vmem_shared>> -> memref<128x64xf32, #tpu.memory_space<vmem_shared>>
        %dma_start3A_125 = arith.constant 0 : i32
        %dma_start3A_126 = tpu.memref_slice %arg22[%add3A_120, %dma_start3A_125] : memref<8320x64xf32, #tpu.memory_space<vmem_shared>> -> memref<128x64xf32, #tpu.memory_space<vmem_shared>>
        tpu.enqueue_dma source(%arg21 : memref<128x64xf32, #tpu.memory_space<vmem>>) target(%dma_start3A_126 : memref<128x64xf32, #tpu.memory_space<vmem_shared>>) target_semaphore(%run_scoped3A : memref<!tpu.dma_semaphore, #tpu.memory_space<semaphore_mem>>)
        %dma_wait3A = arith.constant 0 : i32
        %dma_wait3A_127 = tpu.memref_slice %arg22[%add3A_120, %dma_wait3A] : memref<8320x64xf32, #tpu.memory_space<vmem_shared>> -> memref<128x64xf32, #tpu.memory_space<vmem_shared>>
        %dma_wait3A_128 = arith.constant 0 : i32
        %dma_wait3A_129 = tpu.memref_slice %arg22[%add3A_120, %dma_wait3A_128] : memref<8320x64xf32, #tpu.memory_space<vmem_shared>> -> memref<128x64xf32, #tpu.memory_space<vmem_shared>>
        tpu.wait_dma2 semaphore(%run_scoped3A : memref<!tpu.dma_semaphore, #tpu.memory_space<semaphore_mem>>) src(%arg21 : memref<128x64xf32, #tpu.memory_space<vmem>>) dst(%dma_wait3A_129 : memref<128x64xf32, #tpu.memory_space<vmem_shared>>)
        tpu.yield
      }) : () -> ()
      %add3A_121 = arith.constant 384 : i32
      %add3A_122 = arith.addi %mul3A_73, %add3A_121 : i32
      "tpu.region"() ({
        %run_scoped3A = tpu.sem_alloc : memref<!tpu.dma_semaphore, #tpu.memory_space<semaphore_mem>>
        %dma_start3A = arith.constant 0 : i32
        %dma_start3A_124 = tpu.memref_slice %arg22[%add3A_122, %dma_start3A] : memref<8320x64xf32, #tpu.memory_space<vmem_shared>> -> memref<128x64xf32, #tpu.memory_space<vmem_shared>>
        %dma_start3A_125 = arith.constant 0 : i32
        %dma_start3A_126 = tpu.memref_slice %arg22[%add3A_122, %dma_start3A_125] : memref<8320x64xf32, #tpu.memory_space<vmem_shared>> -> memref<128x64xf32, #tpu.memory_space<vmem_shared>>
        tpu.enqueue_dma source(%arg21 : memref<128x64xf32, #tpu.memory_space<vmem>>) target(%dma_start3A_126 : memref<128x64xf32, #tpu.memory_space<vmem_shared>>) target_semaphore(%run_scoped3A : memref<!tpu.dma_semaphore, #tpu.memory_space<semaphore_mem>>)
        %dma_wait3A = arith.constant 0 : i32
        %dma_wait3A_127 = tpu.memref_slice %arg22[%add3A_122, %dma_wait3A] : memref<8320x64xf32, #tpu.memory_space<vmem_shared>> -> memref<128x64xf32, #tpu.memory_space<vmem_shared>>
        %dma_wait3A_128 = arith.constant 0 : i32
        %dma_wait3A_129 = tpu.memref_slice %arg22[%add3A_122, %dma_wait3A_128] : memref<8320x64xf32, #tpu.memory_space<vmem_shared>> -> memref<128x64xf32, #tpu.memory_space<vmem_shared>>
        tpu.wait_dma2 semaphore(%run_scoped3A : memref<!tpu.dma_semaphore, #tpu.memory_space<semaphore_mem>>) src(%arg21 : memref<128x64xf32, #tpu.memory_space<vmem>>) dst(%dma_wait3A_129 : memref<128x64xf32, #tpu.memory_space<vmem_shared>>)
        tpu.yield
      }) : () -> ()
      %barrier3A_123 = arith.constant 0 : index
      tpu.barrier barrier_id(%barrier3A_123)
    }
    %scan3A_87 = arith.constant 13 : i32
    return
  }
}

module attributes {stable_mosaic.version = 14 : i64} {
  func.func @_filt_body(%arg0: i32, %arg1: memref<300x1280xf32, #tpu.memory_space<vmem>>, %arg2: memref<300x1280xf32, #tpu.memory_space<vmem>>, %arg3: memref<1280x1xf32, #tpu.memory_space<vmem>>, %arg4: memref<1280x1xf32, #tpu.memory_space<vmem>>, %arg5: memref<64x300xf32, #tpu.memory_space<vmem>>, %arg6: memref<1x64xf32, #tpu.memory_space<vmem>>, %arg7: memref<64x64xf32, #tpu.memory_space<vmem>>, %arg8: memref<1x64xf32, #tpu.memory_space<vmem>>, %arg9: memref<1280x64xf32, #tpu.memory_space<vmem>>) attributes {dimension_semantics = [#tpu.dimension_semantics<arbitrary>], iteration_bounds = array<i64: 250>, scalar_prefetch = 0 : i64, scratch_operands = 0 : i64, tpu.core_type = #tpu.core_type<tc>, window_params = [{transform_indices = @transform_0, window_bounds = array<i64: 300, 1280>}, {transform_indices = @transform_1, window_bounds = array<i64: 300, 1280>}, {transform_indices = @transform_2, window_bounds = array<i64: 1280, 1>}, {transform_indices = @transform_3, window_bounds = array<i64: 1280, 1>}, {pipeline_mode = #tpu.pipeline_mode<synchronous>, transform_indices = @transform_4, window_bounds = array<i64: 64, 300>}, {pipeline_mode = #tpu.pipeline_mode<synchronous>, transform_indices = @transform_5, window_bounds = array<i64: 1, 64>}, {pipeline_mode = #tpu.pipeline_mode<synchronous>, transform_indices = @transform_6, window_bounds = array<i64: 64, 64>}, {pipeline_mode = #tpu.pipeline_mode<synchronous>, transform_indices = @transform_7, window_bounds = array<i64: 1, 64>}, {transform_indices = @transform_8, window_bounds = array<i64: 1280, 64>}]} {
    %lt3A = arith.constant 125 : i32
    %lt3A_0 = arith.cmpi slt, %arg0, %lt3A : i32
    %convert_element_type3A = arith.extui %lt3A_0 : i1 to i32
    %cond3A = arith.constant 0 : i32
    %cond3A_1 = arith.cmpi ne, %convert_element_type3A, %cond3A : i32
    scf.if %cond3A_1 {
      %get3A = arith.constant 0 : index
      %get3A_6 = arith.constant 0 : index
      %get3A_7 = vector.load %arg1[%get3A, %get3A_6] : memref<300x1280xf32, #tpu.memory_space<vmem>>, vector<300x1280xf32>
      %get3A_8 = arith.constant 0 : index
      %get3A_9 = arith.constant 0 : index
      %get3A_10 = vector.load %arg5[%get3A_8, %get3A_9] : memref<64x300xf32, #tpu.memory_space<vmem>>, vector<64x300xf32>
      %dot_general3A = arith.constant dense<0.000000e+00> : vector<1280x64xf32>
      %dot_general3A_11 = tpu.matmul %get3A_7, %get3A_10, %dot_general3A {dimension_numbers = #tpu.dot_dimension_numbers<[0], [1], [1], [0], [0, 1, 1, 0], [], []>, transpose_lhs_hint = false} : vector<300x1280xf32>, vector<64x300xf32>, vector<1280x64xf32> -> vector<1280x64xf32>
      %get3A_12 = arith.constant 0 : index
      %get3A_13 = arith.constant 0 : index
      %get3A_14 = vector.load %arg6[%get3A_12, %get3A_13] : memref<1x64xf32, #tpu.memory_space<vmem>>, vector<1x64xf32>
      %add3A = vector.broadcast %get3A_14 : vector<1x64xf32> to vector<1280x64xf32>
      %add3A_15 = arith.addf %dot_general3A_11, %add3A : vector<1280x64xf32>
      %exp3A = math.exp %add3A_15 : vector<1280x64xf32>
      %add3A_16 = arith.constant 1.000000e+00 : f32
      %add3A_17 = vector.broadcast %add3A_16 : f32 to vector<1280x64xf32>
      %add3A_18 = arith.addf %exp3A, %add3A_17 : vector<1280x64xf32>
      %log3A = math.log %add3A_18 : vector<1280x64xf32>
      %sub3A = arith.constant 0.693147182 : f32
      %sub3A_19 = vector.broadcast %sub3A : f32 to vector<1280x64xf32>
      %sub3A_20 = arith.subf %log3A, %sub3A_19 : vector<1280x64xf32>
      %get3A_21 = arith.constant 0 : index
      %get3A_22 = arith.constant 0 : index
      %get3A_23 = vector.load %arg7[%get3A_21, %get3A_22] : memref<64x64xf32, #tpu.memory_space<vmem>>, vector<64x64xf32>
      %dot_general3A_24 = arith.constant dense<0.000000e+00> : vector<1280x64xf32>
      %dot_general3A_25 = tpu.matmul %sub3A_20, %get3A_23, %dot_general3A_24 {dimension_numbers = #tpu.dot_dimension_numbers<[1], [0], [0], [1], [0, 0, 1, 1], [], []>, transpose_lhs_hint = false} : vector<1280x64xf32>, vector<64x64xf32>, vector<1280x64xf32> -> vector<1280x64xf32>
      %get3A_26 = arith.constant 0 : index
      %get3A_27 = arith.constant 0 : index
      %get3A_28 = vector.load %arg8[%get3A_26, %get3A_27] : memref<1x64xf32, #tpu.memory_space<vmem>>, vector<1x64xf32>
      %add3A_29 = vector.broadcast %get3A_28 : vector<1x64xf32> to vector<1280x64xf32>
      %add3A_30 = arith.addf %dot_general3A_25, %add3A_29 : vector<1280x64xf32>
      %exp3A_31 = math.exp %add3A_30 : vector<1280x64xf32>
      %add3A_32 = arith.constant 1.000000e+00 : f32
      %add3A_33 = vector.broadcast %add3A_32 : f32 to vector<1280x64xf32>
      %add3A_34 = arith.addf %exp3A_31, %add3A_33 : vector<1280x64xf32>
      %log3A_35 = math.log %add3A_34 : vector<1280x64xf32>
      %sub3A_36 = arith.constant 0.693147182 : f32
      %sub3A_37 = vector.broadcast %sub3A_36 : f32 to vector<1280x64xf32>
      %sub3A_38 = arith.subf %log3A_35, %sub3A_37 : vector<1280x64xf32>
      %get3A_39 = arith.constant 0 : index
      %get3A_40 = arith.constant 0 : index
      %get3A_41 = vector.load %arg3[%get3A_39, %get3A_40] : memref<1280x1xf32, #tpu.memory_space<vmem>>, vector<1280x1xf32>
      %mul3A = vector.broadcast %get3A_41 : vector<1280x1xf32> to vector<1280x64xf32>
      %mul3A_42 = arith.mulf %sub3A_38, %mul3A : vector<1280x64xf32>
      %swap3A = arith.constant 0 : index
      %swap3A_43 = arith.constant 0 : index
      %swap3A_44 = vector.load %arg9[%swap3A, %swap3A_43] : memref<1280x64xf32, #tpu.memory_space<vmem>>, vector<1280x64xf32>
      tpu.vector_store %arg9[%swap3A, %swap3A_43], %mul3A_42 {strides = array<i32>} : memref<1280x64xf32, #tpu.memory_space<vmem>>, vector<1280x64xf32>,
    } else {
    }
    %ge3A = arith.constant 125 : i32
    %ge3A_2 = arith.cmpi sge, %arg0, %ge3A : i32
    %convert_element_type3A_3 = arith.extui %ge3A_2 : i1 to i32
    %cond3A_4 = arith.constant 0 : i32
    %cond3A_5 = arith.cmpi ne, %convert_element_type3A_3, %cond3A_4 : i32
    scf.if %cond3A_5 {
      %get3A = arith.constant 0 : index
      %get3A_6 = arith.constant 0 : index
      %get3A_7 = vector.load %arg2[%get3A, %get3A_6] : memref<300x1280xf32, #tpu.memory_space<vmem>>, vector<300x1280xf32>
      %get3A_8 = arith.constant 0 : index
      %get3A_9 = arith.constant 0 : index
      %get3A_10 = vector.load %arg5[%get3A_8, %get3A_9] : memref<64x300xf32, #tpu.memory_space<vmem>>, vector<64x300xf32>
      %dot_general3A = arith.constant dense<0.000000e+00> : vector<1280x64xf32>
      %dot_general3A_11 = tpu.matmul %get3A_7, %get3A_10, %dot_general3A {dimension_numbers = #tpu.dot_dimension_numbers<[0], [1], [1], [0], [0, 1, 1, 0], [], []>, transpose_lhs_hint = false} : vector<300x1280xf32>, vector<64x300xf32>, vector<1280x64xf32> -> vector<1280x64xf32>
      %get3A_12 = arith.constant 0 : index
      %get3A_13 = arith.constant 0 : index
      %get3A_14 = vector.load %arg6[%get3A_12, %get3A_13] : memref<1x64xf32, #tpu.memory_space<vmem>>, vector<1x64xf32>
      %add3A = vector.broadcast %get3A_14 : vector<1x64xf32> to vector<1280x64xf32>
      %add3A_15 = arith.addf %dot_general3A_11, %add3A : vector<1280x64xf32>
      %exp3A = math.exp %add3A_15 : vector<1280x64xf32>
      %add3A_16 = arith.constant 1.000000e+00 : f32
      %add3A_17 = vector.broadcast %add3A_16 : f32 to vector<1280x64xf32>
      %add3A_18 = arith.addf %exp3A, %add3A_17 : vector<1280x64xf32>
      %log3A = math.log %add3A_18 : vector<1280x64xf32>
      %sub3A = arith.constant 0.693147182 : f32
      %sub3A_19 = vector.broadcast %sub3A : f32 to vector<1280x64xf32>
      %sub3A_20 = arith.subf %log3A, %sub3A_19 : vector<1280x64xf32>
      %get3A_21 = arith.constant 0 : index
      %get3A_22 = arith.constant 0 : index
      %get3A_23 = vector.load %arg7[%get3A_21, %get3A_22] : memref<64x64xf32, #tpu.memory_space<vmem>>, vector<64x64xf32>
      %dot_general3A_24 = arith.constant dense<0.000000e+00> : vector<1280x64xf32>
      %dot_general3A_25 = tpu.matmul %sub3A_20, %get3A_23, %dot_general3A_24 {dimension_numbers = #tpu.dot_dimension_numbers<[1], [0], [0], [1], [0, 0, 1, 1], [], []>, transpose_lhs_hint = false} : vector<1280x64xf32>, vector<64x64xf32>, vector<1280x64xf32> -> vector<1280x64xf32>
      %get3A_26 = arith.constant 0 : index
      %get3A_27 = arith.constant 0 : index
      %get3A_28 = vector.load %arg8[%get3A_26, %get3A_27] : memref<1x64xf32, #tpu.memory_space<vmem>>, vector<1x64xf32>
      %add3A_29 = vector.broadcast %get3A_28 : vector<1x64xf32> to vector<1280x64xf32>
      %add3A_30 = arith.addf %dot_general3A_25, %add3A_29 : vector<1280x64xf32>
      %exp3A_31 = math.exp %add3A_30 : vector<1280x64xf32>
      %add3A_32 = arith.constant 1.000000e+00 : f32
      %add3A_33 = vector.broadcast %add3A_32 : f32 to vector<1280x64xf32>
      %add3A_34 = arith.addf %exp3A_31, %add3A_33 : vector<1280x64xf32>
      %log3A_35 = math.log %add3A_34 : vector<1280x64xf32>
      %sub3A_36 = arith.constant 0.693147182 : f32
      %sub3A_37 = vector.broadcast %sub3A_36 : f32 to vector<1280x64xf32>
      %sub3A_38 = arith.subf %log3A_35, %sub3A_37 : vector<1280x64xf32>
      %get3A_39 = arith.constant 0 : index
      %get3A_40 = arith.constant 0 : index
      %get3A_41 = vector.load %arg4[%get3A_39, %get3A_40] : memref<1280x1xf32, #tpu.memory_space<vmem>>, vector<1280x1xf32>
      %mul3A = vector.broadcast %get3A_41 : vector<1280x1xf32> to vector<1280x64xf32>
      %mul3A_42 = arith.mulf %sub3A_38, %mul3A : vector<1280x64xf32>
      %swap3A = arith.constant 0 : index
      %swap3A_43 = arith.constant 0 : index
      %swap3A_44 = vector.load %arg9[%swap3A, %swap3A_43] : memref<1280x64xf32, #tpu.memory_space<vmem>>, vector<1280x64xf32>
      tpu.vector_store %arg9[%swap3A, %swap3A_43], %mul3A_42 {strides = array<i32>} : memref<1280x64xf32, #tpu.memory_space<vmem>>, vector<1280x64xf32>,
    } else {
    }
    return
  }
  func.func @transform_0(%arg0: i32) -> (i32, i32) {
    %min3A = arith.constant 124 : i32
    %min3A_0 = arith.minsi %arg0, %min3A : i32
    %c0_i32 = arith.constant 0 : i32
    %c0_i32_1 = arith.constant 0 : i32
    return %c0_i32, %min3A_0 : i32, i32
  }
  func.func @transform_1(%arg0: i32) -> (i32, i32) {
    %sub3A = arith.constant 125 : i32
    %sub3A_0 = arith.subi %arg0, %sub3A : i32
    %max3A = arith.constant 0 : i32
    %max3A_1 = arith.maxsi %sub3A_0, %max3A : i32
    %c0_i32 = arith.constant 0 : i32
    %c0_i32_2 = arith.constant 0 : i32
    return %c0_i32, %max3A_1 : i32, i32
  }
  func.func @transform_2(%arg0: i32) -> (i32, i32) {
    %min3A = arith.constant 124 : i32
    %min3A_0 = arith.minsi %arg0, %min3A : i32
    %c0_i32 = arith.constant 0 : i32
    %c0_i32_1 = arith.constant 0 : i32
    return %min3A_0, %c0_i32 : i32, i32
  }
  func.func @transform_3(%arg0: i32) -> (i32, i32) {
    %sub3A = arith.constant 125 : i32
    %sub3A_0 = arith.subi %arg0, %sub3A : i32
    %max3A = arith.constant 0 : i32
    %max3A_1 = arith.maxsi %sub3A_0, %max3A : i32
    %c0_i32 = arith.constant 0 : i32
    %c0_i32_2 = arith.constant 0 : i32
    return %max3A_1, %c0_i32 : i32, i32
  }
  func.func @transform_4(%arg0: i32) -> (i32, i32) {
    %c0_i32 = arith.constant 0 : i32
    %c0_i32_0 = arith.constant 0 : i32
    %c0_i32_1 = arith.constant 0 : i32
    return %c0_i32, %c0_i32_0 : i32, i32
  }
  func.func @transform_5(%arg0: i32) -> (i32, i32) {
    %c0_i32 = arith.constant 0 : i32
    %c0_i32_0 = arith.constant 0 : i32
    %c0_i32_1 = arith.constant 0 : i32
    return %c0_i32, %c0_i32_0 : i32, i32
  }
  func.func @transform_6(%arg0: i32) -> (i32, i32) {
    %c0_i32 = arith.constant 0 : i32
    %c0_i32_0 = arith.constant 0 : i32
    %c0_i32_1 = arith.constant 0 : i32
    return %c0_i32, %c0_i32_0 : i32, i32
  }
  func.func @transform_7(%arg0: i32) -> (i32, i32) {
    %c0_i32 = arith.constant 0 : i32
    %c0_i32_0 = arith.constant 0 : i32
    %c0_i32_1 = arith.constant 0 : i32
    return %c0_i32, %c0_i32_0 : i32, i32
  }
  func.func @transform_8(%arg0: i32) -> (i32, i32) {
    %c0_i32 = arith.constant 0 : i32
    %c0_i32_0 = arith.constant 0 : i32
    return %arg0, %c0_i32 : i32, i32
  }
}

module attributes {stable_mosaic.version = 14 : i64} {
  func.func @_lin1_body(%arg0: i32, %arg1: memref<1000x64xf32, #tpu.memory_space<vmem>>, %arg2: memref<1000x64xf32, #tpu.memory_space<vmem>>, %arg3: memref<64x64xf32, #tpu.memory_space<vmem>>, %arg4: memref<1x64xf32, #tpu.memory_space<vmem>>, %arg5: memref<1000x64xf32, #tpu.memory_space<vmem>>) attributes {dimension_semantics = [#tpu.dimension_semantics<arbitrary>], iteration_bounds = array<i64: 100>, scalar_prefetch = 0 : i64, scratch_operands = 0 : i64, tpu.core_type = #tpu.core_type<tc>, window_params = [{transform_indices = @transform_0, window_bounds = array<i64: 1000, 64>}, {transform_indices = @transform_1, window_bounds = array<i64: 1000, 64>}, {pipeline_mode = #tpu.pipeline_mode<synchronous>, transform_indices = @transform_2, window_bounds = array<i64: 64, 64>}, {pipeline_mode = #tpu.pipeline_mode<synchronous>, transform_indices = @transform_3, window_bounds = array<i64: 1, 64>}, {transform_indices = @transform_4, window_bounds = array<i64: 1000, 64>}]} {
    %lt3A = arith.constant 50 : i32
    %lt3A_0 = arith.cmpi slt, %arg0, %lt3A : i32
    %convert_element_type3A = arith.extui %lt3A_0 : i1 to i32
    %cond3A = arith.constant 0 : i32
    %cond3A_1 = arith.cmpi ne, %convert_element_type3A, %cond3A : i32
    scf.if %cond3A_1 {
      %get3A = arith.constant 0 : index
      %get3A_6 = arith.constant 0 : index
      %get3A_7 = vector.load %arg1[%get3A, %get3A_6] : memref<1000x64xf32, #tpu.memory_space<vmem>>, vector<1000x64xf32>
      %get3A_8 = arith.constant 0 : index
      %get3A_9 = arith.constant 0 : index
      %get3A_10 = vector.load %arg3[%get3A_8, %get3A_9] : memref<64x64xf32, #tpu.memory_space<vmem>>, vector<64x64xf32>
      %dot_general3A = arith.constant dense<0.000000e+00> : vector<1000x64xf32>
      %dot_general3A_11 = tpu.matmul %get3A_7, %get3A_10, %dot_general3A {dimension_numbers = #tpu.dot_dimension_numbers<[1], [0], [0], [1], [0, 0, 1, 1], [], []>, transpose_lhs_hint = false} : vector<1000x64xf32>, vector<64x64xf32>, vector<1000x64xf32> -> vector<1000x64xf32>
      %get3A_12 = arith.constant 0 : index
      %get3A_13 = arith.constant 0 : index
      %get3A_14 = vector.load %arg4[%get3A_12, %get3A_13] : memref<1x64xf32, #tpu.memory_space<vmem>>, vector<1x64xf32>
      %add3A = vector.broadcast %get3A_14 : vector<1x64xf32> to vector<1000x64xf32>
      %add3A_15 = arith.addf %dot_general3A_11, %add3A : vector<1000x64xf32>
      %swap3A = arith.constant 0 : index
      %swap3A_16 = arith.constant 0 : index
      %swap3A_17 = vector.load %arg5[%swap3A, %swap3A_16] : memref<1000x64xf32, #tpu.memory_space<vmem>>, vector<1000x64xf32>
      tpu.vector_store %arg5[%swap3A, %swap3A_16], %add3A_15 {strides = array<i32>} : memref<1000x64xf32, #tpu.memory_space<vmem>>, vector<1000x64xf32>,
    } else {
    }
    %ge3A = arith.constant 50 : i32
    %ge3A_2 = arith.cmpi sge, %arg0, %ge3A : i32
    %convert_element_type3A_3 = arith.extui %ge3A_2 : i1 to i32
    %cond3A_4 = arith.constant 0 : i32
    %cond3A_5 = arith.cmpi ne, %convert_element_type3A_3, %cond3A_4 : i32
    scf.if %cond3A_5 {
      %get3A = arith.constant 0 : index
      %get3A_6 = arith.constant 0 : index
      %get3A_7 = vector.load %arg2[%get3A, %get3A_6] : memref<1000x64xf32, #tpu.memory_space<vmem>>, vector<1000x64xf32>
      %get3A_8 = arith.constant 0 : index
      %get3A_9 = arith.constant 0 : index
      %get3A_10 = vector.load %arg3[%get3A_8, %get3A_9] : memref<64x64xf32, #tpu.memory_space<vmem>>, vector<64x64xf32>
      %dot_general3A = arith.constant dense<0.000000e+00> : vector<1000x64xf32>
      %dot_general3A_11 = tpu.matmul %get3A_7, %get3A_10, %dot_general3A {dimension_numbers = #tpu.dot_dimension_numbers<[1], [0], [0], [1], [0, 0, 1, 1], [], []>, transpose_lhs_hint = false} : vector<1000x64xf32>, vector<64x64xf32>, vector<1000x64xf32> -> vector<1000x64xf32>
      %get3A_12 = arith.constant 0 : index
      %get3A_13 = arith.constant 0 : index
      %get3A_14 = vector.load %arg4[%get3A_12, %get3A_13] : memref<1x64xf32, #tpu.memory_space<vmem>>, vector<1x64xf32>
      %add3A = vector.broadcast %get3A_14 : vector<1x64xf32> to vector<1000x64xf32>
      %add3A_15 = arith.addf %dot_general3A_11, %add3A : vector<1000x64xf32>
      %swap3A = arith.constant 0 : index
      %swap3A_16 = arith.constant 0 : index
      %swap3A_17 = vector.load %arg5[%swap3A, %swap3A_16] : memref<1000x64xf32, #tpu.memory_space<vmem>>, vector<1000x64xf32>
      tpu.vector_store %arg5[%swap3A, %swap3A_16], %add3A_15 {strides = array<i32>} : memref<1000x64xf32, #tpu.memory_space<vmem>>, vector<1000x64xf32>,
    } else {
    }
    return
  }
  func.func @transform_0(%arg0: i32) -> (i32, i32) {
    %min3A = arith.constant 49 : i32
    %min3A_0 = arith.minsi %arg0, %min3A : i32
    %c0_i32 = arith.constant 0 : i32
    %c0_i32_1 = arith.constant 0 : i32
    return %min3A_0, %c0_i32 : i32, i32
  }
  func.func @transform_1(%arg0: i32) -> (i32, i32) {
    %sub3A = arith.constant 50 : i32
    %sub3A_0 = arith.subi %arg0, %sub3A : i32
    %max3A = arith.constant 0 : i32
    %max3A_1 = arith.maxsi %sub3A_0, %max3A : i32
    %c0_i32 = arith.constant 0 : i32
    %c0_i32_2 = arith.constant 0 : i32
    return %max3A_1, %c0_i32 : i32, i32
  }
  func.func @transform_2(%arg0: i32) -> (i32, i32) {
    %c0_i32 = arith.constant 0 : i32
    %c0_i32_0 = arith.constant 0 : i32
    %c0_i32_1 = arith.constant 0 : i32
    return %c0_i32, %c0_i32_0 : i32, i32
  }
  func.func @transform_3(%arg0: i32) -> (i32, i32) {
    %c0_i32 = arith.constant 0 : i32
    %c0_i32_0 = arith.constant 0 : i32
    %c0_i32_1 = arith.constant 0 : i32
    return %c0_i32, %c0_i32_0 : i32, i32
  }
  func.func @transform_4(%arg0: i32) -> (i32, i32) {
    %c0_i32 = arith.constant 0 : i32
    %c0_i32_0 = arith.constant 0 : i32
    return %arg0, %c0_i32 : i32, i32
  }
}

module attributes {stable_mosaic.version = 14 : i64} {
  func.func @_final_body(%arg0: i32, %arg1: memref<1x1000x64xf32, #tpu.memory_space<vmem>>, %arg2: memref<1x1000x64xf32, #tpu.memory_space<vmem>>, %arg3: memref<1000x64xf32, #tpu.memory_space<vmem>>, %arg4: memref<1000x64xf32, #tpu.memory_space<vmem>>, %arg5: memref<64x64xf32, #tpu.memory_space<vmem>>, %arg6: memref<1x64xf32, #tpu.memory_space<vmem>>, %arg7: memref<64x64xf32, #tpu.memory_space<vmem>>, %arg8: memref<1x64xf32, #tpu.memory_space<vmem>>, %arg9: memref<1000x64xf32, #tpu.memory_space<vmem>>, %arg10: memref<1000x64xf32, #tpu.memory_space<vmem>>) attributes {dimension_semantics = [#tpu.dimension_semantics<arbitrary>], iteration_bounds = array<i64: 100>, scalar_prefetch = 0 : i64, scratch_operands = 0 : i64, tpu.core_type = #tpu.core_type<tc>, window_params = [{transform_indices = @transform_0, window_bounds = array<i64: 1, 1000, 64>}, {transform_indices = @transform_1, window_bounds = array<i64: 1, 1000, 64>}, {transform_indices = @transform_2, window_bounds = array<i64: 1000, 64>}, {transform_indices = @transform_3, window_bounds = array<i64: 1000, 64>}, {pipeline_mode = #tpu.pipeline_mode<synchronous>, transform_indices = @transform_4, window_bounds = array<i64: 64, 64>}, {pipeline_mode = #tpu.pipeline_mode<synchronous>, transform_indices = @transform_5, window_bounds = array<i64: 1, 64>}, {pipeline_mode = #tpu.pipeline_mode<synchronous>, transform_indices = @transform_6, window_bounds = array<i64: 64, 64>}, {pipeline_mode = #tpu.pipeline_mode<synchronous>, transform_indices = @transform_7, window_bounds = array<i64: 1, 64>}, {transform_indices = @transform_8, window_bounds = array<i64: 1000, 64>}, {transform_indices = @transform_9, window_bounds = array<i64: 1000, 64>}]} {
    %get3A = arith.constant 0 : index
    %get3A_0 = arith.constant 0 : index
    %get3A_1 = arith.constant 0 : index
    %get3A_2 = vector.load %arg1[%get3A, %get3A_0, %get3A_1] : memref<1x1000x64xf32, #tpu.memory_space<vmem>>, vector<1x1000x64xf32>
    %get3A_3 = vector.shape_cast %get3A_2 : vector<1x1000x64xf32> to vector<1000x64xf32>
    %get3A_4 = arith.constant 0 : index
    %get3A_5 = arith.constant 0 : index
    %get3A_6 = arith.constant 0 : index
    %get3A_7 = vector.load %arg2[%get3A_4, %get3A_5, %get3A_6] : memref<1x1000x64xf32, #tpu.memory_space<vmem>>, vector<1x1000x64xf32>
    %get3A_8 = vector.shape_cast %get3A_7 : vector<1x1000x64xf32> to vector<1000x64xf32>
    %add3A = arith.addf %get3A_3, %get3A_8 : vector<1000x64xf32>
    %get3A_9 = arith.constant 0 : index
    %get3A_10 = arith.constant 0 : index
    %get3A_11 = vector.load %arg5[%get3A_9, %get3A_10] : memref<64x64xf32, #tpu.memory_space<vmem>>, vector<64x64xf32>
    %dot_general3A = arith.constant dense<0.000000e+00> : vector<1000x64xf32>
    %dot_general3A_12 = tpu.matmul %add3A, %get3A_11, %dot_general3A {dimension_numbers = #tpu.dot_dimension_numbers<[1], [0], [0], [1], [0, 0, 1, 1], [], []>, transpose_lhs_hint = false} : vector<1000x64xf32>, vector<64x64xf32>, vector<1000x64xf32> -> vector<1000x64xf32>
    %get3A_13 = arith.constant 0 : index
    %get3A_14 = arith.constant 0 : index
    %get3A_15 = vector.load %arg6[%get3A_13, %get3A_14] : memref<1x64xf32, #tpu.memory_space<vmem>>, vector<1x64xf32>
    %add3A_16 = vector.broadcast %get3A_15 : vector<1x64xf32> to vector<1000x64xf32>
    %add3A_17 = arith.addf %dot_general3A_12, %add3A_16 : vector<1000x64xf32>
    %exp3A = math.exp %add3A_17 : vector<1000x64xf32>
    %add3A_18 = arith.constant 1.000000e+00 : f32
    %add3A_19 = vector.broadcast %add3A_18 : f32 to vector<1000x64xf32>
    %add3A_20 = arith.addf %exp3A, %add3A_19 : vector<1000x64xf32>
    %log3A = math.log %add3A_20 : vector<1000x64xf32>
    %sub3A = arith.constant 0.693147182 : f32
    %sub3A_21 = vector.broadcast %sub3A : f32 to vector<1000x64xf32>
    %sub3A_22 = arith.subf %log3A, %sub3A_21 : vector<1000x64xf32>
    %get3A_23 = arith.constant 0 : index
    %get3A_24 = arith.constant 0 : index
    %get3A_25 = vector.load %arg7[%get3A_23, %get3A_24] : memref<64x64xf32, #tpu.memory_space<vmem>>, vector<64x64xf32>
    %dot_general3A_26 = arith.constant dense<0.000000e+00> : vector<1000x64xf32>
    %dot_general3A_27 = tpu.matmul %sub3A_22, %get3A_25, %dot_general3A_26 {dimension_numbers = #tpu.dot_dimension_numbers<[1], [0], [0], [1], [0, 0, 1, 1], [], []>, transpose_lhs_hint = false} : vector<1000x64xf32>, vector<64x64xf32>, vector<1000x64xf32> -> vector<1000x64xf32>
    %get3A_28 = arith.constant 0 : index
    %get3A_29 = arith.constant 0 : index
    %get3A_30 = vector.load %arg8[%get3A_28, %get3A_29] : memref<1x64xf32, #tpu.memory_space<vmem>>, vector<1x64xf32>
    %add3A_31 = vector.broadcast %get3A_30 : vector<1x64xf32> to vector<1000x64xf32>
    %add3A_32 = arith.addf %dot_general3A_27, %add3A_31 : vector<1000x64xf32>
    %lt3A = arith.constant 50 : i32
    %lt3A_33 = arith.cmpi slt, %arg0, %lt3A : i32
    %convert_element_type3A = arith.extui %lt3A_33 : i1 to i32
    %cond3A = arith.constant 0 : i32
    %cond3A_34 = arith.cmpi ne, %convert_element_type3A, %cond3A : i32
    scf.if %cond3A_34 {
      %get3A_39 = arith.constant 0 : index
      %get3A_40 = arith.constant 0 : index
      %get3A_41 = vector.load %arg3[%get3A_39, %get3A_40] : memref<1000x64xf32, #tpu.memory_space<vmem>>, vector<1000x64xf32>
      %add3A_42 = arith.addf %add3A_32, %get3A_41 : vector<1000x64xf32>
      %swap3A = arith.constant 0 : index
      %swap3A_43 = arith.constant 0 : index
      %swap3A_44 = vector.load %arg9[%swap3A, %swap3A_43] : memref<1000x64xf32, #tpu.memory_space<vmem>>, vector<1000x64xf32>
      tpu.vector_store %arg9[%swap3A, %swap3A_43], %add3A_42 {strides = array<i32>} : memref<1000x64xf32, #tpu.memory_space<vmem>>, vector<1000x64xf32>,
    } else {
    }
    %ge3A = arith.constant 50 : i32
    %ge3A_35 = arith.cmpi sge, %arg0, %ge3A : i32
    %convert_element_type3A_36 = arith.extui %ge3A_35 : i1 to i32
    %cond3A_37 = arith.constant 0 : i32
    %cond3A_38 = arith.cmpi ne, %convert_element_type3A_36, %cond3A_37 : i32
    scf.if %cond3A_38 {
      %get3A_39 = arith.constant 0 : index
      %get3A_40 = arith.constant 0 : index
      %get3A_41 = vector.load %arg4[%get3A_39, %get3A_40] : memref<1000x64xf32, #tpu.memory_space<vmem>>, vector<1000x64xf32>
      %add3A_42 = arith.addf %add3A_32, %get3A_41 : vector<1000x64xf32>
      %swap3A = arith.constant 0 : index
      %swap3A_43 = arith.constant 0 : index
      %swap3A_44 = vector.load %arg10[%swap3A, %swap3A_43] : memref<1000x64xf32, #tpu.memory_space<vmem>>, vector<1000x64xf32>
      tpu.vector_store %arg10[%swap3A, %swap3A_43], %add3A_42 {strides = array<i32>} : memref<1000x64xf32, #tpu.memory_space<vmem>>, vector<1000x64xf32>,
    } else {
    }
    return
  }
  func.func @transform_0(%arg0: i32) -> (i32, i32, i32) {
    %c0_i32 = arith.constant 0 : i32
    %c0_i32_0 = arith.constant 0 : i32
    %c0_i32_1 = arith.constant 0 : i32
    return %c0_i32, %arg0, %c0_i32_0 : i32, i32, i32
  }
  func.func @transform_1(%arg0: i32) -> (i32, i32, i32) {
    %c1_i32 = arith.constant 1 : i32
    %c0_i32 = arith.constant 0 : i32
    %c0_i32_0 = arith.constant 0 : i32
    return %c1_i32, %arg0, %c0_i32 : i32, i32, i32
  }
  func.func @transform_2(%arg0: i32) -> (i32, i32) {
    %min3A = arith.constant 49 : i32
    %min3A_0 = arith.minsi %arg0, %min3A : i32
    %c0_i32 = arith.constant 0 : i32
    %c0_i32_1 = arith.constant 0 : i32
    return %min3A_0, %c0_i32 : i32, i32
  }
  func.func @transform_3(%arg0: i32) -> (i32, i32) {
    %sub3A = arith.constant 50 : i32
    %sub3A_0 = arith.subi %arg0, %sub3A : i32
    %max3A = arith.constant 0 : i32
    %max3A_1 = arith.maxsi %sub3A_0, %max3A : i32
    %c0_i32 = arith.constant 0 : i32
    %c0_i32_2 = arith.constant 0 : i32
    return %max3A_1, %c0_i32 : i32, i32
  }
  func.func @transform_4(%arg0: i32) -> (i32, i32) {
    %c0_i32 = arith.constant 0 : i32
    %c0_i32_0 = arith.constant 0 : i32
    %c0_i32_1 = arith.constant 0 : i32
    return %c0_i32, %c0_i32_0 : i32, i32
  }
  func.func @transform_5(%arg0: i32) -> (i32, i32) {
    %c0_i32 = arith.constant 0 : i32
    %c0_i32_0 = arith.constant 0 : i32
    %c0_i32_1 = arith.constant 0 : i32
    return %c0_i32, %c0_i32_0 : i32, i32
  }
  func.func @transform_6(%arg0: i32) -> (i32, i32) {
    %c0_i32 = arith.constant 0 : i32
    %c0_i32_0 = arith.constant 0 : i32
    %c0_i32_1 = arith.constant 0 : i32
    return %c0_i32, %c0_i32_0 : i32, i32
  }
  func.func @transform_7(%arg0: i32) -> (i32, i32) {
    %c0_i32 = arith.constant 0 : i32
    %c0_i32_0 = arith.constant 0 : i32
    %c0_i32_1 = arith.constant 0 : i32
    return %c0_i32, %c0_i32_0 : i32, i32
  }
  func.func @transform_8(%arg0: i32) -> (i32, i32) {
    %min3A = arith.constant 49 : i32
    %min3A_0 = arith.minsi %arg0, %min3A : i32
    %c0_i32 = arith.constant 0 : i32
    %c0_i32_1 = arith.constant 0 : i32
    return %min3A_0, %c0_i32 : i32, i32
  }
  func.func @transform_9(%arg0: i32) -> (i32, i32) {
    %sub3A = arith.constant 50 : i32
    %sub3A_0 = arith.subi %arg0, %sub3A : i32
    %max3A = arith.constant 0 : i32
    %max3A_1 = arith.maxsi %sub3A_0, %max3A : i32
    %c0_i32 = arith.constant 0 : i32
    %c0_i32_2 = arith.constant 0 : i32
    return %max3A_1, %c0_i32 : i32, i32
  }
}

</mosaic_0001>

<sc_bundles>
// kernel: kernel.6.cloned.1.call-start
scs
__scs_entry_jumppad:
0x0: {  	(pc) =	sbr.rel $0x88, $3  }
0x1: {  	(tag) =	ssettag $0x0;
	lr =	simm.s32 $0x1  }
0x2: {  	[smem:$0x3F8A] =	sst lr;
	_ =	strace $0xD0000000  }
0x3: {  	_ = 	snop  }
0x4: {  	_ = 	snop  }
0x5: {  	_ = 	snop  }
0x6: {  	_ = 	snop  }
0x7: {  	_ = 	snop  }
__scs_overlays_trampoline_lowered:
0x8: {  	[smem:$0x3F99] =	sst s0  }
0x9: {  	[smem:$0x3F9A] =	sst s1  }
0xa: {  	[smem:$0x3F9B] =	sst s2  }
0xb: {  	[smem:$0x3F9C] =	sst s3  }
0xc: {  	[smem:$0x3F9D] =	sst s4  }
0xd: {  	[smem:$0x3F9E] =	sst s5  }
0xe: {  	[smem:$0x3F9F] =	sst s6  }
0xf: {  	[smem:$0x3FA0] =	sst s7  }
0x10: {  	[smem:$0x3FA1] =	sst s8  }
0x11: {  	[smem:$0x3FA2] =	sst s9;
	s0 =	simm.s32 @!p0 $0x0  }
0x12: {  	s1 =	sld [smem:$0x3F88];
	s0 =	simm.s32 @p0 $0x1  }
0x13: {  	[smem:$0x3FA3] =	sst s0;
	s0 =	simm.s32 @!p1 $0x0  }
0x14: {  	s2 =	sld [smem:$0x3F87];
	s0 =	simm.s32 @p1 $0x1  }
0x15: {  	[smem:$0x3FA4] =	sst s0;
	s0 =	simm.s32 @!p2 $0x0  }
0x16: {  	s3 =	sld [smem:$0x3FDB];
	s0 =	simm.s32 @p2 $0x1  }
0x17: {  	s4 =	simm.s32 $0x1BF5;
	[smem:$0x3FA6] =	sst s0  }
0x18: {  	s0 =	sld [smem:$0x3F89];
	_ =	swait.ge [sflag:s4], $0x0  }
0x19: {  	s7 =	sld [smem:$0x3F8A]  }
0x1a: {  	s8 =	sadd.s32 $0xFFFFE003, lr  }
0x1b: {  	s9 =	sadd.s32 $0xFFFFFEF7, lr;
	s5 =	simm.s32 $0xFFFFFFFF;
	p2 =	slt.u32 s8, $0xFFFFF086  }
0x1c: {  	p1 =	slt.u32 s9, $0xF7A;
	s5 =	simm.s32 @!p2 $0x0  }
0x1d: {  	s5 =	simm.s32 @p1 $0x1;
	p0 =	seq.s32 s7, s2  }
0x1e: {  	s7 =	smul.u32 @!p0 $0xF7A, s2;
	p2 =	seq.s32 @!p0 s5, $0x0  }
0x1f: {  	s9 =	smul.u32 $0xF7A, s1;
	s8 =	simm.s32 @!p0 $0x1BF5;
	p2 =	por !p2, p0  }
0x20: {  	[sflag:s8] =	ssyncset.s32 @!p0 $0xFFFFF086;
	s6 =	sadd.s32 @!p0 s3, s7;
	s7 =	simm.s32 @!p0 $0x108  }
0x21: {  	s3 =	sadd.s32 s3, s9;
	s6 =	sadd.s32 @!p0 $0x88, s6;
	s7 =	simm.s32 @p2 $0x1082  }
0x22: {  	[simem:s7], [sflag:s8] =	dma.local @!p0 [hbm:s6], $0xF7A  }
0x23: {  	s9 =	sor.u32 $0xD0000000, s2;
	s6 =	simm.s32 $0x108;
	_ =	swait.ge @!p0 [sflag:s8], $0x0  }
0x24: {  	s3 =	sadd.s32 $0x88, s3;
	s6 =	simm.s32 @!p1 $0x1082;
	[sflag:s4] =	ssyncset.s32 $0xFFFFF086  }
0x25: {  	[simem:s6], [sflag:s4] =	dma.local [hbm:s3], $0xF7A  }
0x26: {  	[smem:$0x3F8A] =	sst s1;
	(tag) =	ssettag s2;
	_ =	strace s9  }
0x27: {  	s1 =	sld [smem:$0x3F9A]  }
0x28: {  	s2 =	sld [smem:$0x3F9B]  }
0x29: {  	s4 =	sld [smem:$0x3F9D]  }
0x2a: {  	p0 =	seq.s32 s5, $0x0;
	s5 =	sld [smem:$0x3F9E]  }
0x2b: {  	s6 =	sld [smem:$0x3F9F]  }
0x2c: {  	s7 =	sld [smem:$0x3FA0]  }
0x2d: {  	s3 =	simm.s32 $0x108;
	s8 =	sld [smem:$0x3FA1]  }
0x2e: {  	s3 =	simm.s32 @!p0 $0x1082;
	s9 =	sld [smem:$0x3FA2]  }
0x2f: {  	lr =	sadd.s32 s0, s3;
	s0 =	sld [smem:$0x3F99]  }
0x30: {  	s3 =	sld [smem:$0x3F9C]  }
0x31: {  	[smem:$0x3FA5] =	sst s10  }
0x32: {  	s10 =	sld [smem:$0x3FA3];
	_ =	sdelay $0x3  }
0x33: {  	p0 =	seq.s32 s10, $0x1;
	s10 =	sld [smem:$0x3FA5];
	_ =	sdelay $0x3  }
0x34: {  	[smem:$0x3FA5] =	sst s10  }
0x35: {  	s10 =	sld [smem:$0x3FA4];
	_ =	sdelay $0x3  }
0x36: {  	p1 =	seq.s32 s10, $0x1;
	s10 =	sld [smem:$0x3FA5];
	_ =	sdelay $0x3  }
0x37: {  	[smem:$0x3FA5] =	sst s10  }
0x38: {  	s10 =	sld [smem:$0x3FA6]  }
0x39: {  	_ = 	snop;
	(pc) =	sbr.ind lr, $3  }
0x3a: {  	_ = 	snop  }
0x3b: {  	_ = 	snop  }
0x3c: {  	p2 =	seq.s32 s10, $0x1;
	s10 =	sld [smem:$0x3FA5]  }
0x3d: {  	_ =	shalt  }
0x3e: {  	_ =	shalt  }
0x3f: {  	_ =	shalt  }
0x40: {  	_ =	shalt  }
0x41: {  	_ =	shalt  }
0x42: {  	_ =	shalt  }
0x43: {  	_ =	shalt  }
0x44: {  	_ =	shalt  }
0x45: {  	_ =	shalt  }
0x46: {  	_ =	shalt  }
0x47: {  	_ =	shalt  }
0x48: {  	_ =	shalt  }
0x49: {  	_ =	shalt  }
0x4a: {  	_ =	shalt  }
0x4b: {  	_ =	shalt  }
0x4c: {  	_ =	shalt  }
0x4d: {  	_ =	shalt  }
0x4e: {  	_ =	shalt  }
0x4f: {  	_ =	shalt  }
0x50: {  	_ =	shalt  }
0x51: {  	_ =	shalt  }
0x52: {  	_ =	shalt  }
0x53: {  	_ =	shalt  }
0x54: {  	_ =	shalt  }
0x55: {  	_ =	shalt  }
0x56: {  	_ =	shalt  }
0x57: {  	_ =	shalt  }
0x58: {  	_ =	shalt  }
0x59: {  	_ =	shalt  }
0x5a: {  	_ =	shalt  }
0x5b: {  	_ =	shalt  }
0x5c: {  	_ =	shalt  }
0x5d: {  	_ =	shalt  }
0x5e: {  	_ =	shalt  }
0x5f: {  	_ =	shalt  }
0x60: {  	_ =	shalt  }
0x61: {  	_ =	shalt  }
0x62: {  	_ =	shalt  }
0x63: {  	_ =	shalt  }
0x64: {  	_ =	shalt  }
0x65: {  	_ =	shalt  }
0x66: {  	_ =	shalt  }
0x67: {  	_ =	shalt  }
0x68: {  	_ =	shalt  }
0x69: {  	_ =	shalt  }
0x6a: {  	_ =	shalt  }
0x6b: {  	_ =	shalt  }
0x6c: {  	_ =	shalt  }
0x6d: {  	_ =	shalt  }
0x6e: {  	_ =	shalt  }
0x6f: {  	_ =	shalt  }
0x70: {  	_ =	shalt  }
0x71: {  	_ =	shalt  }
0x72: {  	_ =	shalt  }
0x73: {  	_ =	shalt  }
0x74: {  	_ =	shalt  }
0x75: {  	_ =	shalt  }
0x76: {  	_ =	shalt  }
0x77: {  	_ =	shalt  }
0x78: {  	_ =	shalt  }
0x79: {  	_ =	shalt  }
0x7a: {  	_ =	shalt  }
0x7b: {  	_ =	shalt  }
0x7c: {  	_ =	shalt  }
0x7d: {  	_ =	shalt  }
0x7e: {  	_ =	shalt  }
0x7f: {  	_ =	shalt  }
0x80: {  	_ =	shalt  }
0x81: {  	_ =	shalt  }
0x82: {  	_ =	shalt  }
0x83: {  	_ =	shalt  }
0x84: {  	_ =	shalt  }
0x85: {  	_ =	shalt  }
0x86: {  	_ =	shalt  }
0x87: {  	_ =	shalt  }
.Lfunc_end0:
.L_simem_size_0:
called_computation_lowered:
.L_overlay_start_0:
0x88: {  	s2 =	sld [smem:$0x3FD9]  }
0x89: {  	s3 =	sld [smem:$0x3FFE];
	_ =	sdelay $0x1  }
0x8a: {  	s1 =	srdreg.scid  }
0x8b: {  	s0 =	sand.u32 $0x1, s1  }
0x8c: {  	s14 =	sshll.u32 s0, $0xA;
	s2 =	sadd.s32 s3, s2  }
0x8d: {  	s2 =	sadd.s32 s2, s14  }
0x8e: {  	[smem:$0x3FB1] =	sst s2  }
0x8f: {  	_ = 	snop  }
0x90: {  	s2 =	sld [smem:$0x3FD0];
	_ =	sdelay $0x2  }
0x91: {  	s15 =	simm.s32 $0xA;
	s4 =	simm.s32 $0x10  }
0x92: {  	[smem:s4], [sflag:s15] =	dma.local [hbm:s2], $0x1  }
0x93: {  	_ =	swait.eq [sflag:s15], $0x1  }
0x94: {  	[sflag:s15] =	ssyncset.done $0x0  }
0x95: {  	s16 =	sld [smem:$0x10];
	[sflag:s15] =	ssyncadd.s32 $0xFFFFFFFF  }
0x96: {  	s17 =	sld [smem:$0x11];
	(tm) =	ssettm $0x1  }
0x97: {  	s18 =	sld [smem:$0x3FFB];
	_ =	sdelay $0x3  }
0x98: {  	_ =	strace s18  }
0x99: {  	s4 =	sld [smem:$0x3FFC];
	_ =	sdelay $0x3  }
0x9a: {  	_ =	strace s4  }
0x9b: {  	s4 =	sld [smem:$0x3FFD];
	_ =	sdelay $0x3  }
0x9c: {  	_ =	strace s4  }
0x9d: {  	_ =	strace $0x8FFFFFFF  }
0x9e: {  	s19 =	sld [smem:$0x3FDB];
	_ =	sdelay $0x1  }
0x9f: {  	s5 =	simm.s32 $_scs_section_size  }
0xa0: {  	s6 =	simm.s32 $_size__tile_overlayer_lowered;
	s7 =	simm.s32 $_tile_overlayer_lowered  }
0xa1: {  	s22 =	simm.s32 $0x1BFF;
	s21 =	sshll.u32 s7, $0x1;
	s4 =	sadd.s32 s5, s19  }
0xa2: {  	s8 =	simm.s32 $0x0;
	s20 =	sshll.u32 s6, $0x1;
	s6 =	sadd.s32 s21, s4  }
0xa3: {  	[timem:s8], [sflag:s22] =	dma.local [hbm:s6], s20  }
0xa4: {  	_ =	swait.ge [sflag:s22], s20  }
0xa5: {  	s5 =	ssub.s32 $0x0, s20;
	[sflag:s22] =	ssyncset.done $0x0  }
0xa6: {  	[sflag:s22] =	ssyncadd.s32 s5;
	_ =	sdelay $0x1  }
0xa7: {  	s23 =	simm.s32 $0x1B8B  }
0xa8: {  	_ =	swait.ge [sflag:s23], $0x1  }
0xa9: {  	[sflag:s23] =	ssyncset.done $0x0  }
0xaa: {  	s25 =	simm.s32 $0x1B8E;
	s24 =	sld [smem:$0x3FFE];
	[sflag:s23] =	ssyncadd.s32 $0xFFFFFFFF  }
0xab: {  	s26 =	simm.s32 $execute0_lowered;
	[smem:$0x3FD2] =	sst s25  }
0xac: {  	s6 =	sshll.u32 s26, $0x1;
	_ =	strace $0x80000046;
	[dreg:$0x1] =	wrdreg $0xFFFFFFFF  }
0xad: {  	s28 =	simm.s32 $_size_execute0_lowered;
	s4 =	sadd.s32 s4, s6;
	[dreg:$0x0] =	wrdreg $0x0  }
0xae: {  	s6 =	sshll.u32 s28, $0x1;
	[dreg:$0x2] =	wrdreg s4  }
0xaf: {  	[dreg:$0x3] =	wrdreg s6  }
0xb0: {  	[dreg:$0x4] =	wrdreg $0xC0  }
0xb1: {  	_ =	task [dreg:s8], $0x5FFFF  }
0xb2: {  	[dreg:$0x1] =	wrdreg $0xFFFFFFFF  }
0xb3: {  	[dreg:$0x0] =	wrdreg $0x60  }
0xb4: {  	[dreg:$0x2] =	wrdreg s16  }
0xb5: {  	[dreg:$0x3] =	wrdreg s17  }
0xb6: {  	[dreg:$0x4] =	wrdreg s24  }
0xb7: {  	[dreg:$0x5] =	wrdreg $0x15DA00  }
0xb8: {  	[dreg:$0x6] =	wrdreg $0x9  }
0xb9: {  	_ =	task.clear_ibuf [dreg:s8], $0x7FFFF;
	_ =	strace $0x90000046  }
0xba: {  	s29 =	simm.s32 $0x9;
	_ =	strace $0x80000048  }
0xbb: {  	_ =	swait.ge [sflag:s29], $0x1  }
0xbc: {  	[sflag:s29] =	ssyncadd.s32 $0xFFFFFFFF  }
0xbd: {  	_ =	strace $0x90000048  }
0xbe: {  	_ =	sfence  }
0xbf: {  	s30 =	sld [smem:$0x0];
	_ =	sdelay $0x2  }
0xc0: {  	s31 =	sshll.u32 s1, $0xD;
	s1 =	sshrl.u32 s1, $0x2  }
0xc1: {  	s3 =	sand.u32 $0x4000, s31;
	s1 =	sadd.s32 s1, s30  }
0xc2: {  	s0 =	sor.u32 s3, s0;
	s1 =	sshll.u32 s1, $0x11  }
0xc3: {  	s0 =	sor.u32 s1, s0  }
0xc4: {  	s0 =	sadd.s32 $0x8F2B, s0  }
0xc5: {  	[sflag:s0] =	ssyncadd.remote.s32 $0x1  }
0xc6: {  	_ =	sfence.sel $0xFFFF  }
0xc7: {  	[dreg:$0x0] =	wrdreg $0xFFFFFFFF;
	(pc) =	sbr.abs _section_cstart, $3  }
0xc8: {  	[dreg:$0x1] =	wrdreg $0xFFFFFFFF  }
0xc9: {  	_ =	task.clear_ibuf [dreg:s8], $0x2FFFF;
	_ =	strace $0x9FFFFFFF  }
0xca: {  	(tm) =	ssettm $0x7FFFFFFF  }
0xcb: {  	_ =	shalt  }
tec
execute0_lowered:
.L_overlay_start_1:
0x0: {  	(tag) =	ssettag $0x1  }
0x1: {  	s9 =	rddreg [dreg:$0x0]  }
0x2: {  	s0 =	rddreg [dreg:$0x2]  }
0x3: {  	s3 =	rddreg [dreg:$0x3]  }
0x4: {  	s1 =	srdreg.scid;
	s12 =	simm.s32 $0x0;
	s11 =	stileid.u32  }
0x5: {  	s17 =	simm.s32 $0x5;
	s18 =	simm.s32 $0xFA0;
	s20 =	simm.s32 $0x10A0  }
0x6: {  	s21 =	simm.s32 $0x11A0;
	s29 =	simm.s32 $0x1;
	s30 =	simm.s32 $0x2  }
0x7: {  	s31 =	simm.s32 $0xBCA0;
	s1 =	sand.u32 $0x1, s1;
	s6 =	sadd.s32 $0x57EE00, s0  }
0x8: {  	[smem:$0x7FF] =	sst s12;
	s7 =	sadd.s32 $0x800, s0;
	s0 =	sadd.s32 $0x642400, s0  }
0x9: {  	s5 =	sshll.u32 s11, $0xF;
	s24 =	smul.u32 $0x4E20, s11;
	s2 =	sshll.u32 s1, $0x4  }
0xa: {  	_ =	strace $0x80000047;
	[dreg:$0x6] =	wrdreg s0;
	s23 =	smul.u32 $0x680000, s1  }
0xb: {  	s22 =	ssub.s32 $0x2, s1;
	s1 =	smul.u32 $0x4E200, s1;
	s10 =	sadd.s32 s5, s3  }
0xc: {  	s2 =	sor.u32 s11, s2;
	s4 =	sshrl.u32 s22, $0x1;
	s25 =	sadd.s32 $0x2000, s10  }
0xd: {  	s26 =	sadd.s32 $0x4000, s10;
	s13 =	sadd.s32 $0x6000, s10;
	s8 =	smul.u32 $0x4E20, s2  }
.Ltmp0:
0xe: {  	s0 =	ssub.s32 s22, s4;
	[dreg:$0x7] =	wrdreg s25;
	(pc) =	sbr.rel .LBB2_1-.Ltmp0, $4  }
0xf: {  	[dreg:$0x8] =	wrdreg s26;
	s2 =	sor.u32 s5, s23;
	s28 =	sadd.s32 s24, s1  }
0x10: {  	s22 =	simm.s32 $0x66A0;
	s23 =	simm.s32 $0x13DA0;
	[dreg:$0x9] =	wrdreg s2  }
0x11: {  	v0 =	vimm.s32 $0x0;
	v1 =	vimm.f32 $0.0e+00;
	v2 =	vlaneseq.u32;
	s24 =	simm.s32 $0x80;
	s0 =	smax.u32 s0, $0x1;
	[dreg:$0xb] =	wrdreg s28  }
0x12: {  	v3 =	vimm.s32 $0x1;
	v4 =	vimm.s32 $0x2000;
	v5 =	vor.u32 $0xFFFB1E00, v2;
	s26 =	simm.s32 $0xBDA0;
	[dreg:$0xa] =	wrdreg s0;
	s0 =	simm.s32 $0x6  }
.LBB2_21:
0x13: {  	s12 =	rddreg [dreg:$0x5]  }
0x14: {  	s1 =	rddreg [dreg:$0xa];
	s12 =	sadd.s32 $0x1, s12  }
0x15: {  	p0 =	sne.s32 s12, s1  }
.Ltmp1:
0x16: {  	_ = 	snop;
	(pc) =	sbr.rel @!p0 .LBB2_22-.Ltmp1, $2  }
0x17: {  	_ =	sdelay $0x2  }
0x18: {  	s9 =	rddreg [dreg:$0x0]  }
.LBB2_1:
0x19: {  	[tilespmem:$0xFA0] =	vst v0  }
0x1a: {  	[tilespmem:$0xFB0] =	vst v0  }
0x1b: {  	[tilespmem:$0xFC0] =	vst v0  }
0x1c: {  	[tilespmem:$0xFD0] =	vst v0  }
0x1d: {  	[tilespmem:$0xFE0] =	vst v0  }
0x1e: {  	[tilespmem:$0xFF0] =	vst v0  }
0x1f: {  	[tilespmem:$0x1000] =	vst v0  }
0x20: {  	[tilespmem:$0x1010] =	vst v0  }
0x21: {  	[tilespmem:$0x1020] =	vst v0  }
0x22: {  	[tilespmem:$0x1030] =	vst v0  }
0x23: {  	[tilespmem:$0x1040] =	vst v0  }
0x24: {  	[tilespmem:$0x1050] =	vst v0  }
0x25: {  	[tilespmem:$0x1060] =	vst v0  }
0x26: {  	[tilespmem:$0x1070] =	vst v0  }
0x27: {  	[tilespmem:$0x1080] =	vst v0  }
0x28: {  	[tilespmem:$0x1090] =	vst v0;
	s1 =	simm.s32 $0x100;
	s2 =	simm.s32 $0x0  }
.LBB2_2:
0x29: {  	p0 =	sne.s32 s1, $0x7F00;
	[tilespmem:s2+$0x13DD0] =	vst v1;
	s4 =	smov.u32 s1;
	s1 =	sadd.s32 $0x100, s1  }
.Ltmp2:
0x2a: {  	[tilespmem:s2+$0x13DC0] =	vst v1;
	(pc) =	sbr.rel @p0 .LBB2_2-.Ltmp2, $3  }
0x2b: {  	[tilespmem:s2+$0x13DA0] =	vst v1  }
0x2c: {  	[tilespmem:s2+$0x13DB0] =	vst v1;
	_ =	sdelay $0x1  }
0x2d: {  	s2 =	sshra.s32 s4, $0x2  }
0x2e: {  	[tilespmem:s2+$0x13DD0] =	vst v1  }
0x2f: {  	[tilespmem:s2+$0x13DC0] =	vst v1  }
0x30: {  	[tilespmem:s2+$0x13DA0] =	vst v1  }
0x31: {  	s1 =	simm.s32 $0x0;
	[tilespmem:s2+$0x13DB0] =	vst v1;
	s2 =	simm.s32 $0x0  }
.LBB2_4:
0x32: {  	s4 =	smul.u32 $0x7D0, s2;
	_ =	sdelay $0x1  }
0x33: {  	s4 =	sadd.s32 s8, s4  }
0x34: {  	s4 =	sshrl.u32 s4, $0x3  }
0x35: {  	s4 =	sadd.s32 s9, s4  }
0x36: {  	[tilespmem:s1], [sflag:$0x5] =	stream.linear.gather [hbm4b:s4+s1], $0x7D0, $0x38;
	[tilespmem:$0x1DFA0] =	vst v63  }
0x37: {  	_ =	swait.ge [sflag:s17], $0x7D0  }
0x38: {  	[sflag:s17] =	ssyncset.done $0x0  }
0x39: {  	s5 =	simm.s32 $0x0;
	s4 =	simm.s32 $0x40;
	[sflag:s17] =	ssyncadd.s32 $0xFFFFF830  }
.LBB2_5:
0x3a: {  	p0 =	sne.s32 s4, $0x1F00;
	v6 =	vld [tilespmem:s5+$0x0];
	_ =	sdelay $0x4  }
0x3b: {  	v6 =	vshrl.u32 v6, $0x9  }
0x3c: {  	v6 =	vand.u32 $0x7FFFF0, v6  }
0x3d: {  	v6 =	vor.u32 v2, v6  }
.Ltmp3:
0x3e: {  	(pc) =	sbr.rel @p0 .LBB2_5-.Ltmp3, $2  }
0x3f: {  	_ =	sdelay $0x2  }
0x40: {  	s5 =	sshra.s32 s4, $0x2;
	s4 =	sadd.s32 $0x40, s4;
	[tilespmem:v6+s18+$0x0] =	vst.idx.add.s32.msk $0xffff, v3  }
0x41: {  	v6 =	vld [tilespmem:s5+$0x0];
	_ =	sdelay $0x4  }
0x42: {  	v6 =	vshrl.u32 v6, $0x9  }
0x43: {  	s2 =	sadd.s32 $0x1, s2;
	v6 =	vand.u32 $0x7FFFF0, v6  }
0x44: {  	p0 =	sne.s32 s2, $0xA;
	v6 =	vor.u32 v2, v6  }
.Ltmp4:
0x45: {  	_ = 	snop;
	(pc) =	sbr.rel @p0 .LBB2_4-.Ltmp4, $2  }
0x46: {  	_ =	sdelay $0x2  }
0x47: {  	[tilespmem:v6+s18+$0x0] =	vst.idx.add.s32.msk $0xffff, v3  }
0x48: {  	s9 =	simm.s32 $0x0  }
0x49: {  	v7 =	vld [tilespmem:s9+$0xFA0];
	_ =	sdelay $0x4  }
0x4a: {  	(xrf0) =	vadd.scan.msk.s32 $0xffff, v7  }
0x4b: {  	s2 =	simm.s32 $0x10  }
0x4c: {  	s1 =	simm.s32 $0x20;
	v9 =	vld [tilespmem:s2+$0xFA0]  }
0x4d: {  	v8 =	vld [tilespmem:s1+$0xFA0];
	_ =	sdelay $0x2  }
0x4e: {  	v12, _, _ =	vpop (xrf0)  }
0x4f: {  	(xrf0) =	vadd.scan.msk.s32 $0xffff, v9;
	(v2sf) =	vpush v12, $0xF  }
0x50: {  	(xrf0) =	vadd.scan.msk.s32 $0xffff, v8;
	_ =	sdelay $0x4  }
0x51: {  	s5 =	simm.s32 $0x30;
	v10, _, _ =	vpop (xrf0)  }
0x52: {  	v6 =	vld [tilespmem:s5+$0xFA0];
	(v2sf) =	vpush v10, $0xF;
	v11, _, _ =	vpop (xrf0)  }
0x53: {  	(v2sf) =	vpush v11, $0xF;
	_ =	sdelay $0x3  }
0x54: {  	s15 =	simm.s32 $0x0;
	s4 =	simm.s32 $0x40;
	(xrf0) =	vadd.scan.msk.s32 $0xffff, v6  }
0x55: {  	v13 =	vsub.s32 s15, v7;
	v7 =	vld [tilespmem:s4+$0xFA0]  }
0x56: {  	[dreg:$0x5] =	wrdreg s12;
	s16 =	simm.s32 $0x140;
	v12 =	vadd.s32 v12, v13  }
0x57: {  	[smem:s15] =	sst s15;
	[tilespmem:s9+$0x10A0] =	vst v12;
	s9 =	simm.s32 $0x0;
	s19 =	spop (v2sf)  }
.LBB2_8:
0x58: {  	s25 =	sshra.s32 s16, $0x2  }
0x59: {  	s15 =	sadd.s32 s15, s19;
	s28 =	smov.u32 s5;
	p0 =	sne.s32 s16, $0x300  }
.Ltmp5:
0x5a: {  	s16 =	sadd.s32 $0x40, s16;
	(xrf0) =	vadd.scan.msk.s32 $0xffff, v7;
	v12, _, _ =	vpop (xrf0);
	s5 =	sadd.s32 $0x7F, s15;
	(pc) =	sbr.rel @p0 .LBB2_8-.Ltmp5, $4  }
0x5b: {  	s9 =	sadd.s32 $0x1, s9;
	v13 =	vmov v7;
	(v2sf) =	vpush v12, $0xF;
	s15 =	sand.u32 $0xFFFFFF80, s5;
	v7 =	vld [tilespmem:s25+$0xFA0];
	s5 =	smov.u32 s4  }
0x5c: {  	s4 =	smov.u32 s25;
	v14 =	vsub.s32 s15, v9;
	[smem:s9] =	sst s15;
	v9 =	vmovc v8;
	v8 =	vmov v6;
	v6 =	vmov v13  }
0x5d: {  	v13 =	vadd.s32 v10, v14;
	v10 =	vmov v11;
	v11 =	vmov v12;
	_ =	sdelay $0x1  }
0x5e: {  	[tilespmem:s2+$0x10A0] =	vst v13;
	s19 =	spop (v2sf);
	s2 =	smov.u32 s1;
	s1 =	smov.u32 s28  }
0x5f: {  	(xrf0) =	vadd.scan.msk.s32 $0xffff, v7;
	_ =	sdelay $0x2  }
0x60: {  	v12, _, _ =	vpop (xrf0)  }
0x61: {  	(v2sf) =	vpush v12, $0xF;
	_ =	sdelay $0x1  }
0x62: {  	v13, _, _ =	vpop (xrf0)  }
0x63: {  	(v2sf) =	vpush v13, $0xF;
	_ =	sdelay $0x3  }
0x64: {  	s15 =	sadd.s32 s15, s19  }
0x65: {  	s15 =	sadd.s32 $0x7F, s15  }
0x66: {  	s16 =	spop (v2sf);
	s15 =	sand.u32 $0xFFFFFF80, s15  }
0x67: {  	s16 =	sadd.s32 s15, s16  }
0x68: {  	s16 =	sadd.s32 $0x7F, s16  }
0x69: {  	s16 =	sand.u32 $0xFFFFFF80, s16;
	s28 =	spop (v2sf)  }
0x6a: {  	s19 =	sadd.s32 s16, s28  }
0x6b: {  	s19 =	sadd.s32 $0x7F, s19  }
0x6c: {  	s19 =	sand.u32 $0xFFFFFF80, s19;
	s25 =	spop (v2sf)  }
0x6d: {  	s9 =	sadd.s32 $0x1, s9;
	s25 =	sadd.s32 s19, s25  }
0x6e: {  	[smem:s9] =	sst s15;
	v9 =	vsub.s32 s15, v9;
	s25 =	sadd.s32 $0x7F, s25  }
0x6f: {  	s9 =	sadd.s32 $0x1, s9;
	v9 =	vadd.s32 v10, v9;
	v8 =	vsub.s32 s16, v8;
	s11 =	sand.u32 $0xFFFFFF80, s25;
	s12 =	spop (v2sf)  }
0x70: {  	[tilespmem:s2+$0x10A0] =	vst v9;
	[smem:s9] =	sst s16;
	s9 =	sadd.s32 $0x1, s9;
	v8 =	vadd.s32 v11, v8;
	v6 =	vsub.s32 s19, v6;
	s14 =	sadd.s32 s11, s12  }
0x71: {  	[tilespmem:s1+$0x10A0] =	vst v8;
	[smem:s9] =	sst s19;
	v6 =	vadd.s32 v12, v6;
	s19 =	sadd.s32 $0x1, s9;
	v7 =	vsub.s32 s11, v7;
	s25 =	sadd.s32 $0x7F, s14  }
0x72: {  	s2 =	simm.s32 $0x0;
	[tilespmem:s5+$0x10A0] =	vst v6;
	[smem:s19] =	sst s11;
	v6 =	vadd.s32 v13, v7;
	s28 =	sand.u32 $0xFFFFFF80, s25  }
0x73: {  	s1 =	simm.s32 $0x0;
	[tilespmem:s4+$0x10A0] =	vst v6;
	s4 =	simm.s32 $0x200;
	[smem:$0xD] =	sst s28  }
.LBB2_10:
0x74: {  	p0 =	sne.s32 s4, $0x15200;
	[tilespmem:s2+$0x6710] =	vst v0  }
0x75: {  	[tilespmem:s2+$0x11A0] =	vst v4  }
0x76: {  	[tilespmem:s2+$0x66A0] =	vst v0  }
0x77: {  	[tilespmem:s2+$0x11B0] =	vst v4  }
0x78: {  	[tilespmem:s2+$0x66B0] =	vst v0  }
0x79: {  	[tilespmem:s2+$0x11C0] =	vst v4  }
0x7a: {  	[tilespmem:s2+$0x66C0] =	vst v0  }
0x7b: {  	[tilespmem:s2+$0x11D0] =	vst v4  }
0x7c: {  	[tilespmem:s2+$0x66D0] =	vst v0  }
0x7d: {  	[tilespmem:s2+$0x11E0] =	vst v4  }
0x7e: {  	[tilespmem:s2+$0x66E0] =	vst v0  }
.Ltmp6:
0x7f: {  	[tilespmem:s2+$0x11F0] =	vst v4;
	(pc) =	sbr.rel @p0 .LBB2_10-.Ltmp6, $4  }
0x80: {  	[tilespmem:s2+$0x66F0] =	vst v0  }
0x81: {  	[tilespmem:s2+$0x1200] =	vst v4  }
0x82: {  	[tilespmem:s2+$0x6700] =	vst v0  }
0x83: {  	[tilespmem:s2+$0x1210] =	vst v4;
	s2 =	sshra.s32 s4, $0x2;
	s4 =	sadd.s32 $0x200, s4  }
0x84: {  	[tilespmem:s2+$0x6710] =	vst v0  }
0x85: {  	[tilespmem:s2+$0x11A0] =	vst v4  }
0x86: {  	[tilespmem:s2+$0x66A0] =	vst v0  }
0x87: {  	[tilespmem:s2+$0x11B0] =	vst v4  }
0x88: {  	[tilespmem:s2+$0x66B0] =	vst v0  }
0x89: {  	[tilespmem:s2+$0x11C0] =	vst v4  }
0x8a: {  	[tilespmem:s2+$0x66C0] =	vst v0  }
0x8b: {  	[tilespmem:s2+$0x11D0] =	vst v4  }
0x8c: {  	[tilespmem:s2+$0x66D0] =	vst v0  }
0x8d: {  	[tilespmem:s2+$0x11E0] =	vst v4  }
0x8e: {  	[tilespmem:s2+$0x66E0] =	vst v0  }
0x8f: {  	[tilespmem:s2+$0x11F0] =	vst v4  }
0x90: {  	[tilespmem:s2+$0x66F0] =	vst v0  }
0x91: {  	[tilespmem:s2+$0x1200] =	vst v4  }
0x92: {  	[tilespmem:s2+$0x6700] =	vst v0  }
0x93: {  	[tilespmem:s2+$0x1210] =	vst v4;
	s2 =	rddreg [dreg:$0xb]  }
0x94: {  	s11 =	rddreg [dreg:$0x0]  }
0x95: {  	s12 =	rddreg [dreg:$0x1];
	s14 =	simm.s32 $0x7D0  }
.LBB2_12:
0x96: {  	s4 =	smul.u32 $0x7D0, s1;
	_ =	sdelay $0x1  }
0x97: {  	s4 =	sadd.s32 s8, s4  }
0x98: {  	s4 =	sshrl.u32 s4, $0x3  }
0x99: {  	s9 =	simm.s32 $0x0;
	s5 =	sadd.s32 s11, s4  }
0x9a: {  	[tilespmem:s9], [sflag:$0x5] =	stream.linear.gather [hbm4b:s5+s9], $0x7D0, $0x38;
	[tilespmem:$0x1DFA0] =	vst v63  }
0x9b: {  	_ =	swait.ge [sflag:s17], $0x7D0  }
0x9c: {  	[sflag:s17] =	ssyncset.done $0x0  }
0x9d: {  	s4 =	sadd.s32 s12, s4;
	[sflag:s17] =	ssyncadd.s32 $0xFFFFF830  }
0x9e: {  	[tilespmem:s14], [sflag:$0x5] =	stream.linear.gather [hbm4b:s4+s9], $0x7D0, $0x38;
	[tilespmem:$0x1DFA0] =	vst v63  }
0x9f: {  	_ =	swait.ge [sflag:s17], $0x7D0  }
0xa0: {  	[sflag:s17] =	ssyncset.done $0x0  }
0xa1: {  	s25 =	simm.s32 $0x0;
	[sflag:s17] =	ssyncadd.s32 $0xFFFFF830  }
0xa2: {  	v6 =	vld [tilespmem:s25+$0x0];
	_ =	sdelay $0x4  }
0xa3: {  	v7 =	vshrl.u32 v6, $0x9  }
0xa4: {  	v7 =	vand.u32 $0x7FFFF0, v7  }
0xa5: {  	v7 =	vor.u32 v2, v7;
	_ =	sdelay $0x4  }
0xa6: {  	v8 =	vld.idx.msk [tilespmem:v7+s20+$0x0], $0xffff  }
0xa7: {  	v9 =	vld [tilespmem:s25+$0x7D0];
	_ =	sdelay $0x3  }
0xa8: {  	v10 =	vor.u32 s2, v2  }
0xa9: {  	v11 =	vmov s2;
	v6 =	vand.u32 $0x1FFF, v6;
	v9 =	vshll.u32 v9, $0xE  }
0xaa: {  	v62 =	vadd.s32 s2, v5;
	vm0 =	vgt.u32 v11, $0x4E1FF;
	v6 =	vor.u32 v6, v9  }
0xab: {  	v63 =	vsel vm0, v62, v10;
	[tilespmem:v8+s21+$0x0] =	vst.idx.msk $0xffff, v6  }
0xac: {  	[tilespmem:v8+s22+$0x0] =	vst.idx.msk $0xffff, v63  }
0xad: {  	s28 =	simm.s32 $0x10;
	[tilespmem:v7+s20+$0x0] =	vst.idx.add.s32.msk $0xffff, v3  }
0xae: {  	v7 =	vld [tilespmem:s28+$0x0]  }
0xaf: {  	s5 =	simm.s32 $0x80;
	s4 =	smov.u32 s2;
	v6 =	vld [tilespmem:s28+$0x7D0]  }
.LBB2_13:
0xb0: {  	p0 =	sne.s32 s5, $0x1F00;
	_ =	sdelay $0x2  }
0xb1: {  	v8 =	vshrl.u32 v7, $0x9  }
0xb2: {  	v8 =	vand.u32 $0x7FFFF0, v8  }
0xb3: {  	v8 =	vor.u32 v2, v8;
	_ =	sdelay $0x4  }
0xb4: {  	v9 =	vld.idx.msk [tilespmem:v8+s20+$0x0], $0xffff;
	_ =	sdelay $0x3  }
0xb5: {  	s4 =	sadd.s32 $0x10, s4  }
0xb6: {  	v10 =	vor.u32 s4, v2  }
0xb7: {  	v11 =	vmov s4;
	v7 =	vand.u32 $0x1FFF, v7;
	v6 =	vshll.u32 v6, $0xE  }
0xb8: {  	vm0 =	vgt.u32 v11, $0x4E1FF;
	v11 =	vadd.s32 s4, v5;
	v6 =	vor.u32 v7, v6  }
.Ltmp7:
0xb9: {  	v7 =	vsel vm0, v11, v10;
	[tilespmem:v9+s21+$0x0] =	vst.idx.msk $0xffff, v6;
	(pc) =	sbr.rel @p0 .LBB2_13-.Ltmp7, $4  }
0xba: {  	[tilespmem:v9+s22+$0x0] =	vst.idx.msk $0xffff, v7  }
0xbb: {  	s9 =	sshra.s32 s5, $0x2;
	[tilespmem:v8+s20+$0x0] =	vst.idx.add.s32.msk $0xffff, v3  }
0xbc: {  	v7 =	vld [tilespmem:s9+$0x0]  }
0xbd: {  	s5 =	sadd.s32 $0x40, s5;
	v6 =	vld [tilespmem:s9+$0x7D0]  }
0xbe: {  	_ =	sdelay $0x2  }
0xbf: {  	v8 =	vshrl.u32 v7, $0x9  }
0xc0: {  	v8 =	vand.u32 $0x7FFFF0, v8  }
0xc1: {  	v8 =	vor.u32 v2, v8;
	_ =	sdelay $0x4  }
0xc2: {  	v9 =	vld.idx.msk [tilespmem:v8+s20+$0x0], $0xffff;
	_ =	sdelay $0x3  }
0xc3: {  	s4 =	sadd.s32 $0x10, s4;
	s1 =	sadd.s32 $0x1, s1  }
0xc4: {  	v10 =	vor.u32 s4, v2;
	p0 =	sne.s32 s1, $0xA  }
.Ltmp8:
0xc5: {  	v11 =	vmov s4;
	v7 =	vand.u32 $0x1FFF, v7;
	v6 =	vshll.u32 v6, $0xE;
	(pc) =	sbr.rel @p0 .LBB2_12-.Ltmp8, $4  }
0xc6: {  	v63 =	vadd.s32 s4, v5;
	vm0 =	vgt.u32 v11, $0x4E1FF;
	v6 =	vor.u32 v7, v6  }
0xc7: {  	v7 =	vsel vm0, v63, v10;
	[tilespmem:v9+s21+$0x0] =	vst.idx.msk $0xffff, v6  }
0xc8: {  	[tilespmem:v9+s22+$0x0] =	vst.idx.msk $0xffff, v7  }
0xc9: {  	s2 =	sadd.s32 $0x7D0, s2;
	[tilespmem:v8+s20+$0x0] =	vst.idx.add.s32.msk $0xffff, v3  }
0xca: {  	[spmem:s10] =	stream.linear.scatter [tilespmem:s23], [sflag:$0x5], $0x2000, $0x38;
	[tilespmem:$0x1DFA0] =	vst v63  }
0xcb: {  	_ =	swait.ge [sflag:s17], $0x2000  }
0xcc: {  	[sflag:s17] =	ssyncset.done $0x0  }
0xcd: {  	s1 =	rddreg [dreg:$0x7];
	[sflag:s17] =	ssyncadd.s32 $0xFFFFE000  }
0xce: {  	[spmem:s1] =	stream.linear.scatter [tilespmem:s23], [sflag:$0x5], $0x2000, $0x38;
	[tilespmem:$0x1DFA0] =	vst v63  }
0xcf: {  	_ =	swait.ge [sflag:s17], $0x2000  }
0xd0: {  	[sflag:s17] =	ssyncset.done $0x0  }
0xd1: {  	s28 =	rddreg [dreg:$0x8];
	[sflag:s17] =	ssyncadd.s32 $0xFFFFE000  }
0xd2: {  	[spmem:s28] =	stream.linear.scatter [tilespmem:s23], [sflag:$0x5], $0x2000, $0x38;
	[tilespmem:$0x1DFA0] =	vst v63  }
0xd3: {  	_ =	swait.ge [sflag:s17], $0x2000  }
0xd4: {  	[sflag:s17] =	ssyncset.done $0x0  }
0xd5: {  	[sflag:s17] =	ssyncadd.s32 $0xFFFFE000  }
0xd6: {  	[spmem:s13] =	stream.linear.scatter [tilespmem:s23], [sflag:$0x5], $0x2000, $0x38;
	[tilespmem:$0x1DFA0] =	vst v63  }
.Ltmp9:
0xd7: {  	_ =	swait.ge [sflag:s17], $0x2000;
	(pc) =	sbr.rel .LBB2_16-.Ltmp9, $4  }
0xd8: {  	[sflag:s17] =	ssyncset.done $0x0  }
0xd9: {  	[sflag:s17] =	ssyncadd.s32 $0xFFFFE000  }
0xda: {  	[bflag:$0x0] =	sbarrier.arrive $0xFFFF  }
0xdb: {  	s15 =	simm.s32 $0x0  }
.LBB2_19:
0xdc: {  	v6 =	vand.u32 @!p0 $0x3FFF, v6  }
0xdd: {  	[tilespmem:$0xBD80] =	vst @!p0 v6  }
0xde: {  	v6 =	vld @!p0 [tilespmem:s25+$0x1290];
	_ =	sdelay $0x4  }
0xdf: {  	v6 =	vand.u32 @!p0 $0x3FFF, v6  }
0xe0: {  	s1 =	simm.s32 @!p0 $0xBD20;
	s5 =	simm.s32 @!p0 $0x5;
	[tilespmem:$0xBD90] =	vst @!p0 v6  }
0xe1: {  	[spmem:s3] =	stream.indirect.scatter.add.f32 @!p0 [tilespmem:s4], [sflag:$0x5], $0x40, s1, s2, $0xb8;
	[tilespmem:$0x1DFA0] =	vst v63  }
0xe2: {  	_ =	swait.ge @!p0 [sflag:s5], $0x2000  }
0xe3: {  	[sflag:s5] =	ssyncset.done @!p0 $0x0  }
0xe4: {  	[sflag:s5] =	ssyncadd.s32 @!p0 $0xFFFFE000  }
.LBB2_20:
0xe5: {  	s1 =	sshll.u32 s15, $0x13;
	s2 =	rddreg [dreg:$0x9]  }
0xe6: {  	[bflag:$0x0] =	sbarrier.arrive $0xFFFF;
	s16 =	stileid.u32;
	s1 =	sadd.s32 s1, s2  }
0xe7: {  	s2 =	sshll.u32 s16, $0x6;
	s4 =	rddreg [dreg:$0x6];
	s1 =	sshrl.u32 s1, $0x3  }
0xe8: {  	s19 =	sshrl.u32 s10, $0x3;
	s2 =	sor.u32 $0x1C05, s2;
	s1 =	sadd.s32 s4, s1  }
0xe9: {  	[hbm:s1], [sflag:s2] =	dma.local [spmem:s19], $0x1000  }
0xea: {  	_ =	swait.ge [sflag:s17], $0x1000  }
0xeb: {  	[sflag:s17] =	ssyncset.done $0x0  }
0xec: {  	[sflag:s17] =	ssyncadd.s32 $0xFFFFF000  }
0xed: {  	[spmem:s10] =	stream.linear.scatter [tilespmem:s23], [sflag:$0x5], $0x2000, $0x38;
	[tilespmem:$0x1DFA0] =	vst v63  }
0xee: {  	_ =	swait.ge [sflag:s17], $0x2000  }
0xef: {  	[sflag:s17] =	ssyncset.done $0x0  }
0xf0: {  	s25 =	rddreg [dreg:$0x7];
	[sflag:s17] =	ssyncadd.s32 $0xFFFFE000  }
0xf1: {  	[spmem:s25] =	stream.linear.scatter [tilespmem:s23], [sflag:$0x5], $0x2000, $0x38;
	[tilespmem:$0x1DFA0] =	vst v63  }
0xf2: {  	_ =	swait.ge [sflag:s17], $0x2000  }
0xf3: {  	[sflag:s17] =	ssyncset.done $0x0  }
0xf4: {  	s28 =	rddreg [dreg:$0x8];
	[sflag:s17] =	ssyncadd.s32 $0xFFFFE000  }
0xf5: {  	[spmem:s28] =	stream.linear.scatter [tilespmem:s23], [sflag:$0x5], $0x2000, $0x38;
	[tilespmem:$0x1DFA0] =	vst v63  }
0xf6: {  	_ =	swait.ge [sflag:s17], $0x2000  }
0xf7: {  	s15 =	sadd.s32 $0x1, s15;
	[sflag:s17] =	ssyncset.done $0x0  }
0xf8: {  	p0 =	sne.s32 s15, $0xD;
	[sflag:s17] =	ssyncadd.s32 $0xFFFFE000  }
0xf9: {  	[spmem:s13] =	stream.linear.scatter [tilespmem:s23], [sflag:$0x5], $0x2000, $0x38;
	[tilespmem:$0x1DFA0] =	vst v63  }
.Ltmp10:
0xfa: {  	_ =	swait.ge [sflag:s17], $0x2000;
	(pc) =	sbr.rel @!p0 .LBB2_21-.Ltmp10, $3  }
0xfb: {  	[sflag:s17] =	ssyncset.done $0x0  }
0xfc: {  	[sflag:s17] =	ssyncadd.s32 $0xFFFFE000  }
0xfd: {  	[bflag:$0x0] =	sbarrier.arrive $0xFFFF;
	_ =	sdelay $0x1  }
.LBB2_16:
0xfe: {  	s16 =	sld [smem:s15+$0x0]  }
0xff: {  	s1 =	sld [smem:s15+$0x1];
	_ =	sdelay $0x2  }
0x100: {  	s1 =	ssub.s32 s1, s16  }
0x101: {  	s5 =	sshrl.u32 s1, $0x7  }
0x102: {  	p0 =	seq.s32 s5, $0x0  }
.Ltmp11:
0x103: {  	_ = 	snop;
	(pc) =	sbr.rel @p0 .LBB2_20-.Ltmp11, $1  }
0x104: {  	_ =	sdelay $0x3  }
0x105: {  	s25 =	sand.u32 $0xFFFFFF80, s16  }
0x106: {  	v6 =	vld [tilespmem:s25+$0x11A0];
	_ =	sdelay $0x4  }
0x107: {  	v6 =	vshrl.u32 v6, $0xE  }
0x108: {  	[tilespmem:$0xBBA0] =	vst v6  }
0x109: {  	v6 =	vld [tilespmem:s25+$0x11B0];
	_ =	sdelay $0x4  }
0x10a: {  	v6 =	vshrl.u32 v6, $0xE  }
0x10b: {  	[tilespmem:$0xBBB0] =	vst v6  }
0x10c: {  	v6 =	vld [tilespmem:s25+$0x11C0];
	_ =	sdelay $0x4  }
0x10d: {  	v6 =	vshrl.u32 v6, $0xE  }
0x10e: {  	[tilespmem:$0xBBC0] =	vst v6  }
0x10f: {  	v6 =	vld [tilespmem:s25+$0x11D0];
	_ =	sdelay $0x4  }
0x110: {  	v6 =	vshrl.u32 v6, $0xE  }
0x111: {  	[tilespmem:$0xBBD0] =	vst v6  }
0x112: {  	v6 =	vld [tilespmem:s25+$0x11E0];
	_ =	sdelay $0x4  }
0x113: {  	v6 =	vshrl.u32 v6, $0xE  }
0x114: {  	[tilespmem:$0xBBE0] =	vst v6  }
0x115: {  	v6 =	vld [tilespmem:s25+$0x11F0];
	_ =	sdelay $0x4  }
0x116: {  	v6 =	vshrl.u32 v6, $0xE  }
0x117: {  	[tilespmem:$0xBBF0] =	vst v6  }
0x118: {  	v6 =	vld [tilespmem:s25+$0x1200];
	_ =	sdelay $0x4  }
0x119: {  	v6 =	vshrl.u32 v6, $0xE  }
0x11a: {  	[tilespmem:$0xBC00] =	vst v6  }
0x11b: {  	v6 =	vld [tilespmem:s25+$0x1210];
	_ =	sdelay $0x4  }
0x11c: {  	v6 =	vshrl.u32 v6, $0xE  }
0x11d: {  	s1 =	simm.s32 $0xBBA0;
	s28 =	sadd.s32 $0xFFFFFFFF, s5;
	[tilespmem:$0xBC10] =	vst v6  }
0x11e: {  	[tilespmem:s26], [sflag:$0x1] =	stream.indirect.gather [hbm4b:s6+s24], $0x40, s1, s24, $0xb8;
	[tilespmem:$0x1DFA0] =	vst v63  }
0x11f: {  	s2 =	simm.s32 $0xDDA0;
	s14 =	sadd.s32 $0x66A0, s25;
	p0 =	sle.s32 s28, $0x0  }
0x120: {  	[tilespmem:s2], [sflag:$0x2] =	stream.indirect.gather [hbm4b:s7+s24], $0x40, s14, s24, $0xb8;
	[tilespmem:$0x1DFA0] =	vst v63  }
0x121: {  	v6 =	vld @!p0 [tilespmem:s25+$0x1220];
	_ =	sdelay $0x4  }
0x122: {  	v6 =	vshrl.u32 @!p0 v6, $0xE  }
0x123: {  	[tilespmem:$0xBC20] =	vst @!p0 v6  }
0x124: {  	v6 =	vld @!p0 [tilespmem:s25+$0x1230];
	_ =	sdelay $0x4  }
0x125: {  	v6 =	vshrl.u32 @!p0 v6, $0xE  }
0x126: {  	[tilespmem:$0xBC30] =	vst @!p0 v6  }
0x127: {  	v6 =	vld @!p0 [tilespmem:s25+$0x1240];
	_ =	sdelay $0x4  }
0x128: {  	v6 =	vshrl.u32 @!p0 v6, $0xE  }
0x129: {  	[tilespmem:$0xBC40] =	vst @!p0 v6  }
0x12a: {  	v6 =	vld @!p0 [tilespmem:s25+$0x1250];
	_ =	sdelay $0x4  }
0x12b: {  	v6 =	vshrl.u32 @!p0 v6, $0xE  }
0x12c: {  	[tilespmem:$0xBC50] =	vst @!p0 v6  }
0x12d: {  	v6 =	vld @!p0 [tilespmem:s25+$0x1260];
	_ =	sdelay $0x4  }
0x12e: {  	v6 =	vshrl.u32 @!p0 v6, $0xE  }
0x12f: {  	[tilespmem:$0xBC60] =	vst @!p0 v6  }
0x130: {  	v6 =	vld @!p0 [tilespmem:s25+$0x1270];
	_ =	sdelay $0x4  }
0x131: {  	v6 =	vshrl.u32 @!p0 v6, $0xE  }
0x132: {  	[tilespmem:$0xBC70] =	vst @!p0 v6  }
0x133: {  	v6 =	vld @!p0 [tilespmem:s25+$0x1280];
	_ =	sdelay $0x4  }
0x134: {  	v6 =	vshrl.u32 @!p0 v6, $0xE  }
0x135: {  	[tilespmem:$0xBC80] =	vst @!p0 v6  }
0x136: {  	v6 =	vld @!p0 [tilespmem:s25+$0x1290];
	_ =	sdelay $0x4  }
0x137: {  	v6 =	vshrl.u32 @!p0 v6, $0xE  }
0x138: {  	s4 =	simm.s32 @!p0 $0xFDA0;
	s1 =	simm.s32 @!p0 $0xBC20;
	s2 =	simm.s32 @!p0 $0x80;
	[tilespmem:$0xBC90] =	vst @!p0 v6  }
0x139: {  	[tilespmem:s4], [sflag:$0x3] =	stream.indirect.gather @!p0 [hbm4b:s6+s2], $0x40, s1, s2, $0xb8;
	[tilespmem:$0x1DFA0] =	vst v63  }
0x13a: {  	s9 =	simm.s32 @!p0 $0x11DA0;
	s1 =	sadd.s32 @!p0 $0x6720, s25  }
0x13b: {  	[tilespmem:s9], [sflag:$0x4] =	stream.indirect.gather @!p0 [hbm4b:s7+s2], $0x40, s1, s2, $0xb8;
	[tilespmem:$0x1DFA0] =	vst v63  }
0x13c: {  	_ =	swait.ge [sflag:s29], $0x2000  }
0x13d: {  	[sflag:s29] =	ssyncset.done $0x0  }
0x13e: {  	[sflag:s29] =	ssyncadd.s32 $0xFFFFE000  }
0x13f: {  	_ =	swait.ge [sflag:s30], $0x2000  }
0x140: {  	[sflag:s30] =	ssyncset.done $0x0  }
0x141: {  	[sflag:s30] =	ssyncadd.s32 $0xFFFFE000  }
0x142: {  	v6 =	vld [tilespmem:$0xDDD0]  }
0x143: {  	v7 =	vld [tilespmem:$0xDDB0]  }
0x144: {  	v8 =	vld [tilespmem:$0xBDC0]  }
0x145: {  	v9 =	vld [tilespmem:$0xDDA0]  }
0x146: {  	v10 =	vld [tilespmem:$0xDDC0]  }
0x147: {  	v11 =	vld [tilespmem:$0xBDB0]  }
0x148: {  	v12 =	vld [tilespmem:$0xBDD0]  }
0x149: {  	v13 =	vld [tilespmem:$0xBDA0];
	_ =	sdelay $0x1  }
0x14a: {  	v8 =	vmul.f32 v10, v8  }
0x14b: {  	v7 =	vmul.f32 v7, v11  }
0x14c: {  	v6 =	vmul.f32 v6, v12;
	[tilespmem:$0xBDC0] =	vst v8  }
0x14d: {  	v8 =	vmul.f32 v9, v13;
	[tilespmem:$0xBDB0] =	vst v7  }
0x14e: {  	[tilespmem:$0xBDD0] =	vst v6  }
0x14f: {  	[tilespmem:$0xBDA0] =	vst v8  }
0x150: {  	v6 =	vld [tilespmem:s25+$0x11A0];
	_ =	sdelay $0x4  }
0x151: {  	v6 =	vand.u32 $0x3FFF, v6  }
0x152: {  	[tilespmem:$0xBCA0] =	vst v6  }
0x153: {  	v6 =	vld [tilespmem:s25+$0x11B0];
	_ =	sdelay $0x4  }
0x154: {  	v6 =	vand.u32 $0x3FFF, v6  }
0x155: {  	[tilespmem:$0xBCB0] =	vst v6  }
0x156: {  	v6 =	vld [tilespmem:s25+$0x11C0];
	_ =	sdelay $0x4  }
0x157: {  	v6 =	vand.u32 $0x3FFF, v6  }
0x158: {  	[tilespmem:$0xBCC0] =	vst v6  }
0x159: {  	v6 =	vld [tilespmem:s25+$0x11D0];
	_ =	sdelay $0x4  }
0x15a: {  	v6 =	vand.u32 $0x3FFF, v6  }
0x15b: {  	[tilespmem:$0xBCD0] =	vst v6  }
0x15c: {  	v6 =	vld [tilespmem:s25+$0x11E0];
	_ =	sdelay $0x4  }
0x15d: {  	v6 =	vand.u32 $0x3FFF, v6  }
0x15e: {  	[tilespmem:$0xBCE0] =	vst v6  }
0x15f: {  	v6 =	vld [tilespmem:s25+$0x11F0];
	_ =	sdelay $0x4  }
0x160: {  	v6 =	vand.u32 $0x3FFF, v6  }
0x161: {  	[tilespmem:$0xBCF0] =	vst v6  }
0x162: {  	v6 =	vld [tilespmem:s25+$0x1200];
	_ =	sdelay $0x4  }
0x163: {  	v6 =	vand.u32 $0x3FFF, v6  }
0x164: {  	[tilespmem:$0xBD00] =	vst v6  }
0x165: {  	v6 =	vld [tilespmem:s25+$0x1210];
	_ =	sdelay $0x4  }
0x166: {  	v6 =	vand.u32 $0x3FFF, v6  }
0x167: {  	[tilespmem:$0xBD10] =	vst v6  }
0x168: {  	[spmem:s3] =	stream.indirect.scatter.add.f32 [tilespmem:s26], [sflag:$0x6], $0x40, s31, s24, $0xb8;
	[tilespmem:$0x1DFA0] =	vst v63  }
0x169: {  	_ =	swait.ge [sflag:s0], $0x2000  }
0x16a: {  	[sflag:s0] =	ssyncset.done $0x0  }
0x16b: {  	p1 =	sle.u32 s5, $0x2;
	[sflag:s0] =	ssyncadd.s32 $0xFFFFE000  }
0x16c: {  	v6 =	vld @!p1 [tilespmem:s25+$0x12A0];
	_ =	sdelay $0x4  }
0x16d: {  	v6 =	vshrl.u32 @!p1 v6, $0xE  }
0x16e: {  	[tilespmem:$0xBBA0] =	vst @!p1 v6  }
0x16f: {  	v6 =	vld @!p1 [tilespmem:s25+$0x12B0];
	_ =	sdelay $0x4  }
0x170: {  	v6 =	vshrl.u32 @!p1 v6, $0xE  }
0x171: {  	[tilespmem:$0xBBB0] =	vst @!p1 v6  }
0x172: {  	v6 =	vld @!p1 [tilespmem:s25+$0x12C0];
	_ =	sdelay $0x4  }
0x173: {  	v6 =	vshrl.u32 @!p1 v6, $0xE  }
0x174: {  	[tilespmem:$0xBBC0] =	vst @!p1 v6  }
0x175: {  	v6 =	vld @!p1 [tilespmem:s25+$0x12D0];
	_ =	sdelay $0x4  }
0x176: {  	v6 =	vshrl.u32 @!p1 v6, $0xE  }
0x177: {  	[tilespmem:$0xBBD0] =	vst @!p1 v6  }
0x178: {  	v6 =	vld @!p1 [tilespmem:s25+$0x12E0];
	_ =	sdelay $0x4  }
0x179: {  	v6 =	vshrl.u32 @!p1 v6, $0xE  }
0x17a: {  	[tilespmem:$0xBBE0] =	vst @!p1 v6  }
0x17b: {  	v6 =	vld @!p1 [tilespmem:s25+$0x12F0];
	_ =	sdelay $0x4  }
0x17c: {  	v6 =	vshrl.u32 @!p1 v6, $0xE  }
0x17d: {  	[tilespmem:$0xBBF0] =	vst @!p1 v6  }
0x17e: {  	v6 =	vld @!p1 [tilespmem:s25+$0x1300];
	_ =	sdelay $0x4  }
0x17f: {  	v6 =	vshrl.u32 @!p1 v6, $0xE  }
0x180: {  	[tilespmem:$0xBC00] =	vst @!p1 v6  }
0x181: {  	v6 =	vld @!p1 [tilespmem:s25+$0x1310];
	_ =	sdelay $0x4  }
0x182: {  	v6 =	vshrl.u32 @!p1 v6, $0xE  }
0x183: {  	s19 =	simm.s32 @!p1 $0xBDA0;
	s1 =	simm.s32 @!p1 $0x80;
	s9 =	simm.s32 @!p1 $0xBBA0;
	[tilespmem:$0xBC10] =	vst @!p1 v6  }
0x184: {  	[tilespmem:s19], [sflag:$0x1] =	stream.indirect.gather @!p1 [hbm4b:s6+s1], $0x40, s9, s1, $0xb8;
	[tilespmem:$0x1DFA0] =	vst v63  }
0x185: {  	s14 =	simm.s32 @!p0 $0x3;
	s9 =	sadd.s32 @!p1 $0x67A0, s25;
	s19 =	simm.s32 @!p1 $0xDDA0  }
0x186: {  	[tilespmem:s19], [sflag:$0x2] =	stream.indirect.gather @!p1 [hbm4b:s7+s1], $0x40, s9, s1, $0xb8;
	[tilespmem:$0x1DFA0] =	vst v63  }
0x187: {  	_ =	swait.ge @!p0 [sflag:s14], $0x2000  }
0x188: {  	[sflag:s14] =	ssyncset.done @!p0 $0x0  }
0x189: {  	s1 =	simm.s32 @!p0 $0x4;
	[sflag:s14] =	ssyncadd.s32 @!p0 $0xFFFFE000  }
0x18a: {  	_ =	swait.ge @!p0 [sflag:s1], $0x2000  }
0x18b: {  	[sflag:s1] =	ssyncset.done @!p0 $0x0  }
0x18c: {  	[sflag:s1] =	ssyncadd.s32 @!p0 $0xFFFFE000  }
0x18d: {  	v6 =	vld @!p0 [tilespmem:$0x11DD0]  }
0x18e: {  	v7 =	vld @!p0 [tilespmem:$0x11DC0]  }
0x18f: {  	v8 =	vld @!p0 [tilespmem:$0xFDA0]  }
0x190: {  	v9 =	vld @!p0 [tilespmem:$0xFDD0]  }
0x191: {  	v10 =	vld @!p0 [tilespmem:$0x11DB0]  }
0x192: {  	v11 =	vld @!p0 [tilespmem:$0xFDC0]  }
0x193: {  	v12 =	vld @!p0 [tilespmem:$0x11DA0]  }
0x194: {  	v13 =	vld @!p0 [tilespmem:$0xFDB0];
	_ =	sdelay $0x1  }
0x195: {  	v6 =	vmul.f32 @!p0 v6, v9  }
0x196: {  	v7 =	vmul.f32 @!p0 v7, v11  }
0x197: {  	v8 =	vmul.f32 @!p0 v12, v8;
	[tilespmem:$0xFDD0] =	vst @!p0 v6  }
0x198: {  	v6 =	vmul.f32 @!p0 v10, v13;
	[tilespmem:$0xFDC0] =	vst @!p0 v7  }
0x199: {  	[tilespmem:$0xFDA0] =	vst @!p0 v8  }
0x19a: {  	[tilespmem:$0xFDB0] =	vst @!p0 v6  }
0x19b: {  	v6 =	vld @!p0 [tilespmem:s25+$0x1220];
	_ =	sdelay $0x4  }
0x19c: {  	v6 =	vand.u32 @!p0 $0x3FFF, v6  }
0x19d: {  	[tilespmem:$0xBD20] =	vst @!p0 v6  }
0x19e: {  	v6 =	vld @!p0 [tilespmem:s25+$0x1230];
	_ =	sdelay $0x4  }
0x19f: {  	v6 =	vand.u32 @!p0 $0x3FFF, v6  }
0x1a0: {  	[tilespmem:$0xBD30] =	vst @!p0 v6  }
0x1a1: {  	v6 =	vld @!p0 [tilespmem:s25+$0x1240];
	_ =	sdelay $0x4  }
0x1a2: {  	v6 =	vand.u32 @!p0 $0x3FFF, v6  }
0x1a3: {  	[tilespmem:$0xBD40] =	vst @!p0 v6  }
0x1a4: {  	v6 =	vld @!p0 [tilespmem:s25+$0x1250];
	_ =	sdelay $0x4  }
0x1a5: {  	v6 =	vand.u32 @!p0 $0x3FFF, v6  }
0x1a6: {  	[tilespmem:$0xBD50] =	vst @!p0 v6  }
0x1a7: {  	v6 =	vld @!p0 [tilespmem:s25+$0x1260];
	_ =	sdelay $0x4  }
0x1a8: {  	v6 =	vand.u32 @!p0 $0x3FFF, v6  }
0x1a9: {  	[tilespmem:$0xBD60] =	vst @!p0 v6  }
0x1aa: {  	v6 =	vld @!p0 [tilespmem:s25+$0x1270];
	_ =	sdelay $0x2  }
0x1ab: {  	s19 =	sadd.s32 $0x1, s5  }
0x1ac: {  	s1 =	sshrl.u32 s19, $0x1  }
0x1ad: {  	s19 =	sadd.s32 $0xFFFFFFFF, s1;
	v6 =	vand.u32 @!p0 $0x3FFF, v6  }
0x1ae: {  	p1 =	sne.s32 s19, $0x0;
	[tilespmem:$0xBD70] =	vst @!p0 v6  }
.Ltmp12:
0x1af: {  	v6 =	vld @!p0 [tilespmem:s25+$0x1280];
	(pc) =	sbr.rel @!p1 .LBB2_19-.Ltmp12, $2  }
0x1b0: {  	_ =	sdelay $0x2  }
0x1b1: {  	s1 =	simm.s32 $0x2  }
.LBB2_18:
0x1b2: {  	s19 =	sadd.s32 $0xFFFFFFFF, s19;
	s16 =	sadd.s32 $0x100, s16  }
0x1b3: {  	p1 =	sne.s32 s19, $0x0  }
0x1b4: {  	v6 =	vand.u32 @!p0 $0x3FFF, v6  }
0x1b5: {  	[tilespmem:$0xBD80] =	vst @!p0 v6  }
0x1b6: {  	v6 =	vld @!p0 [tilespmem:s25+$0x1290];
	_ =	sdelay $0x4  }
0x1b7: {  	v6 =	vand.u32 @!p0 $0x3FFF, v6  }
0x1b8: {  	s9 =	simm.s32 @!p0 $0xBD20;
	s14 =	simm.s32 @!p0 $0x5;
	[tilespmem:$0xBD90] =	vst @!p0 v6  }
0x1b9: {  	[spmem:s3] =	stream.indirect.scatter.add.f32 @!p0 [tilespmem:s4], [sflag:$0x5], $0x40, s9, s2, $0xb8;
	[tilespmem:$0x1DFA0] =	vst v63  }
0x1ba: {  	_ =	swait.ge @!p0 [sflag:s14], $0x2000  }
0x1bb: {  	[sflag:s14] =	ssyncset.done @!p0 $0x0  }
0x1bc: {  	s25 =	sand.u32 $0xFFFFFF80, s16;
	[sflag:s14] =	ssyncadd.s32 @!p0 $0xFFFFE000;
	p0 =	sge.s32 s1, s28  }
0x1bd: {  	v6 =	vld @!p0 [tilespmem:s25+$0x1220];
	s9 =	sadd.s32 @!p0 $0x6720, s25;
	_ =	sdelay $0x4  }
0x1be: {  	v6 =	vshrl.u32 @!p0 v6, $0xE  }
0x1bf: {  	[tilespmem:$0xBC20] =	vst @!p0 v6  }
0x1c0: {  	v6 =	vld @!p0 [tilespmem:s25+$0x1230];
	_ =	sdelay $0x4  }
0x1c1: {  	v6 =	vshrl.u32 @!p0 v6, $0xE  }
0x1c2: {  	[tilespmem:$0xBC30] =	vst @!p0 v6  }
0x1c3: {  	v6 =	vld @!p0 [tilespmem:s25+$0x1240];
	_ =	sdelay $0x4  }
0x1c4: {  	v6 =	vshrl.u32 @!p0 v6, $0xE  }
0x1c5: {  	[tilespmem:$0xBC40] =	vst @!p0 v6  }
0x1c6: {  	v6 =	vld @!p0 [tilespmem:s25+$0x1250];
	_ =	sdelay $0x4  }
0x1c7: {  	v6 =	vshrl.u32 @!p0 v6, $0xE  }
0x1c8: {  	[tilespmem:$0xBC50] =	vst @!p0 v6  }
0x1c9: {  	v6 =	vld @!p0 [tilespmem:s25+$0x1260];
	_ =	sdelay $0x4  }
0x1ca: {  	v6 =	vshrl.u32 @!p0 v6, $0xE  }
0x1cb: {  	[tilespmem:$0xBC60] =	vst @!p0 v6  }
0x1cc: {  	v6 =	vld @!p0 [tilespmem:s25+$0x1270];
	_ =	sdelay $0x4  }
0x1cd: {  	v6 =	vshrl.u32 @!p0 v6, $0xE  }
0x1ce: {  	[tilespmem:$0xBC70] =	vst @!p0 v6  }
0x1cf: {  	v6 =	vld @!p0 [tilespmem:s25+$0x1280];
	_ =	sdelay $0x4  }
0x1d0: {  	v6 =	vshrl.u32 @!p0 v6, $0xE  }
0x1d1: {  	[tilespmem:$0xBC80] =	vst @!p0 v6  }
0x1d2: {  	v6 =	vld @!p0 [tilespmem:s25+$0x1290];
	_ =	sdelay $0x4  }
0x1d3: {  	v6 =	vshrl.u32 @!p0 v6, $0xE  }
0x1d4: {  	s2 =	simm.s32 @!p0 $0x80;
	s14 =	simm.s32 @!p0 $0xBC20;
	s4 =	simm.s32 @!p0 $0xFDA0;
	[tilespmem:$0xBC90] =	vst @!p0 v6  }
0x1d5: {  	[tilespmem:s4], [sflag:$0x3] =	stream.indirect.gather @!p0 [hbm4b:s6+s2], $0x40, s14, s2, $0xb8;
	[tilespmem:$0x1DFA0] =	vst v63  }
0x1d6: {  	s14 =	simm.s32 @!p0 $0x11DA0  }
0x1d7: {  	[tilespmem:s14], [sflag:$0x4] =	stream.indirect.gather @!p0 [hbm4b:s7+s2], $0x40, s9, s2, $0xb8;
	[tilespmem:$0x1DFA0] =	vst v63  }
0x1d8: {  	_ =	swait.ge [sflag:s29], $0x2000  }
0x1d9: {  	[sflag:s29] =	ssyncset.done $0x0  }
0x1da: {  	[sflag:s29] =	ssyncadd.s32 $0xFFFFE000  }
0x1db: {  	_ =	swait.ge [sflag:s30], $0x2000  }
0x1dc: {  	[sflag:s30] =	ssyncset.done $0x0  }
0x1dd: {  	[sflag:s30] =	ssyncadd.s32 $0xFFFFE000  }
0x1de: {  	v6 =	vld [tilespmem:$0xDDD0]  }
0x1df: {  	v7 =	vld [tilespmem:$0xDDB0]  }
0x1e0: {  	v8 =	vld [tilespmem:$0xBDC0]  }
0x1e1: {  	v9 =	vld [tilespmem:$0xDDA0]  }
0x1e2: {  	v10 =	vld [tilespmem:$0xDDC0]  }
0x1e3: {  	v11 =	vld [tilespmem:$0xBDB0]  }
0x1e4: {  	v12 =	vld [tilespmem:$0xBDD0]  }
0x1e5: {  	v13 =	vld [tilespmem:$0xBDA0];
	_ =	sdelay $0x1  }
0x1e6: {  	v8 =	vmul.f32 v10, v8  }
0x1e7: {  	v7 =	vmul.f32 v7, v11  }
0x1e8: {  	[tilespmem:$0xBDC0] =	vst v8;
	v6 =	vmul.f32 v6, v12  }
0x1e9: {  	v8 =	vmul.f32 v9, v13;
	[tilespmem:$0xBDB0] =	vst v7  }
0x1ea: {  	[tilespmem:$0xBDD0] =	vst v6  }
0x1eb: {  	[tilespmem:$0xBDA0] =	vst v8  }
0x1ec: {  	v6 =	vld [tilespmem:s25+$0x11A0];
	_ =	sdelay $0x4  }
0x1ed: {  	v6 =	vand.u32 $0x3FFF, v6  }
0x1ee: {  	[tilespmem:$0xBCA0] =	vst v6  }
0x1ef: {  	v6 =	vld [tilespmem:s25+$0x11B0];
	_ =	sdelay $0x4  }
0x1f0: {  	v6 =	vand.u32 $0x3FFF, v6  }
0x1f1: {  	[tilespmem:$0xBCB0] =	vst v6  }
0x1f2: {  	v6 =	vld [tilespmem:s25+$0x11C0];
	_ =	sdelay $0x4  }
0x1f3: {  	v6 =	vand.u32 $0x3FFF, v6  }
0x1f4: {  	[tilespmem:$0xBCC0] =	vst v6  }
0x1f5: {  	v6 =	vld [tilespmem:s25+$0x11D0];
	_ =	sdelay $0x4  }
0x1f6: {  	v6 =	vand.u32 $0x3FFF, v6  }
0x1f7: {  	[tilespmem:$0xBCD0] =	vst v6  }
0x1f8: {  	v6 =	vld [tilespmem:s25+$0x11E0];
	_ =	sdelay $0x4  }
0x1f9: {  	v6 =	vand.u32 $0x3FFF, v6  }
0x1fa: {  	[tilespmem:$0xBCE0] =	vst v6  }
0x1fb: {  	v6 =	vld [tilespmem:s25+$0x11F0];
	_ =	sdelay $0x4  }
0x1fc: {  	v6 =	vand.u32 $0x3FFF, v6  }
0x1fd: {  	[tilespmem:$0xBCF0] =	vst v6  }
0x1fe: {  	v6 =	vld [tilespmem:s25+$0x1200];
	_ =	sdelay $0x4  }
0x1ff: {  	v6 =	vand.u32 $0x3FFF, v6  }
0x200: {  	[tilespmem:$0xBD00] =	vst v6  }
0x201: {  	v6 =	vld [tilespmem:s25+$0x1210];
	_ =	sdelay $0x4  }
0x202: {  	v6 =	vand.u32 $0x3FFF, v6  }
0x203: {  	[tilespmem:$0xBD10] =	vst v6  }
0x204: {  	[spmem:s3] =	stream.indirect.scatter.add.f32 [tilespmem:s26], [sflag:$0x6], $0x40, s31, s24, $0xb8;
	[tilespmem:$0x1DFA0] =	vst v63  }
0x205: {  	_ =	swait.ge [sflag:s0], $0x2000  }
0x206: {  	s1 =	sadd.s32 $0x2, s1;
	[sflag:s0] =	ssyncset.done $0x0  }
0x207: {  	p2 =	sge.u32 s1, s5;
	[sflag:s0] =	ssyncadd.s32 $0xFFFFE000  }
0x208: {  	s9 =	sadd.s32 @!p2 $0x67A0, s25;
	v6 =	vld @!p2 [tilespmem:s25+$0x12A0];
	_ =	sdelay $0x4  }
0x209: {  	v6 =	vshrl.u32 @!p2 v6, $0xE  }
0x20a: {  	[tilespmem:$0xBBA0] =	vst @!p2 v6  }
0x20b: {  	v6 =	vld @!p2 [tilespmem:s25+$0x12B0];
	_ =	sdelay $0x4  }
0x20c: {  	v6 =	vshrl.u32 @!p2 v6, $0xE  }
0x20d: {  	[tilespmem:$0xBBB0] =	vst @!p2 v6  }
0x20e: {  	v6 =	vld @!p2 [tilespmem:s25+$0x12C0];
	_ =	sdelay $0x4  }
0x20f: {  	v6 =	vshrl.u32 @!p2 v6, $0xE  }
0x210: {  	[tilespmem:$0xBBC0] =	vst @!p2 v6  }
0x211: {  	v6 =	vld @!p2 [tilespmem:s25+$0x12D0];
	_ =	sdelay $0x4  }
0x212: {  	v6 =	vshrl.u32 @!p2 v6, $0xE  }
0x213: {  	[tilespmem:$0xBBD0] =	vst @!p2 v6  }
0x214: {  	v6 =	vld @!p2 [tilespmem:s25+$0x12E0];
	_ =	sdelay $0x4  }
0x215: {  	v6 =	vshrl.u32 @!p2 v6, $0xE  }
0x216: {  	[tilespmem:$0xBBE0] =	vst @!p2 v6  }
0x217: {  	v6 =	vld @!p2 [tilespmem:s25+$0x12F0];
	_ =	sdelay $0x4  }
0x218: {  	v6 =	vshrl.u32 @!p2 v6, $0xE  }
0x219: {  	[tilespmem:$0xBBF0] =	vst @!p2 v6  }
0x21a: {  	v6 =	vld @!p2 [tilespmem:s25+$0x1300];
	_ =	sdelay $0x4  }
0x21b: {  	v6 =	vshrl.u32 @!p2 v6, $0xE  }
0x21c: {  	[tilespmem:$0xBC00] =	vst @!p2 v6  }
0x21d: {  	v6 =	vld @!p2 [tilespmem:s25+$0x1310];
	_ =	sdelay $0x4  }
0x21e: {  	v6 =	vshrl.u32 @!p2 v6, $0xE  }
0x21f: {  	s11 =	simm.s32 @!p2 $0xBBA0;
	s12 =	simm.s32 @!p2 $0xBDA0;
	s14 =	simm.s32 @!p2 $0x80;
	[tilespmem:$0xBC10] =	vst @!p2 v6  }
0x220: {  	[tilespmem:s12], [sflag:$0x1] =	stream.indirect.gather @!p2 [hbm4b:s6+s14], $0x40, s11, s14, $0xb8;
	[tilespmem:$0x1DFA0] =	vst v63  }
0x221: {  	s11 =	simm.s32 @!p2 $0xDDA0;
	s12 =	simm.s32 @!p0 $0x3  }
0x222: {  	[tilespmem:s11], [sflag:$0x2] =	stream.indirect.gather @!p2 [hbm4b:s7+s14], $0x40, s9, s14, $0xb8;
	[tilespmem:$0x1DFA0] =	vst v63  }
0x223: {  	_ =	swait.ge @!p0 [sflag:s12], $0x2000  }
0x224: {  	[sflag:s12] =	ssyncset.done @!p0 $0x0  }
0x225: {  	s9 =	simm.s32 @!p0 $0x4;
	[sflag:s12] =	ssyncadd.s32 @!p0 $0xFFFFE000  }
0x226: {  	_ =	swait.ge @!p0 [sflag:s9], $0x2000  }
0x227: {  	[sflag:s9] =	ssyncset.done @!p0 $0x0  }
0x228: {  	[sflag:s9] =	ssyncadd.s32 @!p0 $0xFFFFE000  }
0x229: {  	v6 =	vld @!p0 [tilespmem:$0x11DD0]  }
0x22a: {  	v7 =	vld @!p0 [tilespmem:$0x11DC0]  }
0x22b: {  	v8 =	vld @!p0 [tilespmem:$0xFDA0]  }
0x22c: {  	v9 =	vld @!p0 [tilespmem:$0xFDD0]  }
0x22d: {  	v10 =	vld @!p0 [tilespmem:$0x11DB0]  }
0x22e: {  	v11 =	vld @!p0 [tilespmem:$0xFDC0]  }
0x22f: {  	v12 =	vld @!p0 [tilespmem:$0x11DA0]  }
0x230: {  	v13 =	vld @!p0 [tilespmem:$0xFDB0]  }
0x231: {  	v6 =	vmul.f32 @!p0 v6, v9;
	_ =	sdelay $0x1  }
0x232: {  	v7 =	vmul.f32 @!p0 v7, v11  }
0x233: {  	v8 =	vmul.f32 @!p0 v12, v8;
	[tilespmem:$0xFDD0] =	vst @!p0 v6  }
0x234: {  	v6 =	vmul.f32 @!p0 v10, v13;
	[tilespmem:$0xFDC0] =	vst @!p0 v7  }
0x235: {  	[tilespmem:$0xFDA0] =	vst @!p0 v8  }
0x236: {  	[tilespmem:$0xFDB0] =	vst @!p0 v6  }
0x237: {  	v6 =	vld @!p0 [tilespmem:s25+$0x1220];
	_ =	sdelay $0x4  }
0x238: {  	v6 =	vand.u32 @!p0 $0x3FFF, v6  }
0x239: {  	[tilespmem:$0xBD20] =	vst @!p0 v6  }
0x23a: {  	v6 =	vld @!p0 [tilespmem:s25+$0x1230];
	_ =	sdelay $0x4  }
0x23b: {  	v6 =	vand.u32 @!p0 $0x3FFF, v6  }
0x23c: {  	[tilespmem:$0xBD30] =	vst @!p0 v6  }
0x23d: {  	v6 =	vld @!p0 [tilespmem:s25+$0x1240];
	_ =	sdelay $0x4  }
0x23e: {  	v6 =	vand.u32 @!p0 $0x3FFF, v6  }
0x23f: {  	[tilespmem:$0xBD40] =	vst @!p0 v6  }
0x240: {  	v6 =	vld @!p0 [tilespmem:s25+$0x1250];
	_ =	sdelay $0x4  }
0x241: {  	v6 =	vand.u32 @!p0 $0x3FFF, v6  }
0x242: {  	[tilespmem:$0xBD50] =	vst @!p0 v6  }
0x243: {  	v6 =	vld @!p0 [tilespmem:s25+$0x1260];
	_ =	sdelay $0x4  }
0x244: {  	v6 =	vand.u32 @!p0 $0x3FFF, v6  }
0x245: {  	[tilespmem:$0xBD60] =	vst @!p0 v6  }
0x246: {  	v6 =	vld @!p0 [tilespmem:s25+$0x1270];
	_ =	sdelay $0x2  }
.Ltmp13:
0x247: {  	(pc) =	sbr.rel @p1 .LBB2_18-.Ltmp13, $4  }
0x248: {  	_ = 	snop  }
0x249: {  	v6 =	vand.u32 @!p0 $0x3FFF, v6  }
0x24a: {  	[tilespmem:$0xBD70] =	vst @!p0 v6  }
0x24b: {  	v6 =	vld @!p0 [tilespmem:s25+$0x1280]  }
.Ltmp14:
0x24c: {  	_ = 	snop;
	(pc) =	sbr.rel .LBB2_19-.Ltmp14, $1  }
0x24d: {  	_ =	sdelay $0x3  }
.LBB2_22:
0x24e: {  	_ =	sfence.sel $0x180000  }
0x24f: {  	[bflag:$0x0] =	sbarrier.arrive $0xFFFF  }
0x250: {  	_ =	strace $0x90000047  }
0x251: {  	s0 =	stileid.u32;
	[bflag:$0x2] =	sbarrier.arrive $0xFFFF  }
0x252: {  	p0 =	sne.s32 s0, $0x0;
	s0 =	rddreg [dreg:$0x4]  }
0x253: {  	s0 =	sadd.s32 @!p0 $0x100000, s0  }
0x254: {  	[sflag:s0] =	ssyncadd.tile.s32 @!p0 $0x1;
	_ =	shalt  }
.Lfunc_end2:
_tile_overlayer_lowered:
.L_overlay_start_2:
0x255: {  	(tag) =	ssettag $0x2  }
0x256: {  	s0 =	rddreg [dreg:$0x0];
	s2 =	stileid.u32  }
0x257: {  	s1 =	rddreg [dreg:$0x1];
	p0 =	sne.s32 s2, $0x0  }
0x258: {  	s3 =	rddreg [dreg:$0x2];
	[bflag:$0x3] =	sbarrier.arrive $0xFFFF;
	s2 =	simm.s32 @!p0 $0x1C05  }
0x259: {  	[timem:s3], [sflag:s2] =	dma.local @!p0 [hbm:s0], s1  }
0x25a: {  	s0 =	simm.s32 @!p0 $0x5  }
0x25b: {  	_ =	swait.ge @!p0 [sflag:s0], s1  }
0x25c: {  	s1 =	ssub.s32 @!p0 $0x0, s1;
	[sflag:s0] =	ssyncset.done @!p0 $0x0  }
0x25d: {  	[sflag:s0] =	ssyncadd.s32 @!p0 s1  }
0x25e: {  	[bflag:$0x3] =	sbarrier.arrive $0xFFFF  }
0x25f: {  	_ =	shalt  }

</sc_bundles>
